<compile_context>
chip_gen: v7x
topology: tpu7x:2x2x1
jax: 0.10.2.dev20260603
libtpu: 0.0.44.dev20260713+nightly
codegen_flags: <defaults>
</compile_context>

<pallas_src>
import functools

import jax
import jax.numpy as jnp
from jax import lax
from jax.experimental import pallas as pl
from jax.experimental.pallas import tpu as pltpu
from jax.experimental.pallas import tpu_sc as plsc

B = 4
N = 10000
E = 320000
D = 128

NC = 2
NS = 16
L = 16

CH = 128
G = 8
NBUF = 2
EPT = E // NS
C = -(-EPT // (CH * G)) * G
NB = C // G
TSTRIDE = (NB + 1) * G * CH
E_PAD = NS * TSTRIDE

N_PAD = 10240
ZPT = N_PAD // NS

BLK = 2000


def _sc_body(x_hbm, srcT, dstT, zrows, agg_out, deg_out, *scr):
  acc, dacc = scr[0], scr[1]
  sbufs = scr[2:4]
  dbufs = scr[4:6]
  ones_v, zbuf = scr[6], scr[7]
  rbufs = scr[8:8 + NBUF]
  gsems = scr[8 + NBUF:8 + 2 * NBUF]
  ssems = scr[8 + 2 * NBUF:8 + 3 * NBUF]
  osems = scr[8 + 3 * NBUF:8 + 4 * NBUF]
  cid = lax.axis_index("c")
  sid = lax.axis_index("s")

  @pl.loop(0, CH // L)
  def _fill_ones(i):
    ones_v[pl.ds(i * L, L)] = jnp.ones((L,), jnp.float32)

  @pl.loop(0, ZPT // L)
  def _fill_zeros(i):
    zbuf[pl.ds(i * L, L)] = jnp.zeros((L,), jnp.float32)

  def load_idx_block(blk, ib, delta):
    pltpu.sync_copy(srcT.at[pl.ds(sid * TSTRIDE + blk * (G * CH), G * CH)],
                    sbufs[ib])
    pltpu.sync_copy(dstT.at[pl.ds(sid * (NB + 1) * G + blk * G, G)],
                    dbufs[ib])

    @pl.loop(0, G * CH // L)
    def _off(i):
      sl = pl.ds(i * L, L)
      sbufs[ib][sl] = sbufs[ib][sl] + delta

  def gather(idx_slice, k):
    return pltpu.async_copy(x_hbm.at[idx_slice], rbufs[k], gsems[k])

  for b_local in range(2):
    b_glob = cid * 2 + b_local
    delta = b_glob * N

    pltpu.sync_copy(zrows, acc.at[pl.ds(sid * ZPT, ZPT)])
    if b_local == 0:
      pltpu.sync_copy(zbuf, dacc.at[pl.ds(sid * ZPT, ZPT)])

    load_idx_block(0, 0, delta)
    plsc.subcore_barrier()
    for k in range(NBUF):
      gather(sbufs[0].at[pl.ds(k * CH, CH)], k)

    @pl.loop(0, NB, step=2)
    def _blocks(g2):
      for bi in range(2):
        blk = g2 + bi
        load_idx_block(blk + 1, bi ^ 1, delta)
        for c in range(G):
          k = c % NBUF
          idx = sbufs[bi].at[pl.ds(c * CH, CH)]
          pltpu.make_async_copy(x_hbm.at[idx], rbufs[k], gsems[k]).wait()
          pltpu.async_copy(rbufs[k], acc.at[dbufs[bi].at[c]],
                           ssems[k], add=True)
          if b_local == 0:
            pltpu.async_copy(ones_v, dacc.at[dbufs[bi].at[c]],
                             osems[k], add=True)
          pltpu.make_async_copy(rbufs[k], acc.at[dbufs[bi].at[c]],
                                ssems[k]).wait()
          if b_local == 0:
            pltpu.make_async_copy(ones_v, dacc.at[dbufs[bi].at[c]],
                                  osems[k]).wait()
          if c < G - NBUF:
            nxt = sbufs[bi].at[pl.ds((c + NBUF) * CH, CH)]
          else:
            nxt = sbufs[bi ^ 1].at[pl.ds((c + NBUF - G) * CH, CH)]
          gather(nxt, k)

    for k in range(NBUF):
      pltpu.make_async_copy(x_hbm.at[sbufs[0].at[pl.ds(0, CH)]],
                            rbufs[k], gsems[k]).wait()

    plsc.subcore_barrier()
    @pl.when(sid < 10)
    def _():
      pltpu.sync_copy(acc.at[pl.ds(sid * 1000, 1000)],
                      agg_out.at[pl.ds(b_glob * N + sid * 1000, 1000)])
    if b_local == 0:
      @pl.when(jnp.logical_and(cid == 0, sid < 15))
      def _():
        pltpu.sync_copy(dacc.at[pl.ds(sid * ZPT, ZPT)], zbuf)
        pltpu.sync_copy(zbuf, deg_out.at[pl.ds(sid * ZPT, ZPT)])
      @pl.when(jnp.logical_and(cid == 0, sid == 15))
      def _():
        pltpu.sync_copy(dacc.at[pl.ds(15 * ZPT, N - 15 * ZPT)],
                        zbuf.at[pl.ds(0, N - 15 * ZPT)])
        pltpu.sync_copy(zbuf.at[pl.ds(0, N - 15 * ZPT)],
                        deg_out.at[pl.ds(15 * ZPT, N - 15 * ZPT)])
    plsc.subcore_barrier()


_sc_stage = functools.partial(
    pl.kernel,
    out_type=(
        jax.ShapeDtypeStruct((B * N, D), jnp.float32),
        jax.ShapeDtypeStruct((N,), jnp.float32),
    ),
    mesh=plsc.VectorSubcoreMesh(
        core_axis_name="c", subcore_axis_name="s",
        num_cores=NC, num_subcores=NS),
    scratch_types=[
        pltpu.VMEM_SHARED((N_PAD, D), jnp.float32),
        pltpu.VMEM_SHARED((N_PAD,), jnp.float32),
        pltpu.VMEM((G * CH,), jnp.int32),
        pltpu.VMEM((G * CH,), jnp.int32),
        pltpu.VMEM((G, CH), jnp.int32),
        pltpu.VMEM((G, CH), jnp.int32),
        pltpu.VMEM((CH,), jnp.float32),
        pltpu.VMEM((ZPT,), jnp.float32),
    ] + [pltpu.VMEM((CH, D), jnp.float32)] * NBUF
      + [pltpu.SemaphoreType.DMA] * (3 * NBUF),
)(_sc_body)


def _tc_body(x_ref, agg_ref, deg_ref, w_ref, b_ref, g_ref, be_ref, o_ref):
  deg = jnp.maximum(deg_ref[...], 1.0)
  neigh = agg_ref[...] / deg
  proj = lax.dot_general(neigh, w_ref[...], (((1,), (1,)), ((), ())),
                         preferred_element_type=jnp.float32)
  h = x_ref[...] + proj + b_ref[...]
  mu = jnp.mean(h, axis=-1, keepdims=True)
  d = h - mu
  var = jnp.mean(d * d, axis=-1, keepdims=True)
  o_ref[...] = d * lax.rsqrt(var + 1e-5) * g_ref[...] + be_ref[...]


_tc_stage = pl.pallas_call(
    _tc_body,
    grid=(B * N // BLK,),
    in_specs=[
        pl.BlockSpec((BLK, D), lambda i: (i, 0)),
        pl.BlockSpec((BLK, D), lambda i: (i, 0)),
        pl.BlockSpec((BLK, 1), lambda i: (i % (N // BLK), 0)),
        pl.BlockSpec((D, D), lambda i: (0, 0)),
        pl.BlockSpec((1, D), lambda i: (0, 0)),
        pl.BlockSpec((1, D), lambda i: (0, 0)),
        pl.BlockSpec((1, D), lambda i: (0, 0)),
    ],
    out_specs=pl.BlockSpec((BLK, D), lambda i: (i, 0)),
    out_shape=jax.ShapeDtypeStruct((B * N, D), jnp.float32),
)


def kernel(x, edge_index, W, b, gamma, beta):
  x2 = x.reshape(B * N, D)
  src = edge_index[0].astype(jnp.int32).reshape(NS, EPT)
  dst = edge_index[1].astype(jnp.int32).reshape(NS, EPT)
  padw = TSTRIDE - EPT
  srcT = jnp.pad(src, ((0, 0), (0, padw))).reshape(-1)
  dstT = jnp.pad(dst, ((0, 0), (0, padw)),
                 constant_values=N).reshape(NS * (NB + 1) * G, CH)
  zrows = jnp.zeros((ZPT, D), jnp.float32)

  agg, deg = _sc_stage(x2, srcT, dstT, zrows)

  out = _tc_stage(x2, agg, deg.reshape(N, 1), W,
                  b.reshape(1, D), gamma.reshape(1, D), beta.reshape(1, D))
  return out.reshape(B, N, D)

# --- scband reference (transcript-rebuilt; emitter-appended) ---
"""Pipeline reference for scband-topology-gcnlayer-29927332118861 (READ-ONLY COPY).

The authoritative reference and input builder live on the scoring server;
editing this copy changes nothing except your own understanding.
"""

import jax, jax.numpy as jnp
import numpy as np

B = 4
N_NODES = 10000
N_EDGES = 320000
D = 128


def setup_inputs(seed: int = 0) -> dict:
    key = jax.random.key(seed)
    k1, k2, k3 = jax.random.split(key, 3)
    x = jax.random.normal(k1, (B, N_NODES, D), dtype=jnp.float32)
    edge_index = jax.random.randint(k2, (2, N_EDGES), 0, N_NODES)
    # Learned parameters (proj: Linear(emb_dim, emb_dim), ln: LayerNorm(emb_dim))
    W = jax.random.normal(k3, (D, D), dtype=jnp.float32) * (1.0 / np.sqrt(D))
    b = jnp.zeros((D,), dtype=jnp.float32)
    gamma = jnp.ones((D,), dtype=jnp.float32)
    beta = jnp.zeros((D,), dtype=jnp.float32)
    return {"x": x, "edge_index": edge_index, "W": W, "b": b, "gamma": gamma, "beta": beta}


def reference(x, edge_index, W, b, gamma, beta):
    # X' = LN(x + Linear(mean_neighbors(x))); dropout is identity (p=0 / eval)
    src = edge_index[0]
    dst = edge_index[1]
    n_nodes = x.shape[1]
    gathered = x[:, src, :]                                   # gather over node axis
    agg = jnp.zeros_like(x).at[:, dst, :].add(gathered)       # scatter-add
    deg = jnp.zeros((n_nodes,), dtype=x.dtype).at[dst].add(jnp.ones_like(dst, dtype=x.dtype))
    deg = jnp.clip(deg, 1.0, None).reshape(1, n_nodes, 1)
    neigh = agg / deg
    proj = neigh @ W.T + b
    h = x + proj
    mu = jnp.mean(h, axis=-1, keepdims=True)
    var = jnp.var(h, axis=-1, keepdims=True)
    out = (h - mu) / jnp.sqrt(var + 1e-5) * gamma + beta
    return out

if __name__ == "__main__":
    import jax
    _d = setup_inputs()
    print(jax.jit(kernel)(*tuple(_d.values())))

</pallas_src>

<mosaic_0001>
#map = affine_map<(d0, d1) -> (0, 0)>
#map1 = affine_map<(d0, d1) -> (0)>
module attributes {stable_mosaic.version = 14 : i64} {
  func.func @_sc_body(%arg0: i32, %arg1: i32, %arg2: memref<40000x128xf32, #tpu.memory_space<hbm>>, %arg3: memref<344064xi32, #tpu.memory_space<hbm>>, %arg4: memref<2688x128xi32, #tpu.memory_space<hbm>>, %arg5: memref<640x128xf32, #tpu.memory_space<hbm>>, %arg6: memref<40000x128xf32, #tpu.memory_space<hbm>>, %arg7: memref<10000xf32, #tpu.memory_space<hbm>>, %arg8: memref<10240x128xf32, #tpu.memory_space<vmem_shared>>, %arg9: memref<10240xf32, #tpu.memory_space<vmem_shared>>, %arg10: memref<1024xi32, #tpu.memory_space<vmem>>, %arg11: memref<1024xi32, #tpu.memory_space<vmem>>, %arg12: memref<8x128xi32, #tpu.memory_space<vmem>>, %arg13: memref<8x128xi32, #tpu.memory_space<vmem>>, %arg14: memref<128xf32, #tpu.memory_space<vmem>>, %arg15: memref<640xf32, #tpu.memory_space<vmem>>, %arg16: memref<128x128xf32, #tpu.memory_space<vmem>>, %arg17: memref<128x128xf32, #tpu.memory_space<vmem>>, %arg18: memref<!tpu.dma_semaphore, #tpu.memory_space<semaphore_mem>>, %arg19: memref<!tpu.dma_semaphore, #tpu.memory_space<semaphore_mem>>, %arg20: memref<!tpu.dma_semaphore, #tpu.memory_space<semaphore_mem>>, %arg21: memref<!tpu.dma_semaphore, #tpu.memory_space<semaphore_mem>>, %arg22: memref<!tpu.dma_semaphore, #tpu.memory_space<semaphore_mem>>, %arg23: memref<!tpu.dma_semaphore, #tpu.memory_space<semaphore_mem>>) attributes {dimension_semantics = [#tpu.dimension_semantics<core_parallel>, #tpu.dimension_semantics<subcore_parallel>], iteration_bounds = array<i64: 2, 16>, scalar_prefetch = 0 : i64, scratch_operands = 16 : i64, tpu.core_type = #tpu.core_type<sc_vector_subcore>, window_params = [{transform_indices = #map}, {transform_indices = #map1}, {transform_indices = #map}, {transform_indices = #map}, {transform_indices = #map}, {transform_indices = #map1}]} {
    %scan3A = arith.constant 0 : i32
    %scan3A_0 = arith.constant 8 : i32
    %scan3A_1 = arith.addi %scan3A, %scan3A_0 : i32
    %scan3A_2 = arith.constant 1 : i32
    scf.for %scan3A_129 = %scan3A to %scan3A_1 step %scan3A_2  : i32 {
      %mul3A_130 = arith.constant 1 : i32
      %mul3A_131 = arith.muli %scan3A_129, %mul3A_130 : i32
      %add3A_132 = arith.constant 0 : i32
      %add3A_133 = arith.addi %add3A_132, %mul3A_131 : i32
      %broadcast_in_dim3A = arith.constant 1.000000e+00 : f32
      %broadcast_in_dim3A_134 = vector.broadcast %broadcast_in_dim3A : f32 to vector<16xf32>
      %mul3A_135 = arith.constant 16 : i32
      %mul3A_136 = arith.muli %add3A_133, %mul3A_135 : i32
      %swap3A = arith.index_cast %mul3A_136 : i32 to index
      %swap3A_137 = tpu.vector_load %arg14[%swap3A] {strides = array<i32>} : memref<128xf32, #tpu.memory_space<vmem>>, vector<16xf32>,
      %swap3A_138 = vector.shape_cast %swap3A_137 : vector<16xf32> to vector<16xf32>
      %swap3A_139 = vector.shape_cast %broadcast_in_dim3A_134 : vector<16xf32> to vector<16xf32>
      tpu.vector_store %arg14[%swap3A], %swap3A_139 {strides = array<i32>} : memref<128xf32, #tpu.memory_space<vmem>>, vector<16xf32>,
    }
    %scan3A_3 = arith.constant 8 : i32
    %scan3A_4 = arith.constant 0 : i32
    %scan3A_5 = arith.constant 40 : i32
    %scan3A_6 = arith.addi %scan3A_4, %scan3A_5 : i32
    %scan3A_7 = arith.constant 1 : i32
    scf.for %scan3A_129 = %scan3A_4 to %scan3A_6 step %scan3A_7  : i32 {
      %mul3A_130 = arith.constant 1 : i32
      %mul3A_131 = arith.muli %scan3A_129, %mul3A_130 : i32
      %add3A_132 = arith.constant 0 : i32
      %add3A_133 = arith.addi %add3A_132, %mul3A_131 : i32
      %broadcast_in_dim3A = arith.constant 0.000000e+00 : f32
      %broadcast_in_dim3A_134 = vector.broadcast %broadcast_in_dim3A : f32 to vector<16xf32>
      %mul3A_135 = arith.constant 16 : i32
      %mul3A_136 = arith.muli %add3A_133, %mul3A_135 : i32
      %swap3A = arith.index_cast %mul3A_136 : i32 to index
      %swap3A_137 = tpu.vector_load %arg15[%swap3A] {strides = array<i32>} : memref<640xf32, #tpu.memory_space<vmem>>, vector<16xf32>,
      %swap3A_138 = vector.shape_cast %swap3A_137 : vector<16xf32> to vector<16xf32>
      %swap3A_139 = vector.shape_cast %broadcast_in_dim3A_134 : vector<16xf32> to vector<16xf32>
      tpu.vector_store %arg15[%swap3A], %swap3A_139 {strides = array<i32>} : memref<640xf32, #tpu.memory_space<vmem>>, vector<16xf32>,
    }
    %scan3A_8 = arith.constant 40 : i32
    %mul3A = arith.constant 2 : i32
    %mul3A_9 = arith.muli %arg0, %mul3A : i32
    %add3A = arith.constant 0 : i32
    %add3A_10 = arith.addi %mul3A_9, %add3A : i32
    %mul3A_11 = arith.constant 10000 : i32
    %mul3A_12 = arith.muli %add3A_10, %mul3A_11 : i32
    %mul3A_13 = arith.constant 640 : i32
    %mul3A_14 = arith.muli %arg1, %mul3A_13 : i32
    "tpu.region"() ({
      %run_scoped3A = tpu.sem_alloc : memref<!tpu.dma_semaphore, #tpu.memory_space<semaphore_mem>>
      %dma_start3A_129 = arith.constant 0 : i32
      %dma_start3A_130 = tpu.memref_slice %arg8[%mul3A_14, %dma_start3A_129] : memref<10240x128xf32, #tpu.memory_space<vmem_shared>> -> memref<640x128xf32, #tpu.memory_space<vmem_shared>>
      tpu.enqueue_dma source(%arg5 : memref<640x128xf32, #tpu.memory_space<hbm>>) target(%dma_start3A_130 : memref<640x128xf32, #tpu.memory_space<vmem_shared>>) target_semaphore(%run_scoped3A : memref<!tpu.dma_semaphore, #tpu.memory_space<semaphore_mem>>)
      %dma_wait3A_131 = arith.constant 0 : i32
      %dma_wait3A_132 = tpu.memref_slice %arg8[%mul3A_14, %dma_wait3A_131] : memref<10240x128xf32, #tpu.memory_space<vmem_shared>> -> memref<640x128xf32, #tpu.memory_space<vmem_shared>>
      tpu.wait_dma2 semaphore(%run_scoped3A : memref<!tpu.dma_semaphore, #tpu.memory_space<semaphore_mem>>) src(%arg5 : memref<640x128xf32, #tpu.memory_space<hbm>>) dst(%dma_wait3A_132 : memref<640x128xf32, #tpu.memory_space<vmem_shared>>)
      tpu.yield
    }) : () -> ()
    %mul3A_15 = arith.constant 640 : i32
    %mul3A_16 = arith.muli %arg1, %mul3A_15 : i32
    "tpu.region"() ({
      %run_scoped3A = tpu.sem_alloc : memref<!tpu.dma_semaphore, #tpu.memory_space<semaphore_mem>>
      %dma_start3A_129 = tpu.memref_slice %arg9[%mul3A_16] : memref<10240xf32, #tpu.memory_space<vmem_shared>> -> memref<640xf32, #tpu.memory_space<vmem_shared>>
      %dma_start3A_130 = tpu.memref_slice %arg9[%mul3A_16] : memref<10240xf32, #tpu.memory_space<vmem_shared>> -> memref<640xf32, #tpu.memory_space<vmem_shared>>
      tpu.enqueue_dma source(%arg15 : memref<640xf32, #tpu.memory_space<vmem>>) target(%dma_start3A_130 : memref<640xf32, #tpu.memory_space<vmem_shared>>) target_semaphore(%run_scoped3A : memref<!tpu.dma_semaphore, #tpu.memory_space<semaphore_mem>>)
      %dma_wait3A_131 = tpu.memref_slice %arg9[%mul3A_16] : memref<10240xf32, #tpu.memory_space<vmem_shared>> -> memref<640xf32, #tpu.memory_space<vmem_shared>>
      %dma_wait3A_132 = tpu.memref_slice %arg9[%mul3A_16] : memref<10240xf32, #tpu.memory_space<vmem_shared>> -> memref<640xf32, #tpu.memory_space<vmem_shared>>
      tpu.wait_dma2 semaphore(%run_scoped3A : memref<!tpu.dma_semaphore, #tpu.memory_space<semaphore_mem>>) src(%arg15 : memref<640xf32, #tpu.memory_space<vmem>>) dst(%dma_wait3A_132 : memref<640xf32, #tpu.memory_space<vmem_shared>>)
      tpu.yield
    }) : () -> ()
    %mul3A_17 = arith.constant 21504 : i32
    %mul3A_18 = arith.muli %arg1, %mul3A_17 : i32
    %add3A_19 = arith.constant 0 : i32
    %add3A_20 = arith.addi %mul3A_18, %add3A_19 : i32
    "tpu.region"() ({
      %run_scoped3A = tpu.sem_alloc : memref<!tpu.dma_semaphore, #tpu.memory_space<semaphore_mem>>
      %dma_start3A_129 = tpu.memref_slice %arg3[%add3A_20] : memref<344064xi32, #tpu.memory_space<hbm>> -> memref<1024xi32, #tpu.memory_space<hbm>>
      %dma_start3A_130 = tpu.memref_slice %arg3[%add3A_20] : memref<344064xi32, #tpu.memory_space<hbm>> -> memref<1024xi32, #tpu.memory_space<hbm>>
      tpu.enqueue_dma source(%dma_start3A_130 : memref<1024xi32, #tpu.memory_space<hbm>>) target(%arg10 : memref<1024xi32, #tpu.memory_space<vmem>>) target_semaphore(%run_scoped3A : memref<!tpu.dma_semaphore, #tpu.memory_space<semaphore_mem>>)
      %dma_wait3A_131 = tpu.memref_slice %arg3[%add3A_20] : memref<344064xi32, #tpu.memory_space<hbm>> -> memref<1024xi32, #tpu.memory_space<hbm>>
      %dma_wait3A_132 = tpu.memref_slice %arg3[%add3A_20] : memref<344064xi32, #tpu.memory_space<hbm>> -> memref<1024xi32, #tpu.memory_space<hbm>>
      tpu.wait_dma2 semaphore(%run_scoped3A : memref<!tpu.dma_semaphore, #tpu.memory_space<semaphore_mem>>) src(%dma_wait3A_132 : memref<1024xi32, #tpu.memory_space<hbm>>) dst(%arg10 : memref<1024xi32, #tpu.memory_space<vmem>>)
      tpu.yield
    }) : () -> ()
    %mul3A_21 = arith.constant 21 : i32
    %mul3A_22 = arith.muli %arg1, %mul3A_21 : i32
    %mul3A_23 = arith.constant 8 : i32
    %mul3A_24 = arith.muli %mul3A_22, %mul3A_23 : i32
    %add3A_25 = arith.constant 0 : i32
    %add3A_26 = arith.addi %mul3A_24, %add3A_25 : i32
    "tpu.region"() ({
      %run_scoped3A = tpu.sem_alloc : memref<!tpu.dma_semaphore, #tpu.memory_space<semaphore_mem>>
      %dma_start3A_129 = arith.constant 0 : i32
      %dma_start3A_130 = tpu.memref_slice %arg4[%add3A_26, %dma_start3A_129] : memref<2688x128xi32, #tpu.memory_space<hbm>> -> memref<8x128xi32, #tpu.memory_space<hbm>>
      %dma_start3A_131 = arith.constant 0 : i32
      %dma_start3A_132 = tpu.memref_slice %arg4[%add3A_26, %dma_start3A_131] : memref<2688x128xi32, #tpu.memory_space<hbm>> -> memref<8x128xi32, #tpu.memory_space<hbm>>
      tpu.enqueue_dma source(%dma_start3A_132 : memref<8x128xi32, #tpu.memory_space<hbm>>) target(%arg12 : memref<8x128xi32, #tpu.memory_space<vmem>>) target_semaphore(%run_scoped3A : memref<!tpu.dma_semaphore, #tpu.memory_space<semaphore_mem>>)
      %dma_wait3A_133 = arith.constant 0 : i32
      %dma_wait3A_134 = tpu.memref_slice %arg4[%add3A_26, %dma_wait3A_133] : memref<2688x128xi32, #tpu.memory_space<hbm>> -> memref<8x128xi32, #tpu.memory_space<hbm>>
      %dma_wait3A_135 = arith.constant 0 : i32
      %dma_wait3A_136 = tpu.memref_slice %arg4[%add3A_26, %dma_wait3A_135] : memref<2688x128xi32, #tpu.memory_space<hbm>> -> memref<8x128xi32, #tpu.memory_space<hbm>>
      tpu.wait_dma2 semaphore(%run_scoped3A : memref<!tpu.dma_semaphore, #tpu.memory_space<semaphore_mem>>) src(%dma_wait3A_136 : memref<8x128xi32, #tpu.memory_space<hbm>>) dst(%arg12 : memref<8x128xi32, #tpu.memory_space<vmem>>)
      tpu.yield
    }) : () -> ()
    %scan3A_27 = arith.constant 0 : i32
    %scan3A_28 = arith.constant 64 : i32
    %scan3A_29 = arith.addi %scan3A_27, %scan3A_28 : i32
    %scan3A_30 = arith.constant 1 : i32
    scf.for %scan3A_129 = %scan3A_27 to %scan3A_29 step %scan3A_30  : i32 {
      %mul3A_130 = arith.constant 1 : i32
      %mul3A_131 = arith.muli %scan3A_129, %mul3A_130 : i32
      %add3A_132 = arith.constant 0 : i32
      %add3A_133 = arith.addi %add3A_132, %mul3A_131 : i32
      %mul3A_134 = arith.constant 16 : i32
      %mul3A_135 = arith.muli %add3A_133, %mul3A_134 : i32
      %get3A = arith.index_cast %mul3A_135 : i32 to index
      %get3A_136 = tpu.vector_load %arg10[%get3A] {strides = array<i32>} : memref<1024xi32, #tpu.memory_space<vmem>>, vector<16xi32>,
      %get3A_137 = vector.shape_cast %get3A_136 : vector<16xi32> to vector<16xi32>
      %add3A_138 = vector.broadcast %mul3A_12 : i32 to vector<16xi32>
      %add3A_139 = arith.addi %get3A_137, %add3A_138 : vector<16xi32>
      %swap3A = arith.index_cast %mul3A_135 : i32 to index
      %swap3A_140 = tpu.vector_load %arg10[%swap3A] {strides = array<i32>} : memref<1024xi32, #tpu.memory_space<vmem>>, vector<16xi32>,
      %swap3A_141 = vector.shape_cast %swap3A_140 : vector<16xi32> to vector<16xi32>
      %swap3A_142 = vector.shape_cast %add3A_139 : vector<16xi32> to vector<16xi32>
      tpu.vector_store %arg10[%swap3A], %swap3A_142 {strides = array<i32>} : memref<1024xi32, #tpu.memory_space<vmem>>, vector<16xi32>,
    }
    %scan3A_31 = arith.constant 64 : i32
    %barrier3A = arith.constant 0 : index
    tpu.barrier barrier_id(%barrier3A)
    %dma_start3A = arith.constant 0 : i32
    %dma_start3A_32 = tpu.memref_slice %arg10[%dma_start3A] : memref<1024xi32, #tpu.memory_space<vmem>> -> memref<128xi32, #tpu.memory_space<vmem>>
    %dma_start3A_33 = arith.constant 0 : i32
    %dma_start3A_34 = arith.constant 0 : i32
    %dma_start3A_35 = tpu.memref_slice %arg2[%dma_start3A_33, %dma_start3A_34] : memref<40000x128xf32, #tpu.memory_space<hbm>> -> memref<40000x128xf32, #tpu.memory_space<hbm>>
    tpu.enqueue_indirect_dma source(%dma_start3A_35 : memref<40000x128xf32, #tpu.memory_space<hbm>>) target(%arg16 : memref<128x128xf32, #tpu.memory_space<vmem>>) offsets(%dma_start3A_32 : memref<128xi32, #tpu.memory_space<vmem>>) semaphore(%arg18 : memref<!tpu.dma_semaphore, #tpu.memory_space<semaphore_mem>>)
    %dma_start3A_36 = arith.constant 128 : i32
    %dma_start3A_37 = tpu.memref_slice %arg10[%dma_start3A_36] : memref<1024xi32, #tpu.memory_space<vmem>> -> memref<128xi32, #tpu.memory_space<vmem>>
    %dma_start3A_38 = arith.constant 0 : i32
    %dma_start3A_39 = arith.constant 0 : i32
    %dma_start3A_40 = tpu.memref_slice %arg2[%dma_start3A_38, %dma_start3A_39] : memref<40000x128xf32, #tpu.memory_space<hbm>> -> memref<40000x128xf32, #tpu.memory_space<hbm>>
    tpu.enqueue_indirect_dma source(%dma_start3A_40 : memref<40000x128xf32, #tpu.memory_space<hbm>>) target(%arg17 : memref<128x128xf32, #tpu.memory_space<vmem>>) offsets(%dma_start3A_37 : memref<128xi32, #tpu.memory_space<vmem>>) semaphore(%arg19 : memref<!tpu.dma_semaphore, #tpu.memory_space<semaphore_mem>>)
    %scan3A_41 = arith.constant 0 : i32
    %scan3A_42 = arith.constant 10 : i32
    %scan3A_43 = arith.addi %scan3A_41, %scan3A_42 : i32
    %scan3A_44 = arith.constant 1 : i32
    scf.for %scan3A_129 = %scan3A_41 to %scan3A_43 step %scan3A_44  : i32 {
      %mul3A_130 = arith.constant 2 : i32
      %mul3A_131 = arith.muli %scan3A_129, %mul3A_130 : i32
      %add3A_132 = arith.constant 0 : i32
      %add3A_133 = arith.addi %add3A_132, %mul3A_131 : i32
      %add3A_134 = arith.constant 0 : i32
      %add3A_135 = arith.addi %add3A_133, %add3A_134 : i32
      %add3A_136 = arith.constant 1 : i32
      %add3A_137 = arith.addi %add3A_135, %add3A_136 : i32
      %mul3A_138 = arith.constant 21504 : i32
      %mul3A_139 = arith.muli %arg1, %mul3A_138 : i32
      %mul3A_140 = arith.constant 1024 : i32
      %mul3A_141 = arith.muli %add3A_137, %mul3A_140 : i32
      %add3A_142 = arith.addi %mul3A_139, %mul3A_141 : i32
      "tpu.region"() ({
        %run_scoped3A = tpu.sem_alloc : memref<!tpu.dma_semaphore, #tpu.memory_space<semaphore_mem>>
        %dma_start3A_752 = tpu.memref_slice %arg3[%add3A_142] : memref<344064xi32, #tpu.memory_space<hbm>> -> memref<1024xi32, #tpu.memory_space<hbm>>
        %dma_start3A_753 = tpu.memref_slice %arg3[%add3A_142] : memref<344064xi32, #tpu.memory_space<hbm>> -> memref<1024xi32, #tpu.memory_space<hbm>>
        tpu.enqueue_dma source(%dma_start3A_753 : memref<1024xi32, #tpu.memory_space<hbm>>) target(%arg11 : memref<1024xi32, #tpu.memory_space<vmem>>) target_semaphore(%run_scoped3A : memref<!tpu.dma_semaphore, #tpu.memory_space<semaphore_mem>>)
        %dma_wait3A_754 = tpu.memref_slice %arg3[%add3A_142] : memref<344064xi32, #tpu.memory_space<hbm>> -> memref<1024xi32, #tpu.memory_space<hbm>>
        %dma_wait3A_755 = tpu.memref_slice %arg3[%add3A_142] : memref<344064xi32, #tpu.memory_space<hbm>> -> memref<1024xi32, #tpu.memory_space<hbm>>
        tpu.wait_dma2 semaphore(%run_scoped3A : memref<!tpu.dma_semaphore, #tpu.memory_space<semaphore_mem>>) src(%dma_wait3A_755 : memref<1024xi32, #tpu.memory_space<hbm>>) dst(%arg11 : memref<1024xi32, #tpu.memory_space<vmem>>)
        tpu.yield
      }) : () -> ()
      %mul3A_143 = arith.constant 21 : i32
      %mul3A_144 = arith.muli %arg1, %mul3A_143 : i32
      %mul3A_145 = arith.constant 8 : i32
      %mul3A_146 = arith.muli %mul3A_144, %mul3A_145 : i32
      %mul3A_147 = arith.constant 8 : i32
      %mul3A_148 = arith.muli %add3A_137, %mul3A_147 : i32
      %add3A_149 = arith.addi %mul3A_146, %mul3A_148 : i32
      "tpu.region"() ({
        %run_scoped3A = tpu.sem_alloc : memref<!tpu.dma_semaphore, #tpu.memory_space<semaphore_mem>>
        %dma_start3A_752 = arith.constant 0 : i32
        %dma_start3A_753 = tpu.memref_slice %arg4[%add3A_149, %dma_start3A_752] : memref<2688x128xi32, #tpu.memory_space<hbm>> -> memref<8x128xi32, #tpu.memory_space<hbm>>
        %dma_start3A_754 = arith.constant 0 : i32
        %dma_start3A_755 = tpu.memref_slice %arg4[%add3A_149, %dma_start3A_754] : memref<2688x128xi32, #tpu.memory_space<hbm>> -> memref<8x128xi32, #tpu.memory_space<hbm>>
        tpu.enqueue_dma source(%dma_start3A_755 : memref<8x128xi32, #tpu.memory_space<hbm>>) target(%arg13 : memref<8x128xi32, #tpu.memory_space<vmem>>) target_semaphore(%run_scoped3A : memref<!tpu.dma_semaphore, #tpu.memory_space<semaphore_mem>>)
        %dma_wait3A_756 = arith.constant 0 : i32
        %dma_wait3A_757 = tpu.memref_slice %arg4[%add3A_149, %dma_wait3A_756] : memref<2688x128xi32, #tpu.memory_space<hbm>> -> memref<8x128xi32, #tpu.memory_space<hbm>>
        %dma_wait3A_758 = arith.constant 0 : i32
        %dma_wait3A_759 = tpu.memref_slice %arg4[%add3A_149, %dma_wait3A_758] : memref<2688x128xi32, #tpu.memory_space<hbm>> -> memref<8x128xi32, #tpu.memory_space<hbm>>
        tpu.wait_dma2 semaphore(%run_scoped3A : memref<!tpu.dma_semaphore, #tpu.memory_space<semaphore_mem>>) src(%dma_wait3A_759 : memref<8x128xi32, #tpu.memory_space<hbm>>) dst(%arg13 : memref<8x128xi32, #tpu.memory_space<vmem>>)
        tpu.yield
      }) : () -> ()
      %scan3A_150 = arith.constant 0 : i32
      %scan3A_151 = arith.constant 64 : i32
      %scan3A_152 = arith.addi %scan3A_150, %scan3A_151 : i32
      %scan3A_153 = arith.constant 1 : i32
      scf.for %scan3A_752 = %scan3A_150 to %scan3A_152 step %scan3A_153  : i32 {
        %mul3A_753 = arith.constant 1 : i32
        %mul3A_754 = arith.muli %scan3A_752, %mul3A_753 : i32
        %add3A_755 = arith.constant 0 : i32
        %add3A_756 = arith.addi %add3A_755, %mul3A_754 : i32
        %mul3A_757 = arith.constant 16 : i32
        %mul3A_758 = arith.muli %add3A_756, %mul3A_757 : i32
        %get3A = arith.index_cast %mul3A_758 : i32 to index
        %get3A_759 = tpu.vector_load %arg11[%get3A] {strides = array<i32>} : memref<1024xi32, #tpu.memory_space<vmem>>, vector<16xi32>,
        %get3A_760 = vector.shape_cast %get3A_759 : vector<16xi32> to vector<16xi32>
        %add3A_761 = vector.broadcast %mul3A_12 : i32 to vector<16xi32>
        %add3A_762 = arith.addi %get3A_760, %add3A_761 : vector<16xi32>
        %swap3A = arith.index_cast %mul3A_758 : i32 to index
        %swap3A_763 = tpu.vector_load %arg11[%swap3A] {strides = array<i32>} : memref<1024xi32, #tpu.memory_space<vmem>>, vector<16xi32>,
        %swap3A_764 = vector.shape_cast %swap3A_763 : vector<16xi32> to vector<16xi32>
        %swap3A_765 = vector.shape_cast %add3A_762 : vector<16xi32> to vector<16xi32>
        tpu.vector_store %arg11[%swap3A], %swap3A_765 {strides = array<i32>} : memref<1024xi32, #tpu.memory_space<vmem>>, vector<16xi32>,
      }
      %scan3A_154 = arith.constant 64 : i32
      %dma_wait3A_155 = arith.constant 0 : i32
      %dma_wait3A_156 = tpu.memref_slice %arg10[%dma_wait3A_155] : memref<1024xi32, #tpu.memory_space<vmem>> -> memref<128xi32, #tpu.memory_space<vmem>>
      %dma_wait3A_157 = arith.constant 0 : i32
      %dma_wait3A_158 = arith.constant 0 : i32
      %dma_wait3A_159 = tpu.memref_slice %arg2[%dma_wait3A_157, %dma_wait3A_158] : memref<40000x128xf32, #tpu.memory_space<hbm>> -> memref<40000x128xf32, #tpu.memory_space<hbm>>
      tpu.wait_indirect_dma semaphore(%arg18 : memref<!tpu.dma_semaphore, #tpu.memory_space<semaphore_mem>>) src(%dma_wait3A_159 : memref<40000x128xf32, #tpu.memory_space<hbm>>) dst(%arg16 : memref<128x128xf32, #tpu.memory_space<vmem>>)
      %dma_start3A_160 = arith.constant 0 : i32
      %dma_start3A_161 = arith.constant 0 : i32
      %dma_start3A_162 = tpu.memref_slice %arg12[%dma_start3A_160, %dma_start3A_161] : memref<8x128xi32, #tpu.memory_space<vmem>> -> memref<1x128xi32, #tpu.memory_space<vmem>>
      %dma_start3A_163 = tpu.memref_squeeze %dma_start3A_162 : memref<1x128xi32, #tpu.memory_space<vmem>> -> memref<128xi32, #tpu.memory_space<vmem>>
      %dma_start3A_164 = arith.constant 0 : i32
      %dma_start3A_165 = arith.constant 0 : i32
      %dma_start3A_166 = tpu.memref_slice %arg8[%dma_start3A_164, %dma_start3A_165] : memref<10240x128xf32, #tpu.memory_space<vmem_shared>> -> memref<10240x128xf32, #tpu.memory_space<vmem_shared>>
      tpu.enqueue_indirect_dma source(%arg16 : memref<128x128xf32, #tpu.memory_space<vmem>>) target(%dma_start3A_166 : memref<10240x128xf32, #tpu.memory_space<vmem_shared>>) offsets(%dma_start3A_163 : memref<128xi32, #tpu.memory_space<vmem>>) semaphore(%arg20 : memref<!tpu.dma_semaphore, #tpu.memory_space<semaphore_mem>>) {add = true}
      %dma_start3A_167 = arith.constant 0 : i32
      %dma_start3A_168 = arith.constant 0 : i32
      %dma_start3A_169 = tpu.memref_slice %arg12[%dma_start3A_167, %dma_start3A_168] : memref<8x128xi32, #tpu.memory_space<vmem>> -> memref<1x128xi32, #tpu.memory_space<vmem>>
      %dma_start3A_170 = tpu.memref_squeeze %dma_start3A_169 : memref<1x128xi32, #tpu.memory_space<vmem>> -> memref<128xi32, #tpu.memory_space<vmem>>
      %dma_start3A_171 = arith.constant 0 : i32
      %dma_start3A_172 = tpu.memref_slice %arg9[%dma_start3A_171] : memref<10240xf32, #tpu.memory_space<vmem_shared>> -> memref<10240xf32, #tpu.memory_space<vmem_shared>>
      tpu.enqueue_indirect_dma source(%arg14 : memref<128xf32, #tpu.memory_space<vmem>>) target(%dma_start3A_172 : memref<10240xf32, #tpu.memory_space<vmem_shared>>) offsets(%dma_start3A_170 : memref<128xi32, #tpu.memory_space<vmem>>) semaphore(%arg22 : memref<!tpu.dma_semaphore, #tpu.memory_space<semaphore_mem>>) {add = true}
      %dma_wait3A_173 = arith.constant 0 : i32
      %dma_wait3A_174 = arith.constant 0 : i32
      %dma_wait3A_175 = tpu.memref_slice %arg12[%dma_wait3A_173, %dma_wait3A_174] : memref<8x128xi32, #tpu.memory_space<vmem>> -> memref<1x128xi32, #tpu.memory_space<vmem>>
      %dma_wait3A_176 = tpu.memref_squeeze %dma_wait3A_175 : memref<1x128xi32, #tpu.memory_space<vmem>> -> memref<128xi32, #tpu.memory_space<vmem>>
      %dma_wait3A_177 = arith.constant 0 : i32
      %dma_wait3A_178 = arith.constant 0 : i32
      %dma_wait3A_179 = tpu.memref_slice %arg8[%dma_wait3A_177, %dma_wait3A_178] : memref<10240x128xf32, #tpu.memory_space<vmem_shared>> -> memref<10240x128xf32, #tpu.memory_space<vmem_shared>>
      tpu.wait_indirect_dma semaphore(%arg20 : memref<!tpu.dma_semaphore, #tpu.memory_space<semaphore_mem>>) src(%arg16 : memref<128x128xf32, #tpu.memory_space<vmem>>) dst(%dma_wait3A_179 : memref<10240x128xf32, #tpu.memory_space<vmem_shared>>)
      %dma_wait3A_180 = arith.constant 0 : i32
      %dma_wait3A_181 = arith.constant 0 : i32
      %dma_wait3A_182 = tpu.memref_slice %arg12[%dma_wait3A_180, %dma_wait3A_181] : memref<8x128xi32, #tpu.memory_space<vmem>> -> memref<1x128xi32, #tpu.memory_space<vmem>>
      %dma_wait3A_183 = tpu.memref_squeeze %dma_wait3A_182 : memref<1x128xi32, #tpu.memory_space<vmem>> -> memref<128xi32, #tpu.memory_space<vmem>>
      %dma_wait3A_184 = arith.constant 0 : i32
      %dma_wait3A_185 = tpu.memref_slice %arg9[%dma_wait3A_184] : memref<10240xf32, #tpu.memory_space<vmem_shared>> -> memref<10240xf32, #tpu.memory_space<vmem_shared>>
      tpu.wait_indirect_dma semaphore(%arg22 : memref<!tpu.dma_semaphore, #tpu.memory_space<semaphore_mem>>) src(%arg14 : memref<128xf32, #tpu.memory_space<vmem>>) dst(%dma_wait3A_185 : memref<10240xf32, #tpu.memory_space<vmem_shared>>)
      %dma_start3A_186 = arith.constant 256 : i32
      %dma_start3A_187 = tpu.memref_slice %arg10[%dma_start3A_186] : memref<1024xi32, #tpu.memory_space<vmem>> -> memref<128xi32, #tpu.memory_space<vmem>>
      %dma_start3A_188 = arith.constant 0 : i32
      %dma_start3A_189 = arith.constant 0 : i32
      %dma_start3A_190 = tpu.memref_slice %arg2[%dma_start3A_188, %dma_start3A_189] : memref<40000x128xf32, #tpu.memory_space<hbm>> -> memref<40000x128xf32, #tpu.memory_space<hbm>>
      tpu.enqueue_indirect_dma source(%dma_start3A_190 : memref<40000x128xf32, #tpu.memory_space<hbm>>) target(%arg16 : memref<128x128xf32, #tpu.memory_space<vmem>>) offsets(%dma_start3A_187 : memref<128xi32, #tpu.memory_space<vmem>>) semaphore(%arg18 : memref<!tpu.dma_semaphore, #tpu.memory_space<semaphore_mem>>)
      %dma_wait3A_191 = arith.constant 128 : i32
      %dma_wait3A_192 = tpu.memref_slice %arg10[%dma_wait3A_191] : memref<1024xi32, #tpu.memory_space<vmem>> -> memref<128xi32, #tpu.memory_space<vmem>>
      %dma_wait3A_193 = arith.constant 0 : i32
      %dma_wait3A_194 = arith.constant 0 : i32
      %dma_wait3A_195 = tpu.memref_slice %arg2[%dma_wait3A_193, %dma_wait3A_194] : memref<40000x128xf32, #tpu.memory_space<hbm>> -> memref<40000x128xf32, #tpu.memory_space<hbm>>
      tpu.wait_indirect_dma semaphore(%arg19 : memref<!tpu.dma_semaphore, #tpu.memory_space<semaphore_mem>>) src(%dma_wait3A_195 : memref<40000x128xf32, #tpu.memory_space<hbm>>) dst(%arg17 : memref<128x128xf32, #tpu.memory_space<vmem>>)
      %dma_start3A_196 = arith.constant 1 : i32
      %dma_start3A_197 = arith.constant 0 : i32
      %dma_start3A_198 = tpu.memref_slice %arg12[%dma_start3A_196, %dma_start3A_197] : memref<8x128xi32, #tpu.memory_space<vmem>> -> memref<1x128xi32, #tpu.memory_space<vmem>>
      %dma_start3A_199 = tpu.memref_squeeze %dma_start3A_198 : memref<1x128xi32, #tpu.memory_space<vmem>> -> memref<128xi32, #tpu.memory_space<vmem>>
      %dma_start3A_200 = arith.constant 0 : i32
      %dma_start3A_201 = arith.constant 0 : i32
      %dma_start3A_202 = tpu.memref_slice %arg8[%dma_start3A_200, %dma_start3A_201] : memref<10240x128xf32, #tpu.memory_space<vmem_shared>> -> memref<10240x128xf32, #tpu.memory_space<vmem_shared>>
      tpu.enqueue_indirect_dma source(%arg17 : memref<128x128xf32, #tpu.memory_space<vmem>>) target(%dma_start3A_202 : memref<10240x128xf32, #tpu.memory_space<vmem_shared>>) offsets(%dma_start3A_199 : memref<128xi32, #tpu.memory_space<vmem>>) semaphore(%arg21 : memref<!tpu.dma_semaphore, #tpu.memory_space<semaphore_mem>>) {add = true}
      %dma_start3A_203 = arith.constant 1 : i32
      %dma_start3A_204 = arith.constant 0 : i32
      %dma_start3A_205 = tpu.memref_slice %arg12[%dma_start3A_203, %dma_start3A_204] : memref<8x128xi32, #tpu.memory_space<vmem>> -> memref<1x128xi32, #tpu.memory_space<vmem>>
      %dma_start3A_206 = tpu.memref_squeeze %dma_start3A_205 : memref<1x128xi32, #tpu.memory_space<vmem>> -> memref<128xi32, #tpu.memory_space<vmem>>
      %dma_start3A_207 = arith.constant 0 : i32
      %dma_start3A_208 = tpu.memref_slice %arg9[%dma_start3A_207] : memref<10240xf32, #tpu.memory_space<vmem_shared>> -> memref<10240xf32, #tpu.memory_space<vmem_shared>>
      tpu.enqueue_indirect_dma source(%arg14 : memref<128xf32, #tpu.memory_space<vmem>>) target(%dma_start3A_208 : memref<10240xf32, #tpu.memory_space<vmem_shared>>) offsets(%dma_start3A_206 : memref<128xi32, #tpu.memory_space<vmem>>) semaphore(%arg23 : memref<!tpu.dma_semaphore, #tpu.memory_space<semaphore_mem>>) {add = true}
      %dma_wait3A_209 = arith.constant 1 : i32
      %dma_wait3A_210 = arith.constant 0 : i32
      %dma_wait3A_211 = tpu.memref_slice %arg12[%dma_wait3A_209, %dma_wait3A_210] : memref<8x128xi32, #tpu.memory_space<vmem>> -> memref<1x128xi32, #tpu.memory_space<vmem>>
      %dma_wait3A_212 = tpu.memref_squeeze %dma_wait3A_211 : memref<1x128xi32, #tpu.memory_space<vmem>> -> memref<128xi32, #tpu.memory_space<vmem>>
      %dma_wait3A_213 = arith.constant 0 : i32
      %dma_wait3A_214 = arith.constant 0 : i32
      %dma_wait3A_215 = tpu.memref_slice %arg8[%dma_wait3A_213, %dma_wait3A_214] : memref<10240x128xf32, #tpu.memory_space<vmem_shared>> -> memref<10240x128xf32, #tpu.memory_space<vmem_shared>>
      tpu.wait_indirect_dma semaphore(%arg21 : memref<!tpu.dma_semaphore, #tpu.memory_space<semaphore_mem>>) src(%arg17 : memref<128x128xf32, #tpu.memory_space<vmem>>) dst(%dma_wait3A_215 : memref<10240x128xf32, #tpu.memory_space<vmem_shared>>)
      %dma_wait3A_216 = arith.constant 1 : i32
      %dma_wait3A_217 = arith.constant 0 : i32
      %dma_wait3A_218 = tpu.memref_slice %arg12[%dma_wait3A_216, %dma_wait3A_217] : memref<8x128xi32, #tpu.memory_space<vmem>> -> memref<1x128xi32, #tpu.memory_space<vmem>>
      %dma_wait3A_219 = tpu.memref_squeeze %dma_wait3A_218 : memref<1x128xi32, #tpu.memory_space<vmem>> -> memref<128xi32, #tpu.memory_space<vmem>>
      %dma_wait3A_220 = arith.constant 0 : i32
      %dma_wait3A_221 = tpu.memref_slice %arg9[%dma_wait3A_220] : memref<10240xf32, #tpu.memory_space<vmem_shared>> -> memref<10240xf32, #tpu.memory_space<vmem_shared>>
      tpu.wait_indirect_dma semaphore(%arg23 : memref<!tpu.dma_semaphore, #tpu.memory_space<semaphore_mem>>) src(%arg14 : memref<128xf32, #tpu.memory_space<vmem>>) dst(%dma_wait3A_221 : memref<10240xf32, #tpu.memory_space<vmem_shared>>)
      %dma_start3A_222 = arith.constant 384 : i32
      %dma_start3A_223 = tpu.memref_slice %arg10[%dma_start3A_222] : memref<1024xi32, #tpu.memory_space<vmem>> -> memref<128xi32, #tpu.memory_space<vmem>>
      %dma_start3A_224 = arith.constant 0 : i32
      %dma_start3A_225 = arith.constant 0 : i32
      %dma_start3A_226 = tpu.memref_slice %arg2[%dma_start3A_224, %dma_start3A_225] : memref<40000x128xf32, #tpu.memory_space<hbm>> -> memref<40000x128xf32, #tpu.memory_space<hbm>>
      tpu.enqueue_indirect_dma source(%dma_start3A_226 : memref<40000x128xf32, #tpu.memory_space<hbm>>) target(%arg17 : memref<128x128xf32, #tpu.memory_space<vmem>>) offsets(%dma_start3A_223 : memref<128xi32, #tpu.memory_space<vmem>>) semaphore(%arg19 : memref<!tpu.dma_semaphore, #tpu.memory_space<semaphore_mem>>)
      %dma_wait3A_227 = arith.constant 256 : i32
      %dma_wait3A_228 = tpu.memref_slice %arg10[%dma_wait3A_227] : memref<1024xi32, #tpu.memory_space<vmem>> -> memref<128xi32, #tpu.memory_space<vmem>>
      %dma_wait3A_229 = arith.constant 0 : i32
      %dma_wait3A_230 = arith.constant 0 : i32
      %dma_wait3A_231 = tpu.memref_slice %arg2[%dma_wait3A_229, %dma_wait3A_230] : memref<40000x128xf32, #tpu.memory_space<hbm>> -> memref<40000x128xf32, #tpu.memory_space<hbm>>
      tpu.wait_indirect_dma semaphore(%arg18 : memref<!tpu.dma_semaphore, #tpu.memory_space<semaphore_mem>>) src(%dma_wait3A_231 : memref<40000x128xf32, #tpu.memory_space<hbm>>) dst(%arg16 : memref<128x128xf32, #tpu.memory_space<vmem>>)
      %dma_start3A_232 = arith.constant 2 : i32
      %dma_start3A_233 = arith.constant 0 : i32
      %dma_start3A_234 = tpu.memref_slice %arg12[%dma_start3A_232, %dma_start3A_233] : memref<8x128xi32, #tpu.memory_space<vmem>> -> memref<1x128xi32, #tpu.memory_space<vmem>>
      %dma_start3A_235 = tpu.memref_squeeze %dma_start3A_234 : memref<1x128xi32, #tpu.memory_space<vmem>> -> memref<128xi32, #tpu.memory_space<vmem>>
      %dma_start3A_236 = arith.constant 0 : i32
      %dma_start3A_237 = arith.constant 0 : i32
      %dma_start3A_238 = tpu.memref_slice %arg8[%dma_start3A_236, %dma_start3A_237] : memref<10240x128xf32, #tpu.memory_space<vmem_shared>> -> memref<10240x128xf32, #tpu.memory_space<vmem_shared>>
      tpu.enqueue_indirect_dma source(%arg16 : memref<128x128xf32, #tpu.memory_space<vmem>>) target(%dma_start3A_238 : memref<10240x128xf32, #tpu.memory_space<vmem_shared>>) offsets(%dma_start3A_235 : memref<128xi32, #tpu.memory_space<vmem>>) semaphore(%arg20 : memref<!tpu.dma_semaphore, #tpu.memory_space<semaphore_mem>>) {add = true}
      %dma_start3A_239 = arith.constant 2 : i32
      %dma_start3A_240 = arith.constant 0 : i32
      %dma_start3A_241 = tpu.memref_slice %arg12[%dma_start3A_239, %dma_start3A_240] : memref<8x128xi32, #tpu.memory_space<vmem>> -> memref<1x128xi32, #tpu.memory_space<vmem>>
      %dma_start3A_242 = tpu.memref_squeeze %dma_start3A_241 : memref<1x128xi32, #tpu.memory_space<vmem>> -> memref<128xi32, #tpu.memory_space<vmem>>
      %dma_start3A_243 = arith.constant 0 : i32
      %dma_start3A_244 = tpu.memref_slice %arg9[%dma_start3A_243] : memref<10240xf32, #tpu.memory_space<vmem_shared>> -> memref<10240xf32, #tpu.memory_space<vmem_shared>>
      tpu.enqueue_indirect_dma source(%arg14 : memref<128xf32, #tpu.memory_space<vmem>>) target(%dma_start3A_244 : memref<10240xf32, #tpu.memory_space<vmem_shared>>) offsets(%dma_start3A_242 : memref<128xi32, #tpu.memory_space<vmem>>) semaphore(%arg22 : memref<!tpu.dma_semaphore, #tpu.memory_space<semaphore_mem>>) {add = true}
      %dma_wait3A_245 = arith.constant 2 : i32
      %dma_wait3A_246 = arith.constant 0 : i32
      %dma_wait3A_247 = tpu.memref_slice %arg12[%dma_wait3A_245, %dma_wait3A_246] : memref<8x128xi32, #tpu.memory_space<vmem>> -> memref<1x128xi32, #tpu.memory_space<vmem>>
      %dma_wait3A_248 = tpu.memref_squeeze %dma_wait3A_247 : memref<1x128xi32, #tpu.memory_space<vmem>> -> memref<128xi32, #tpu.memory_space<vmem>>
      %dma_wait3A_249 = arith.constant 0 : i32
      %dma_wait3A_250 = arith.constant 0 : i32
      %dma_wait3A_251 = tpu.memref_slice %arg8[%dma_wait3A_249, %dma_wait3A_250] : memref<10240x128xf32, #tpu.memory_space<vmem_shared>> -> memref<10240x128xf32, #tpu.memory_space<vmem_shared>>
      tpu.wait_indirect_dma semaphore(%arg20 : memref<!tpu.dma_semaphore, #tpu.memory_space<semaphore_mem>>) src(%arg16 : memref<128x128xf32, #tpu.memory_space<vmem>>) dst(%dma_wait3A_251 : memref<10240x128xf32, #tpu.memory_space<vmem_shared>>)
      %dma_wait3A_252 = arith.constant 2 : i32
      %dma_wait3A_253 = arith.constant 0 : i32
      %dma_wait3A_254 = tpu.memref_slice %arg12[%dma_wait3A_252, %dma_wait3A_253] : memref<8x128xi32, #tpu.memory_space<vmem>> -> memref<1x128xi32, #tpu.memory_space<vmem>>
      %dma_wait3A_255 = tpu.memref_squeeze %dma_wait3A_254 : memref<1x128xi32, #tpu.memory_space<vmem>> -> memref<128xi32, #tpu.memory_space<vmem>>
      %dma_wait3A_256 = arith.constant 0 : i32
      %dma_wait3A_257 = tpu.memref_slice %arg9[%dma_wait3A_256] : memref<10240xf32, #tpu.memory_space<vmem_shared>> -> memref<10240xf32, #tpu.memory_space<vmem_shared>>
      tpu.wait_indirect_dma semaphore(%arg22 : memref<!tpu.dma_semaphore, #tpu.memory_space<semaphore_mem>>) src(%arg14 : memref<128xf32, #tpu.memory_space<vmem>>) dst(%dma_wait3A_257 : memref<10240xf32, #tpu.memory_space<vmem_shared>>)
      %dma_start3A_258 = arith.constant 512 : i32
      %dma_start3A_259 = tpu.memref_slice %arg10[%dma_start3A_258] : memref<1024xi32, #tpu.memory_space<vmem>> -> memref<128xi32, #tpu.memory_space<vmem>>
      %dma_start3A_260 = arith.constant 0 : i32
      %dma_start3A_261 = arith.constant 0 : i32
      %dma_start3A_262 = tpu.memref_slice %arg2[%dma_start3A_260, %dma_start3A_261] : memref<40000x128xf32, #tpu.memory_space<hbm>> -> memref<40000x128xf32, #tpu.memory_space<hbm>>
      tpu.enqueue_indirect_dma source(%dma_start3A_262 : memref<40000x128xf32, #tpu.memory_space<hbm>>) target(%arg16 : memref<128x128xf32, #tpu.memory_space<vmem>>) offsets(%dma_start3A_259 : memref<128xi32, #tpu.memory_space<vmem>>) semaphore(%arg18 : memref<!tpu.dma_semaphore, #tpu.memory_space<semaphore_mem>>)
      %dma_wait3A_263 = arith.constant 384 : i32
      %dma_wait3A_264 = tpu.memref_slice %arg10[%dma_wait3A_263] : memref<1024xi32, #tpu.memory_space<vmem>> -> memref<128xi32, #tpu.memory_space<vmem>>
      %dma_wait3A_265 = arith.constant 0 : i32
      %dma_wait3A_266 = arith.constant 0 : i32
      %dma_wait3A_267 = tpu.memref_slice %arg2[%dma_wait3A_265, %dma_wait3A_266] : memref<40000x128xf32, #tpu.memory_space<hbm>> -> memref<40000x128xf32, #tpu.memory_space<hbm>>
      tpu.wait_indirect_dma semaphore(%arg19 : memref<!tpu.dma_semaphore, #tpu.memory_space<semaphore_mem>>) src(%dma_wait3A_267 : memref<40000x128xf32, #tpu.memory_space<hbm>>) dst(%arg17 : memref<128x128xf32, #tpu.memory_space<vmem>>)
      %dma_start3A_268 = arith.constant 3 : i32
      %dma_start3A_269 = arith.constant 0 : i32
      %dma_start3A_270 = tpu.memref_slice %arg12[%dma_start3A_268, %dma_start3A_269] : memref<8x128xi32, #tpu.memory_space<vmem>> -> memref<1x128xi32, #tpu.memory_space<vmem>>
      %dma_start3A_271 = tpu.memref_squeeze %dma_start3A_270 : memref<1x128xi32, #tpu.memory_space<vmem>> -> memref<128xi32, #tpu.memory_space<vmem>>
      %dma_start3A_272 = arith.constant 0 : i32
      %dma_start3A_273 = arith.constant 0 : i32
      %dma_start3A_274 = tpu.memref_slice %arg8[%dma_start3A_272, %dma_start3A_273] : memref<10240x128xf32, #tpu.memory_space<vmem_shared>> -> memref<10240x128xf32, #tpu.memory_space<vmem_shared>>
      tpu.enqueue_indirect_dma source(%arg17 : memref<128x128xf32, #tpu.memory_space<vmem>>) target(%dma_start3A_274 : memref<10240x128xf32, #tpu.memory_space<vmem_shared>>) offsets(%dma_start3A_271 : memref<128xi32, #tpu.memory_space<vmem>>) semaphore(%arg21 : memref<!tpu.dma_semaphore, #tpu.memory_space<semaphore_mem>>) {add = true}
      %dma_start3A_275 = arith.constant 3 : i32
      %dma_start3A_276 = arith.constant 0 : i32
      %dma_start3A_277 = tpu.memref_slice %arg12[%dma_start3A_275, %dma_start3A_276] : memref<8x128xi32, #tpu.memory_space<vmem>> -> memref<1x128xi32, #tpu.memory_space<vmem>>
      %dma_start3A_278 = tpu.memref_squeeze %dma_start3A_277 : memref<1x128xi32, #tpu.memory_space<vmem>> -> memref<128xi32, #tpu.memory_space<vmem>>
      %dma_start3A_279 = arith.constant 0 : i32
      %dma_start3A_280 = tpu.memref_slice %arg9[%dma_start3A_279] : memref<10240xf32, #tpu.memory_space<vmem_shared>> -> memref<10240xf32, #tpu.memory_space<vmem_shared>>
      tpu.enqueue_indirect_dma source(%arg14 : memref<128xf32, #tpu.memory_space<vmem>>) target(%dma_start3A_280 : memref<10240xf32, #tpu.memory_space<vmem_shared>>) offsets(%dma_start3A_278 : memref<128xi32, #tpu.memory_space<vmem>>) semaphore(%arg23 : memref<!tpu.dma_semaphore, #tpu.memory_space<semaphore_mem>>) {add = true}
      %dma_wait3A_281 = arith.constant 3 : i32
      %dma_wait3A_282 = arith.constant 0 : i32
      %dma_wait3A_283 = tpu.memref_slice %arg12[%dma_wait3A_281, %dma_wait3A_282] : memref<8x128xi32, #tpu.memory_space<vmem>> -> memref<1x128xi32, #tpu.memory_space<vmem>>
      %dma_wait3A_284 = tpu.memref_squeeze %dma_wait3A_283 : memref<1x128xi32, #tpu.memory_space<vmem>> -> memref<128xi32, #tpu.memory_space<vmem>>
      %dma_wait3A_285 = arith.constant 0 : i32
      %dma_wait3A_286 = arith.constant 0 : i32
      %dma_wait3A_287 = tpu.memref_slice %arg8[%dma_wait3A_285, %dma_wait3A_286] : memref<10240x128xf32, #tpu.memory_space<vmem_shared>> -> memref<10240x128xf32, #tpu.memory_space<vmem_shared>>
      tpu.wait_indirect_dma semaphore(%arg21 : memref<!tpu.dma_semaphore, #tpu.memory_space<semaphore_mem>>) src(%arg17 : memref<128x128xf32, #tpu.memory_space<vmem>>) dst(%dma_wait3A_287 : memref<10240x128xf32, #tpu.memory_space<vmem_shared>>)
      %dma_wait3A_288 = arith.constant 3 : i32
      %dma_wait3A_289 = arith.constant 0 : i32
      %dma_wait3A_290 = tpu.memref_slice %arg12[%dma_wait3A_288, %dma_wait3A_289] : memref<8x128xi32, #tpu.memory_space<vmem>> -> memref<1x128xi32, #tpu.memory_space<vmem>>
      %dma_wait3A_291 = tpu.memref_squeeze %dma_wait3A_290 : memref<1x128xi32, #tpu.memory_space<vmem>> -> memref<128xi32, #tpu.memory_space<vmem>>
      %dma_wait3A_292 = arith.constant 0 : i32
      %dma_wait3A_293 = tpu.memref_slice %arg9[%dma_wait3A_292] : memref<10240xf32, #tpu.memory_space<vmem_shared>> -> memref<10240xf32, #tpu.memory_space<vmem_shared>>
      tpu.wait_indirect_dma semaphore(%arg23 : memref<!tpu.dma_semaphore, #tpu.memory_space<semaphore_mem>>) src(%arg14 : memref<128xf32, #tpu.memory_space<vmem>>) dst(%dma_wait3A_293 : memref<10240xf32, #tpu.memory_space<vmem_shared>>)
      %dma_start3A_294 = arith.constant 640 : i32
      %dma_start3A_295 = tpu.memref_slice %arg10[%dma_start3A_294] : memref<1024xi32, #tpu.memory_space<vmem>> -> memref<128xi32, #tpu.memory_space<vmem>>
      %dma_start3A_296 = arith.constant 0 : i32
      %dma_start3A_297 = arith.constant 0 : i32
      %dma_start3A_298 = tpu.memref_slice %arg2[%dma_start3A_296, %dma_start3A_297] : memref<40000x128xf32, #tpu.memory_space<hbm>> -> memref<40000x128xf32, #tpu.memory_space<hbm>>
      tpu.enqueue_indirect_dma source(%dma_start3A_298 : memref<40000x128xf32, #tpu.memory_space<hbm>>) target(%arg17 : memref<128x128xf32, #tpu.memory_space<vmem>>) offsets(%dma_start3A_295 : memref<128xi32, #tpu.memory_space<vmem>>) semaphore(%arg19 : memref<!tpu.dma_semaphore, #tpu.memory_space<semaphore_mem>>)
      %dma_wait3A_299 = arith.constant 512 : i32
      %dma_wait3A_300 = tpu.memref_slice %arg10[%dma_wait3A_299] : memref<1024xi32, #tpu.memory_space<vmem>> -> memref<128xi32, #tpu.memory_space<vmem>>
      %dma_wait3A_301 = arith.constant 0 : i32
      %dma_wait3A_302 = arith.constant 0 : i32
      %dma_wait3A_303 = tpu.memref_slice %arg2[%dma_wait3A_301, %dma_wait3A_302] : memref<40000x128xf32, #tpu.memory_space<hbm>> -> memref<40000x128xf32, #tpu.memory_space<hbm>>
      tpu.wait_indirect_dma semaphore(%arg18 : memref<!tpu.dma_semaphore, #tpu.memory_space<semaphore_mem>>) src(%dma_wait3A_303 : memref<40000x128xf32, #tpu.memory_space<hbm>>) dst(%arg16 : memref<128x128xf32, #tpu.memory_space<vmem>>)
      %dma_start3A_304 = arith.constant 4 : i32
      %dma_start3A_305 = arith.constant 0 : i32
      %dma_start3A_306 = tpu.memref_slice %arg12[%dma_start3A_304, %dma_start3A_305] : memref<8x128xi32, #tpu.memory_space<vmem>> -> memref<1x128xi32, #tpu.memory_space<vmem>>
      %dma_start3A_307 = tpu.memref_squeeze %dma_start3A_306 : memref<1x128xi32, #tpu.memory_space<vmem>> -> memref<128xi32, #tpu.memory_space<vmem>>
      %dma_start3A_308 = arith.constant 0 : i32
      %dma_start3A_309 = arith.constant 0 : i32
      %dma_start3A_310 = tpu.memref_slice %arg8[%dma_start3A_308, %dma_start3A_309] : memref<10240x128xf32, #tpu.memory_space<vmem_shared>> -> memref<10240x128xf32, #tpu.memory_space<vmem_shared>>
      tpu.enqueue_indirect_dma source(%arg16 : memref<128x128xf32, #tpu.memory_space<vmem>>) target(%dma_start3A_310 : memref<10240x128xf32, #tpu.memory_space<vmem_shared>>) offsets(%dma_start3A_307 : memref<128xi32, #tpu.memory_space<vmem>>) semaphore(%arg20 : memref<!tpu.dma_semaphore, #tpu.memory_space<semaphore_mem>>) {add = true}
      %dma_start3A_311 = arith.constant 4 : i32
      %dma_start3A_312 = arith.constant 0 : i32
      %dma_start3A_313 = tpu.memref_slice %arg12[%dma_start3A_311, %dma_start3A_312] : memref<8x128xi32, #tpu.memory_space<vmem>> -> memref<1x128xi32, #tpu.memory_space<vmem>>
      %dma_start3A_314 = tpu.memref_squeeze %dma_start3A_313 : memref<1x128xi32, #tpu.memory_space<vmem>> -> memref<128xi32, #tpu.memory_space<vmem>>
      %dma_start3A_315 = arith.constant 0 : i32
      %dma_start3A_316 = tpu.memref_slice %arg9[%dma_start3A_315] : memref<10240xf32, #tpu.memory_space<vmem_shared>> -> memref<10240xf32, #tpu.memory_space<vmem_shared>>
      tpu.enqueue_indirect_dma source(%arg14 : memref<128xf32, #tpu.memory_space<vmem>>) target(%dma_start3A_316 : memref<10240xf32, #tpu.memory_space<vmem_shared>>) offsets(%dma_start3A_314 : memref<128xi32, #tpu.memory_space<vmem>>) semaphore(%arg22 : memref<!tpu.dma_semaphore, #tpu.memory_space<semaphore_mem>>) {add = true}
      %dma_wait3A_317 = arith.constant 4 : i32
      %dma_wait3A_318 = arith.constant 0 : i32
      %dma_wait3A_319 = tpu.memref_slice %arg12[%dma_wait3A_317, %dma_wait3A_318] : memref<8x128xi32, #tpu.memory_space<vmem>> -> memref<1x128xi32, #tpu.memory_space<vmem>>
      %dma_wait3A_320 = tpu.memref_squeeze %dma_wait3A_319 : memref<1x128xi32, #tpu.memory_space<vmem>> -> memref<128xi32, #tpu.memory_space<vmem>>
      %dma_wait3A_321 = arith.constant 0 : i32
      %dma_wait3A_322 = arith.constant 0 : i32
      %dma_wait3A_323 = tpu.memref_slice %arg8[%dma_wait3A_321, %dma_wait3A_322] : memref<10240x128xf32, #tpu.memory_space<vmem_shared>> -> memref<10240x128xf32, #tpu.memory_space<vmem_shared>>
      tpu.wait_indirect_dma semaphore(%arg20 : memref<!tpu.dma_semaphore, #tpu.memory_space<semaphore_mem>>) src(%arg16 : memref<128x128xf32, #tpu.memory_space<vmem>>) dst(%dma_wait3A_323 : memref<10240x128xf32, #tpu.memory_space<vmem_shared>>)
      %dma_wait3A_324 = arith.constant 4 : i32
      %dma_wait3A_325 = arith.constant 0 : i32
      %dma_wait3A_326 = tpu.memref_slice %arg12[%dma_wait3A_324, %dma_wait3A_325] : memref<8x128xi32, #tpu.memory_space<vmem>> -> memref<1x128xi32, #tpu.memory_space<vmem>>
      %dma_wait3A_327 = tpu.memref_squeeze %dma_wait3A_326 : memref<1x128xi32, #tpu.memory_space<vmem>> -> memref<128xi32, #tpu.memory_space<vmem>>
      %dma_wait3A_328 = arith.constant 0 : i32
      %dma_wait3A_329 = tpu.memref_slice %arg9[%dma_wait3A_328] : memref<10240xf32, #tpu.memory_space<vmem_shared>> -> memref<10240xf32, #tpu.memory_space<vmem_shared>>
      tpu.wait_indirect_dma semaphore(%arg22 : memref<!tpu.dma_semaphore, #tpu.memory_space<semaphore_mem>>) src(%arg14 : memref<128xf32, #tpu.memory_space<vmem>>) dst(%dma_wait3A_329 : memref<10240xf32, #tpu.memory_space<vmem_shared>>)
      %dma_start3A_330 = arith.constant 768 : i32
      %dma_start3A_331 = tpu.memref_slice %arg10[%dma_start3A_330] : memref<1024xi32, #tpu.memory_space<vmem>> -> memref<128xi32, #tpu.memory_space<vmem>>
      %dma_start3A_332 = arith.constant 0 : i32
      %dma_start3A_333 = arith.constant 0 : i32
      %dma_start3A_334 = tpu.memref_slice %arg2[%dma_start3A_332, %dma_start3A_333] : memref<40000x128xf32, #tpu.memory_space<hbm>> -> memref<40000x128xf32, #tpu.memory_space<hbm>>
      tpu.enqueue_indirect_dma source(%dma_start3A_334 : memref<40000x128xf32, #tpu.memory_space<hbm>>) target(%arg16 : memref<128x128xf32, #tpu.memory_space<vmem>>) offsets(%dma_start3A_331 : memref<128xi32, #tpu.memory_space<vmem>>) semaphore(%arg18 : memref<!tpu.dma_semaphore, #tpu.memory_space<semaphore_mem>>)
      %dma_wait3A_335 = arith.constant 640 : i32
      %dma_wait3A_336 = tpu.memref_slice %arg10[%dma_wait3A_335] : memref<1024xi32, #tpu.memory_space<vmem>> -> memref<128xi32, #tpu.memory_space<vmem>>
      %dma_wait3A_337 = arith.constant 0 : i32
      %dma_wait3A_338 = arith.constant 0 : i32
      %dma_wait3A_339 = tpu.memref_slice %arg2[%dma_wait3A_337, %dma_wait3A_338] : memref<40000x128xf32, #tpu.memory_space<hbm>> -> memref<40000x128xf32, #tpu.memory_space<hbm>>
      tpu.wait_indirect_dma semaphore(%arg19 : memref<!tpu.dma_semaphore, #tpu.memory_space<semaphore_mem>>) src(%dma_wait3A_339 : memref<40000x128xf32, #tpu.memory_space<hbm>>) dst(%arg17 : memref<128x128xf32, #tpu.memory_space<vmem>>)
      %dma_start3A_340 = arith.constant 5 : i32
      %dma_start3A_341 = arith.constant 0 : i32
      %dma_start3A_342 = tpu.memref_slice %arg12[%dma_start3A_340, %dma_start3A_341] : memref<8x128xi32, #tpu.memory_space<vmem>> -> memref<1x128xi32, #tpu.memory_space<vmem>>
      %dma_start3A_343 = tpu.memref_squeeze %dma_start3A_342 : memref<1x128xi32, #tpu.memory_space<vmem>> -> memref<128xi32, #tpu.memory_space<vmem>>
      %dma_start3A_344 = arith.constant 0 : i32
      %dma_start3A_345 = arith.constant 0 : i32
      %dma_start3A_346 = tpu.memref_slice %arg8[%dma_start3A_344, %dma_start3A_345] : memref<10240x128xf32, #tpu.memory_space<vmem_shared>> -> memref<10240x128xf32, #tpu.memory_space<vmem_shared>>
      tpu.enqueue_indirect_dma source(%arg17 : memref<128x128xf32, #tpu.memory_space<vmem>>) target(%dma_start3A_346 : memref<10240x128xf32, #tpu.memory_space<vmem_shared>>) offsets(%dma_start3A_343 : memref<128xi32, #tpu.memory_space<vmem>>) semaphore(%arg21 : memref<!tpu.dma_semaphore, #tpu.memory_space<semaphore_mem>>) {add = true}
      %dma_start3A_347 = arith.constant 5 : i32
      %dma_start3A_348 = arith.constant 0 : i32
      %dma_start3A_349 = tpu.memref_slice %arg12[%dma_start3A_347, %dma_start3A_348] : memref<8x128xi32, #tpu.memory_space<vmem>> -> memref<1x128xi32, #tpu.memory_space<vmem>>
      %dma_start3A_350 = tpu.memref_squeeze %dma_start3A_349 : memref<1x128xi32, #tpu.memory_space<vmem>> -> memref<128xi32, #tpu.memory_space<vmem>>
      %dma_start3A_351 = arith.constant 0 : i32
      %dma_start3A_352 = tpu.memref_slice %arg9[%dma_start3A_351] : memref<10240xf32, #tpu.memory_space<vmem_shared>> -> memref<10240xf32, #tpu.memory_space<vmem_shared>>
      tpu.enqueue_indirect_dma source(%arg14 : memref<128xf32, #tpu.memory_space<vmem>>) target(%dma_start3A_352 : memref<10240xf32, #tpu.memory_space<vmem_shared>>) offsets(%dma_start3A_350 : memref<128xi32, #tpu.memory_space<vmem>>) semaphore(%arg23 : memref<!tpu.dma_semaphore, #tpu.memory_space<semaphore_mem>>) {add = true}
      %dma_wait3A_353 = arith.constant 5 : i32
      %dma_wait3A_354 = arith.constant 0 : i32
      %dma_wait3A_355 = tpu.memref_slice %arg12[%dma_wait3A_353, %dma_wait3A_354] : memref<8x128xi32, #tpu.memory_space<vmem>> -> memref<1x128xi32, #tpu.memory_space<vmem>>
      %dma_wait3A_356 = tpu.memref_squeeze %dma_wait3A_355 : memref<1x128xi32, #tpu.memory_space<vmem>> -> memref<128xi32, #tpu.memory_space<vmem>>
      %dma_wait3A_357 = arith.constant 0 : i32
      %dma_wait3A_358 = arith.constant 0 : i32
      %dma_wait3A_359 = tpu.memref_slice %arg8[%dma_wait3A_357, %dma_wait3A_358] : memref<10240x128xf32, #tpu.memory_space<vmem_shared>> -> memref<10240x128xf32, #tpu.memory_space<vmem_shared>>
      tpu.wait_indirect_dma semaphore(%arg21 : memref<!tpu.dma_semaphore, #tpu.memory_space<semaphore_mem>>) src(%arg17 : memref<128x128xf32, #tpu.memory_space<vmem>>) dst(%dma_wait3A_359 : memref<10240x128xf32, #tpu.memory_space<vmem_shared>>)
      %dma_wait3A_360 = arith.constant 5 : i32
      %dma_wait3A_361 = arith.constant 0 : i32
      %dma_wait3A_362 = tpu.memref_slice %arg12[%dma_wait3A_360, %dma_wait3A_361] : memref<8x128xi32, #tpu.memory_space<vmem>> -> memref<1x128xi32, #tpu.memory_space<vmem>>
      %dma_wait3A_363 = tpu.memref_squeeze %dma_wait3A_362 : memref<1x128xi32, #tpu.memory_space<vmem>> -> memref<128xi32, #tpu.memory_space<vmem>>
      %dma_wait3A_364 = arith.constant 0 : i32
      %dma_wait3A_365 = tpu.memref_slice %arg9[%dma_wait3A_364] : memref<10240xf32, #tpu.memory_space<vmem_shared>> -> memref<10240xf32, #tpu.memory_space<vmem_shared>>
      tpu.wait_indirect_dma semaphore(%arg23 : memref<!tpu.dma_semaphore, #tpu.memory_space<semaphore_mem>>) src(%arg14 : memref<128xf32, #tpu.memory_space<vmem>>) dst(%dma_wait3A_365 : memref<10240xf32, #tpu.memory_space<vmem_shared>>)
      %dma_start3A_366 = arith.constant 896 : i32
      %dma_start3A_367 = tpu.memref_slice %arg10[%dma_start3A_366] : memref<1024xi32, #tpu.memory_space<vmem>> -> memref<128xi32, #tpu.memory_space<vmem>>
      %dma_start3A_368 = arith.constant 0 : i32
      %dma_start3A_369 = arith.constant 0 : i32
      %dma_start3A_370 = tpu.memref_slice %arg2[%dma_start3A_368, %dma_start3A_369] : memref<40000x128xf32, #tpu.memory_space<hbm>> -> memref<40000x128xf32, #tpu.memory_space<hbm>>
      tpu.enqueue_indirect_dma source(%dma_start3A_370 : memref<40000x128xf32, #tpu.memory_space<hbm>>) target(%arg17 : memref<128x128xf32, #tpu.memory_space<vmem>>) offsets(%dma_start3A_367 : memref<128xi32, #tpu.memory_space<vmem>>) semaphore(%arg19 : memref<!tpu.dma_semaphore, #tpu.memory_space<semaphore_mem>>)
      %dma_wait3A_371 = arith.constant 768 : i32
      %dma_wait3A_372 = tpu.memref_slice %arg10[%dma_wait3A_371] : memref<1024xi32, #tpu.memory_space<vmem>> -> memref<128xi32, #tpu.memory_space<vmem>>
      %dma_wait3A_373 = arith.constant 0 : i32
      %dma_wait3A_374 = arith.constant 0 : i32
      %dma_wait3A_375 = tpu.memref_slice %arg2[%dma_wait3A_373, %dma_wait3A_374] : memref<40000x128xf32, #tpu.memory_space<hbm>> -> memref<40000x128xf32, #tpu.memory_space<hbm>>
      tpu.wait_indirect_dma semaphore(%arg18 : memref<!tpu.dma_semaphore, #tpu.memory_space<semaphore_mem>>) src(%dma_wait3A_375 : memref<40000x128xf32, #tpu.memory_space<hbm>>) dst(%arg16 : memref<128x128xf32, #tpu.memory_space<vmem>>)
      %dma_start3A_376 = arith.constant 6 : i32
      %dma_start3A_377 = arith.constant 0 : i32
      %dma_start3A_378 = tpu.memref_slice %arg12[%dma_start3A_376, %dma_start3A_377] : memref<8x128xi32, #tpu.memory_space<vmem>> -> memref<1x128xi32, #tpu.memory_space<vmem>>
      %dma_start3A_379 = tpu.memref_squeeze %dma_start3A_378 : memref<1x128xi32, #tpu.memory_space<vmem>> -> memref<128xi32, #tpu.memory_space<vmem>>
      %dma_start3A_380 = arith.constant 0 : i32
      %dma_start3A_381 = arith.constant 0 : i32
      %dma_start3A_382 = tpu.memref_slice %arg8[%dma_start3A_380, %dma_start3A_381] : memref<10240x128xf32, #tpu.memory_space<vmem_shared>> -> memref<10240x128xf32, #tpu.memory_space<vmem_shared>>
      tpu.enqueue_indirect_dma source(%arg16 : memref<128x128xf32, #tpu.memory_space<vmem>>) target(%dma_start3A_382 : memref<10240x128xf32, #tpu.memory_space<vmem_shared>>) offsets(%dma_start3A_379 : memref<128xi32, #tpu.memory_space<vmem>>) semaphore(%arg20 : memref<!tpu.dma_semaphore, #tpu.memory_space<semaphore_mem>>) {add = true}
      %dma_start3A_383 = arith.constant 6 : i32
      %dma_start3A_384 = arith.constant 0 : i32
      %dma_start3A_385 = tpu.memref_slice %arg12[%dma_start3A_383, %dma_start3A_384] : memref<8x128xi32, #tpu.memory_space<vmem>> -> memref<1x128xi32, #tpu.memory_space<vmem>>
      %dma_start3A_386 = tpu.memref_squeeze %dma_start3A_385 : memref<1x128xi32, #tpu.memory_space<vmem>> -> memref<128xi32, #tpu.memory_space<vmem>>
      %dma_start3A_387 = arith.constant 0 : i32
      %dma_start3A_388 = tpu.memref_slice %arg9[%dma_start3A_387] : memref<10240xf32, #tpu.memory_space<vmem_shared>> -> memref<10240xf32, #tpu.memory_space<vmem_shared>>
      tpu.enqueue_indirect_dma source(%arg14 : memref<128xf32, #tpu.memory_space<vmem>>) target(%dma_start3A_388 : memref<10240xf32, #tpu.memory_space<vmem_shared>>) offsets(%dma_start3A_386 : memref<128xi32, #tpu.memory_space<vmem>>) semaphore(%arg22 : memref<!tpu.dma_semaphore, #tpu.memory_space<semaphore_mem>>) {add = true}
      %dma_wait3A_389 = arith.constant 6 : i32
      %dma_wait3A_390 = arith.constant 0 : i32
      %dma_wait3A_391 = tpu.memref_slice %arg12[%dma_wait3A_389, %dma_wait3A_390] : memref<8x128xi32, #tpu.memory_space<vmem>> -> memref<1x128xi32, #tpu.memory_space<vmem>>
      %dma_wait3A_392 = tpu.memref_squeeze %dma_wait3A_391 : memref<1x128xi32, #tpu.memory_space<vmem>> -> memref<128xi32, #tpu.memory_space<vmem>>
      %dma_wait3A_393 = arith.constant 0 : i32
      %dma_wait3A_394 = arith.constant 0 : i32
      %dma_wait3A_395 = tpu.memref_slice %arg8[%dma_wait3A_393, %dma_wait3A_394] : memref<10240x128xf32, #tpu.memory_space<vmem_shared>> -> memref<10240x128xf32, #tpu.memory_space<vmem_shared>>
      tpu.wait_indirect_dma semaphore(%arg20 : memref<!tpu.dma_semaphore, #tpu.memory_space<semaphore_mem>>) src(%arg16 : memref<128x128xf32, #tpu.memory_space<vmem>>) dst(%dma_wait3A_395 : memref<10240x128xf32, #tpu.memory_space<vmem_shared>>)
      %dma_wait3A_396 = arith.constant 6 : i32
      %dma_wait3A_397 = arith.constant 0 : i32
      %dma_wait3A_398 = tpu.memref_slice %arg12[%dma_wait3A_396, %dma_wait3A_397] : memref<8x128xi32, #tpu.memory_space<vmem>> -> memref<1x128xi32, #tpu.memory_space<vmem>>
      %dma_wait3A_399 = tpu.memref_squeeze %dma_wait3A_398 : memref<1x128xi32, #tpu.memory_space<vmem>> -> memref<128xi32, #tpu.memory_space<vmem>>
      %dma_wait3A_400 = arith.constant 0 : i32
      %dma_wait3A_401 = tpu.memref_slice %arg9[%dma_wait3A_400] : memref<10240xf32, #tpu.memory_space<vmem_shared>> -> memref<10240xf32, #tpu.memory_space<vmem_shared>>
      tpu.wait_indirect_dma semaphore(%arg22 : memref<!tpu.dma_semaphore, #tpu.memory_space<semaphore_mem>>) src(%arg14 : memref<128xf32, #tpu.memory_space<vmem>>) dst(%dma_wait3A_401 : memref<10240xf32, #tpu.memory_space<vmem_shared>>)
      %dma_start3A_402 = arith.constant 0 : i32
      %dma_start3A_403 = tpu.memref_slice %arg11[%dma_start3A_402] : memref<1024xi32, #tpu.memory_space<vmem>> -> memref<128xi32, #tpu.memory_space<vmem>>
      %dma_start3A_404 = arith.constant 0 : i32
      %dma_start3A_405 = arith.constant 0 : i32
      %dma_start3A_406 = tpu.memref_slice %arg2[%dma_start3A_404, %dma_start3A_405] : memref<40000x128xf32, #tpu.memory_space<hbm>> -> memref<40000x128xf32, #tpu.memory_space<hbm>>
      tpu.enqueue_indirect_dma source(%dma_start3A_406 : memref<40000x128xf32, #tpu.memory_space<hbm>>) target(%arg16 : memref<128x128xf32, #tpu.memory_space<vmem>>) offsets(%dma_start3A_403 : memref<128xi32, #tpu.memory_space<vmem>>) semaphore(%arg18 : memref<!tpu.dma_semaphore, #tpu.memory_space<semaphore_mem>>)
      %dma_wait3A_407 = arith.constant 896 : i32
      %dma_wait3A_408 = tpu.memref_slice %arg10[%dma_wait3A_407] : memref<1024xi32, #tpu.memory_space<vmem>> -> memref<128xi32, #tpu.memory_space<vmem>>
      %dma_wait3A_409 = arith.constant 0 : i32
      %dma_wait3A_410 = arith.constant 0 : i32
      %dma_wait3A_411 = tpu.memref_slice %arg2[%dma_wait3A_409, %dma_wait3A_410] : memref<40000x128xf32, #tpu.memory_space<hbm>> -> memref<40000x128xf32, #tpu.memory_space<hbm>>
      tpu.wait_indirect_dma semaphore(%arg19 : memref<!tpu.dma_semaphore, #tpu.memory_space<semaphore_mem>>) src(%dma_wait3A_411 : memref<40000x128xf32, #tpu.memory_space<hbm>>) dst(%arg17 : memref<128x128xf32, #tpu.memory_space<vmem>>)
      %dma_start3A_412 = arith.constant 7 : i32
      %dma_start3A_413 = arith.constant 0 : i32
      %dma_start3A_414 = tpu.memref_slice %arg12[%dma_start3A_412, %dma_start3A_413] : memref<8x128xi32, #tpu.memory_space<vmem>> -> memref<1x128xi32, #tpu.memory_space<vmem>>
      %dma_start3A_415 = tpu.memref_squeeze %dma_start3A_414 : memref<1x128xi32, #tpu.memory_space<vmem>> -> memref<128xi32, #tpu.memory_space<vmem>>
      %dma_start3A_416 = arith.constant 0 : i32
      %dma_start3A_417 = arith.constant 0 : i32
      %dma_start3A_418 = tpu.memref_slice %arg8[%dma_start3A_416, %dma_start3A_417] : memref<10240x128xf32, #tpu.memory_space<vmem_shared>> -> memref<10240x128xf32, #tpu.memory_space<vmem_shared>>
      tpu.enqueue_indirect_dma source(%arg17 : memref<128x128xf32, #tpu.memory_space<vmem>>) target(%dma_start3A_418 : memref<10240x128xf32, #tpu.memory_space<vmem_shared>>) offsets(%dma_start3A_415 : memref<128xi32, #tpu.memory_space<vmem>>) semaphore(%arg21 : memref<!tpu.dma_semaphore, #tpu.memory_space<semaphore_mem>>) {add = true}
      %dma_start3A_419 = arith.constant 7 : i32
      %dma_start3A_420 = arith.constant 0 : i32
      %dma_start3A_421 = tpu.memref_slice %arg12[%dma_start3A_419, %dma_start3A_420] : memref<8x128xi32, #tpu.memory_space<vmem>> -> memref<1x128xi32, #tpu.memory_space<vmem>>
      %dma_start3A_422 = tpu.memref_squeeze %dma_start3A_421 : memref<1x128xi32, #tpu.memory_space<vmem>> -> memref<128xi32, #tpu.memory_space<vmem>>
      %dma_start3A_423 = arith.constant 0 : i32
      %dma_start3A_424 = tpu.memref_slice %arg9[%dma_start3A_423] : memref<10240xf32, #tpu.memory_space<vmem_shared>> -> memref<10240xf32, #tpu.memory_space<vmem_shared>>
      tpu.enqueue_indirect_dma source(%arg14 : memref<128xf32, #tpu.memory_space<vmem>>) target(%dma_start3A_424 : memref<10240xf32, #tpu.memory_space<vmem_shared>>) offsets(%dma_start3A_422 : memref<128xi32, #tpu.memory_space<vmem>>) semaphore(%arg23 : memref<!tpu.dma_semaphore, #tpu.memory_space<semaphore_mem>>) {add = true}
      %dma_wait3A_425 = arith.constant 7 : i32
      %dma_wait3A_426 = arith.constant 0 : i32
      %dma_wait3A_427 = tpu.memref_slice %arg12[%dma_wait3A_425, %dma_wait3A_426] : memref<8x128xi32, #tpu.memory_space<vmem>> -> memref<1x128xi32, #tpu.memory_space<vmem>>
      %dma_wait3A_428 = tpu.memref_squeeze %dma_wait3A_427 : memref<1x128xi32, #tpu.memory_space<vmem>> -> memref<128xi32, #tpu.memory_space<vmem>>
      %dma_wait3A_429 = arith.constant 0 : i32
      %dma_wait3A_430 = arith.constant 0 : i32
      %dma_wait3A_431 = tpu.memref_slice %arg8[%dma_wait3A_429, %dma_wait3A_430] : memref<10240x128xf32, #tpu.memory_space<vmem_shared>> -> memref<10240x128xf32, #tpu.memory_space<vmem_shared>>
      tpu.wait_indirect_dma semaphore(%arg21 : memref<!tpu.dma_semaphore, #tpu.memory_space<semaphore_mem>>) src(%arg17 : memref<128x128xf32, #tpu.memory_space<vmem>>) dst(%dma_wait3A_431 : memref<10240x128xf32, #tpu.memory_space<vmem_shared>>)
      %dma_wait3A_432 = arith.constant 7 : i32
      %dma_wait3A_433 = arith.constant 0 : i32
      %dma_wait3A_434 = tpu.memref_slice %arg12[%dma_wait3A_432, %dma_wait3A_433] : memref<8x128xi32, #tpu.memory_space<vmem>> -> memref<1x128xi32, #tpu.memory_space<vmem>>
      %dma_wait3A_435 = tpu.memref_squeeze %dma_wait3A_434 : memref<1x128xi32, #tpu.memory_space<vmem>> -> memref<128xi32, #tpu.memory_space<vmem>>
      %dma_wait3A_436 = arith.constant 0 : i32
      %dma_wait3A_437 = tpu.memref_slice %arg9[%dma_wait3A_436] : memref<10240xf32, #tpu.memory_space<vmem_shared>> -> memref<10240xf32, #tpu.memory_space<vmem_shared>>
      tpu.wait_indirect_dma semaphore(%arg23 : memref<!tpu.dma_semaphore, #tpu.memory_space<semaphore_mem>>) src(%arg14 : memref<128xf32, #tpu.memory_space<vmem>>) dst(%dma_wait3A_437 : memref<10240xf32, #tpu.memory_space<vmem_shared>>)
      %dma_start3A_438 = arith.constant 128 : i32
      %dma_start3A_439 = tpu.memref_slice %arg11[%dma_start3A_438] : memref<1024xi32, #tpu.memory_space<vmem>> -> memref<128xi32, #tpu.memory_space<vmem>>
      %dma_start3A_440 = arith.constant 0 : i32
      %dma_start3A_441 = arith.constant 0 : i32
      %dma_start3A_442 = tpu.memref_slice %arg2[%dma_start3A_440, %dma_start3A_441] : memref<40000x128xf32, #tpu.memory_space<hbm>> -> memref<40000x128xf32, #tpu.memory_space<hbm>>
      tpu.enqueue_indirect_dma source(%dma_start3A_442 : memref<40000x128xf32, #tpu.memory_space<hbm>>) target(%arg17 : memref<128x128xf32, #tpu.memory_space<vmem>>) offsets(%dma_start3A_439 : memref<128xi32, #tpu.memory_space<vmem>>) semaphore(%arg19 : memref<!tpu.dma_semaphore, #tpu.memory_space<semaphore_mem>>)
      %add3A_443 = arith.constant 1 : i32
      %add3A_444 = arith.addi %add3A_133, %add3A_443 : i32
      %add3A_445 = arith.constant 1 : i32
      %add3A_446 = arith.addi %add3A_444, %add3A_445 : i32
      %mul3A_447 = arith.constant 21504 : i32
      %mul3A_448 = arith.muli %arg1, %mul3A_447 : i32
      %mul3A_449 = arith.constant 1024 : i32
      %mul3A_450 = arith.muli %add3A_446, %mul3A_449 : i32
      %add3A_451 = arith.addi %mul3A_448, %mul3A_450 : i32
      "tpu.region"() ({
        %run_scoped3A = tpu.sem_alloc : memref<!tpu.dma_semaphore, #tpu.memory_space<semaphore_mem>>
        %dma_start3A_752 = tpu.memref_slice %arg3[%add3A_451] : memref<344064xi32, #tpu.memory_space<hbm>> -> memref<1024xi32, #tpu.memory_space<hbm>>
        %dma_start3A_753 = tpu.memref_slice %arg3[%add3A_451] : memref<344064xi32, #tpu.memory_space<hbm>> -> memref<1024xi32, #tpu.memory_space<hbm>>
        tpu.enqueue_dma source(%dma_start3A_753 : memref<1024xi32, #tpu.memory_space<hbm>>) target(%arg10 : memref<1024xi32, #tpu.memory_space<vmem>>) target_semaphore(%run_scoped3A : memref<!tpu.dma_semaphore, #tpu.memory_space<semaphore_mem>>)
        %dma_wait3A_754 = tpu.memref_slice %arg3[%add3A_451] : memref<344064xi32, #tpu.memory_space<hbm>> -> memref<1024xi32, #tpu.memory_space<hbm>>
        %dma_wait3A_755 = tpu.memref_slice %arg3[%add3A_451] : memref<344064xi32, #tpu.memory_space<hbm>> -> memref<1024xi32, #tpu.memory_space<hbm>>
        tpu.wait_dma2 semaphore(%run_scoped3A : memref<!tpu.dma_semaphore, #tpu.memory_space<semaphore_mem>>) src(%dma_wait3A_755 : memref<1024xi32, #tpu.memory_space<hbm>>) dst(%arg10 : memref<1024xi32, #tpu.memory_space<vmem>>)
        tpu.yield
      }) : () -> ()
      %mul3A_452 = arith.constant 21 : i32
      %mul3A_453 = arith.muli %arg1, %mul3A_452 : i32
      %mul3A_454 = arith.constant 8 : i32
      %mul3A_455 = arith.muli %mul3A_453, %mul3A_454 : i32
      %mul3A_456 = arith.constant 8 : i32
      %mul3A_457 = arith.muli %add3A_446, %mul3A_456 : i32
      %add3A_458 = arith.addi %mul3A_455, %mul3A_457 : i32
      "tpu.region"() ({
        %run_scoped3A = tpu.sem_alloc : memref<!tpu.dma_semaphore, #tpu.memory_space<semaphore_mem>>
        %dma_start3A_752 = arith.constant 0 : i32
        %dma_start3A_753 = tpu.memref_slice %arg4[%add3A_458, %dma_start3A_752] : memref<2688x128xi32, #tpu.memory_space<hbm>> -> memref<8x128xi32, #tpu.memory_space<hbm>>
        %dma_start3A_754 = arith.constant 0 : i32
        %dma_start3A_755 = tpu.memref_slice %arg4[%add3A_458, %dma_start3A_754] : memref<2688x128xi32, #tpu.memory_space<hbm>> -> memref<8x128xi32, #tpu.memory_space<hbm>>
        tpu.enqueue_dma source(%dma_start3A_755 : memref<8x128xi32, #tpu.memory_space<hbm>>) target(%arg12 : memref<8x128xi32, #tpu.memory_space<vmem>>) target_semaphore(%run_scoped3A : memref<!tpu.dma_semaphore, #tpu.memory_space<semaphore_mem>>)
        %dma_wait3A_756 = arith.constant 0 : i32
        %dma_wait3A_757 = tpu.memref_slice %arg4[%add3A_458, %dma_wait3A_756] : memref<2688x128xi32, #tpu.memory_space<hbm>> -> memref<8x128xi32, #tpu.memory_space<hbm>>
        %dma_wait3A_758 = arith.constant 0 : i32
        %dma_wait3A_759 = tpu.memref_slice %arg4[%add3A_458, %dma_wait3A_758] : memref<2688x128xi32, #tpu.memory_space<hbm>> -> memref<8x128xi32, #tpu.memory_space<hbm>>
        tpu.wait_dma2 semaphore(%run_scoped3A : memref<!tpu.dma_semaphore, #tpu.memory_space<semaphore_mem>>) src(%dma_wait3A_759 : memref<8x128xi32, #tpu.memory_space<hbm>>) dst(%arg12 : memref<8x128xi32, #tpu.memory_space<vmem>>)
        tpu.yield
      }) : () -> ()
      %scan3A_459 = arith.constant 0 : i32
      %scan3A_460 = arith.constant 64 : i32
      %scan3A_461 = arith.addi %scan3A_459, %scan3A_460 : i32
      %scan3A_462 = arith.constant 1 : i32
      scf.for %scan3A_752 = %scan3A_459 to %scan3A_461 step %scan3A_462  : i32 {
        %mul3A_753 = arith.constant 1 : i32
        %mul3A_754 = arith.muli %scan3A_752, %mul3A_753 : i32
        %add3A_755 = arith.constant 0 : i32
        %add3A_756 = arith.addi %add3A_755, %mul3A_754 : i32
        %mul3A_757 = arith.constant 16 : i32
        %mul3A_758 = arith.muli %add3A_756, %mul3A_757 : i32
        %get3A = arith.index_cast %mul3A_758 : i32 to index
        %get3A_759 = tpu.vector_load %arg10[%get3A] {strides = array<i32>} : memref<1024xi32, #tpu.memory_space<vmem>>, vector<16xi32>,
        %get3A_760 = vector.shape_cast %get3A_759 : vector<16xi32> to vector<16xi32>
        %add3A_761 = vector.broadcast %mul3A_12 : i32 to vector<16xi32>
        %add3A_762 = arith.addi %get3A_760, %add3A_761 : vector<16xi32>
        %swap3A = arith.index_cast %mul3A_758 : i32 to index
        %swap3A_763 = tpu.vector_load %arg10[%swap3A] {strides = array<i32>} : memref<1024xi32, #tpu.memory_space<vmem>>, vector<16xi32>,
        %swap3A_764 = vector.shape_cast %swap3A_763 : vector<16xi32> to vector<16xi32>
        %swap3A_765 = vector.shape_cast %add3A_762 : vector<16xi32> to vector<16xi32>
        tpu.vector_store %arg10[%swap3A], %swap3A_765 {strides = array<i32>} : memref<1024xi32, #tpu.memory_space<vmem>>, vector<16xi32>,
      }
      %scan3A_463 = arith.constant 64 : i32
      %dma_wait3A_464 = arith.constant 0 : i32
      %dma_wait3A_465 = tpu.memref_slice %arg11[%dma_wait3A_464] : memref<1024xi32, #tpu.memory_space<vmem>> -> memref<128xi32, #tpu.memory_space<vmem>>
      %dma_wait3A_466 = arith.constant 0 : i32
      %dma_wait3A_467 = arith.constant 0 : i32
      %dma_wait3A_468 = tpu.memref_slice %arg2[%dma_wait3A_466, %dma_wait3A_467] : memref<40000x128xf32, #tpu.memory_space<hbm>> -> memref<40000x128xf32, #tpu.memory_space<hbm>>
      tpu.wait_indirect_dma semaphore(%arg18 : memref<!tpu.dma_semaphore, #tpu.memory_space<semaphore_mem>>) src(%dma_wait3A_468 : memref<40000x128xf32, #tpu.memory_space<hbm>>) dst(%arg16 : memref<128x128xf32, #tpu.memory_space<vmem>>)
      %dma_start3A_469 = arith.constant 0 : i32
      %dma_start3A_470 = arith.constant 0 : i32
      %dma_start3A_471 = tpu.memref_slice %arg13[%dma_start3A_469, %dma_start3A_470] : memref<8x128xi32, #tpu.memory_space<vmem>> -> memref<1x128xi32, #tpu.memory_space<vmem>>
      %dma_start3A_472 = tpu.memref_squeeze %dma_start3A_471 : memref<1x128xi32, #tpu.memory_space<vmem>> -> memref<128xi32, #tpu.memory_space<vmem>>
      %dma_start3A_473 = arith.constant 0 : i32
      %dma_start3A_474 = arith.constant 0 : i32
      %dma_start3A_475 = tpu.memref_slice %arg8[%dma_start3A_473, %dma_start3A_474] : memref<10240x128xf32, #tpu.memory_space<vmem_shared>> -> memref<10240x128xf32, #tpu.memory_space<vmem_shared>>
      tpu.enqueue_indirect_dma source(%arg16 : memref<128x128xf32, #tpu.memory_space<vmem>>) target(%dma_start3A_475 : memref<10240x128xf32, #tpu.memory_space<vmem_shared>>) offsets(%dma_start3A_472 : memref<128xi32, #tpu.memory_space<vmem>>) semaphore(%arg20 : memref<!tpu.dma_semaphore, #tpu.memory_space<semaphore_mem>>) {add = true}
      %dma_start3A_476 = arith.constant 0 : i32
      %dma_start3A_477 = arith.constant 0 : i32
      %dma_start3A_478 = tpu.memref_slice %arg13[%dma_start3A_476, %dma_start3A_477] : memref<8x128xi32, #tpu.memory_space<vmem>> -> memref<1x128xi32, #tpu.memory_space<vmem>>
      %dma_start3A_479 = tpu.memref_squeeze %dma_start3A_478 : memref<1x128xi32, #tpu.memory_space<vmem>> -> memref<128xi32, #tpu.memory_space<vmem>>
      %dma_start3A_480 = arith.constant 0 : i32
      %dma_start3A_481 = tpu.memref_slice %arg9[%dma_start3A_480] : memref<10240xf32, #tpu.memory_space<vmem_shared>> -> memref<10240xf32, #tpu.memory_space<vmem_shared>>
      tpu.enqueue_indirect_dma source(%arg14 : memref<128xf32, #tpu.memory_space<vmem>>) target(%dma_start3A_481 : memref<10240xf32, #tpu.memory_space<vmem_shared>>) offsets(%dma_start3A_479 : memref<128xi32, #tpu.memory_space<vmem>>) semaphore(%arg22 : memref<!tpu.dma_semaphore, #tpu.memory_space<semaphore_mem>>) {add = true}
      %dma_wait3A_482 = arith.constant 0 : i32
      %dma_wait3A_483 = arith.constant 0 : i32
      %dma_wait3A_484 = tpu.memref_slice %arg13[%dma_wait3A_482, %dma_wait3A_483] : memref<8x128xi32, #tpu.memory_space<vmem>> -> memref<1x128xi32, #tpu.memory_space<vmem>>
      %dma_wait3A_485 = tpu.memref_squeeze %dma_wait3A_484 : memref<1x128xi32, #tpu.memory_space<vmem>> -> memref<128xi32, #tpu.memory_space<vmem>>
      %dma_wait3A_486 = arith.constant 0 : i32
      %dma_wait3A_487 = arith.constant 0 : i32
      %dma_wait3A_488 = tpu.memref_slice %arg8[%dma_wait3A_486, %dma_wait3A_487] : memref<10240x128xf32, #tpu.memory_space<vmem_shared>> -> memref<10240x128xf32, #tpu.memory_space<vmem_shared>>
      tpu.wait_indirect_dma semaphore(%arg20 : memref<!tpu.dma_semaphore, #tpu.memory_space<semaphore_mem>>) src(%arg16 : memref<128x128xf32, #tpu.memory_space<vmem>>) dst(%dma_wait3A_488 : memref<10240x128xf32, #tpu.memory_space<vmem_shared>>)
      %dma_wait3A_489 = arith.constant 0 : i32
      %dma_wait3A_490 = arith.constant 0 : i32
      %dma_wait3A_491 = tpu.memref_slice %arg13[%dma_wait3A_489, %dma_wait3A_490] : memref<8x128xi32, #tpu.memory_space<vmem>> -> memref<1x128xi32, #tpu.memory_space<vmem>>
      %dma_wait3A_492 = tpu.memref_squeeze %dma_wait3A_491 : memref<1x128xi32, #tpu.memory_space<vmem>> -> memref<128xi32, #tpu.memory_space<vmem>>
      %dma_wait3A_493 = arith.constant 0 : i32
      %dma_wait3A_494 = tpu.memref_slice %arg9[%dma_wait3A_493] : memref<10240xf32, #tpu.memory_space<vmem_shared>> -> memref<10240xf32, #tpu.memory_space<vmem_shared>>
      tpu.wait_indirect_dma semaphore(%arg22 : memref<!tpu.dma_semaphore, #tpu.memory_space<semaphore_mem>>) src(%arg14 : memref<128xf32, #tpu.memory_space<vmem>>) dst(%dma_wait3A_494 : memref<10240xf32, #tpu.memory_space<vmem_shared>>)
      %dma_start3A_495 = arith.constant 256 : i32
      %dma_start3A_496 = tpu.memref_slice %arg11[%dma_start3A_495] : memref<1024xi32, #tpu.memory_space<vmem>> -> memref<128xi32, #tpu.memory_space<vmem>>
      %dma_start3A_497 = arith.constant 0 : i32
      %dma_start3A_498 = arith.constant 0 : i32
      %dma_start3A_499 = tpu.memref_slice %arg2[%dma_start3A_497, %dma_start3A_498] : memref<40000x128xf32, #tpu.memory_space<hbm>> -> memref<40000x128xf32, #tpu.memory_space<hbm>>
      tpu.enqueue_indirect_dma source(%dma_start3A_499 : memref<40000x128xf32, #tpu.memory_space<hbm>>) target(%arg16 : memref<128x128xf32, #tpu.memory_space<vmem>>) offsets(%dma_start3A_496 : memref<128xi32, #tpu.memory_space<vmem>>) semaphore(%arg18 : memref<!tpu.dma_semaphore, #tpu.memory_space<semaphore_mem>>)
      %dma_wait3A_500 = arith.constant 128 : i32
      %dma_wait3A_501 = tpu.memref_slice %arg11[%dma_wait3A_500] : memref<1024xi32, #tpu.memory_space<vmem>> -> memref<128xi32, #tpu.memory_space<vmem>>
      %dma_wait3A_502 = arith.constant 0 : i32
      %dma_wait3A_503 = arith.constant 0 : i32
      %dma_wait3A_504 = tpu.memref_slice %arg2[%dma_wait3A_502, %dma_wait3A_503] : memref<40000x128xf32, #tpu.memory_space<hbm>> -> memref<40000x128xf32, #tpu.memory_space<hbm>>
      tpu.wait_indirect_dma semaphore(%arg19 : memref<!tpu.dma_semaphore, #tpu.memory_space<semaphore_mem>>) src(%dma_wait3A_504 : memref<40000x128xf32, #tpu.memory_space<hbm>>) dst(%arg17 : memref<128x128xf32, #tpu.memory_space<vmem>>)
      %dma_start3A_505 = arith.constant 1 : i32
      %dma_start3A_506 = arith.constant 0 : i32
      %dma_start3A_507 = tpu.memref_slice %arg13[%dma_start3A_505, %dma_start3A_506] : memref<8x128xi32, #tpu.memory_space<vmem>> -> memref<1x128xi32, #tpu.memory_space<vmem>>
      %dma_start3A_508 = tpu.memref_squeeze %dma_start3A_507 : memref<1x128xi32, #tpu.memory_space<vmem>> -> memref<128xi32, #tpu.memory_space<vmem>>
      %dma_start3A_509 = arith.constant 0 : i32
      %dma_start3A_510 = arith.constant 0 : i32
      %dma_start3A_511 = tpu.memref_slice %arg8[%dma_start3A_509, %dma_start3A_510] : memref<10240x128xf32, #tpu.memory_space<vmem_shared>> -> memref<10240x128xf32, #tpu.memory_space<vmem_shared>>
      tpu.enqueue_indirect_dma source(%arg17 : memref<128x128xf32, #tpu.memory_space<vmem>>) target(%dma_start3A_511 : memref<10240x128xf32, #tpu.memory_space<vmem_shared>>) offsets(%dma_start3A_508 : memref<128xi32, #tpu.memory_space<vmem>>) semaphore(%arg21 : memref<!tpu.dma_semaphore, #tpu.memory_space<semaphore_mem>>) {add = true}
      %dma_start3A_512 = arith.constant 1 : i32
      %dma_start3A_513 = arith.constant 0 : i32
      %dma_start3A_514 = tpu.memref_slice %arg13[%dma_start3A_512, %dma_start3A_513] : memref<8x128xi32, #tpu.memory_space<vmem>> -> memref<1x128xi32, #tpu.memory_space<vmem>>
      %dma_start3A_515 = tpu.memref_squeeze %dma_start3A_514 : memref<1x128xi32, #tpu.memory_space<vmem>> -> memref<128xi32, #tpu.memory_space<vmem>>
      %dma_start3A_516 = arith.constant 0 : i32
      %dma_start3A_517 = tpu.memref_slice %arg9[%dma_start3A_516] : memref<10240xf32, #tpu.memory_space<vmem_shared>> -> memref<10240xf32, #tpu.memory_space<vmem_shared>>
      tpu.enqueue_indirect_dma source(%arg14 : memref<128xf32, #tpu.memory_space<vmem>>) target(%dma_start3A_517 : memref<10240xf32, #tpu.memory_space<vmem_shared>>) offsets(%dma_start3A_515 : memref<128xi32, #tpu.memory_space<vmem>>) semaphore(%arg23 : memref<!tpu.dma_semaphore, #tpu.memory_space<semaphore_mem>>) {add = true}
      %dma_wait3A_518 = arith.constant 1 : i32
      %dma_wait3A_519 = arith.constant 0 : i32
      %dma_wait3A_520 = tpu.memref_slice %arg13[%dma_wait3A_518, %dma_wait3A_519] : memref<8x128xi32, #tpu.memory_space<vmem>> -> memref<1x128xi32, #tpu.memory_space<vmem>>
      %dma_wait3A_521 = tpu.memref_squeeze %dma_wait3A_520 : memref<1x128xi32, #tpu.memory_space<vmem>> -> memref<128xi32, #tpu.memory_space<vmem>>
      %dma_wait3A_522 = arith.constant 0 : i32
      %dma_wait3A_523 = arith.constant 0 : i32
      %dma_wait3A_524 = tpu.memref_slice %arg8[%dma_wait3A_522, %dma_wait3A_523] : memref<10240x128xf32, #tpu.memory_space<vmem_shared>> -> memref<10240x128xf32, #tpu.memory_space<vmem_shared>>
      tpu.wait_indirect_dma semaphore(%arg21 : memref<!tpu.dma_semaphore, #tpu.memory_space<semaphore_mem>>) src(%arg17 : memref<128x128xf32, #tpu.memory_space<vmem>>) dst(%dma_wait3A_524 : memref<10240x128xf32, #tpu.memory_space<vmem_shared>>)
      %dma_wait3A_525 = arith.constant 1 : i32
      %dma_wait3A_526 = arith.constant 0 : i32
      %dma_wait3A_527 = tpu.memref_slice %arg13[%dma_wait3A_525, %dma_wait3A_526] : memref<8x128xi32, #tpu.memory_space<vmem>> -> memref<1x128xi32, #tpu.memory_space<vmem>>
      %dma_wait3A_528 = tpu.memref_squeeze %dma_wait3A_527 : memref<1x128xi32, #tpu.memory_space<vmem>> -> memref<128xi32, #tpu.memory_space<vmem>>
      %dma_wait3A_529 = arith.constant 0 : i32
      %dma_wait3A_530 = tpu.memref_slice %arg9[%dma_wait3A_529] : memref<10240xf32, #tpu.memory_space<vmem_shared>> -> memref<10240xf32, #tpu.memory_space<vmem_shared>>
      tpu.wait_indirect_dma semaphore(%arg23 : memref<!tpu.dma_semaphore, #tpu.memory_space<semaphore_mem>>) src(%arg14 : memref<128xf32, #tpu.memory_space<vmem>>) dst(%dma_wait3A_530 : memref<10240xf32, #tpu.memory_space<vmem_shared>>)
      %dma_start3A_531 = arith.constant 384 : i32
      %dma_start3A_532 = tpu.memref_slice %arg11[%dma_start3A_531] : memref<1024xi32, #tpu.memory_space<vmem>> -> memref<128xi32, #tpu.memory_space<vmem>>
      %dma_start3A_533 = arith.constant 0 : i32
      %dma_start3A_534 = arith.constant 0 : i32
      %dma_start3A_535 = tpu.memref_slice %arg2[%dma_start3A_533, %dma_start3A_534] : memref<40000x128xf32, #tpu.memory_space<hbm>> -> memref<40000x128xf32, #tpu.memory_space<hbm>>
      tpu.enqueue_indirect_dma source(%dma_start3A_535 : memref<40000x128xf32, #tpu.memory_space<hbm>>) target(%arg17 : memref<128x128xf32, #tpu.memory_space<vmem>>) offsets(%dma_start3A_532 : memref<128xi32, #tpu.memory_space<vmem>>) semaphore(%arg19 : memref<!tpu.dma_semaphore, #tpu.memory_space<semaphore_mem>>)
      %dma_wait3A_536 = arith.constant 256 : i32
      %dma_wait3A_537 = tpu.memref_slice %arg11[%dma_wait3A_536] : memref<1024xi32, #tpu.memory_space<vmem>> -> memref<128xi32, #tpu.memory_space<vmem>>
      %dma_wait3A_538 = arith.constant 0 : i32
      %dma_wait3A_539 = arith.constant 0 : i32
      %dma_wait3A_540 = tpu.memref_slice %arg2[%dma_wait3A_538, %dma_wait3A_539] : memref<40000x128xf32, #tpu.memory_space<hbm>> -> memref<40000x128xf32, #tpu.memory_space<hbm>>
      tpu.wait_indirect_dma semaphore(%arg18 : memref<!tpu.dma_semaphore, #tpu.memory_space<semaphore_mem>>) src(%dma_wait3A_540 : memref<40000x128xf32, #tpu.memory_space<hbm>>) dst(%arg16 : memref<128x128xf32, #tpu.memory_space<vmem>>)
      %dma_start3A_541 = arith.constant 2 : i32
      %dma_start3A_542 = arith.constant 0 : i32
      %dma_start3A_543 = tpu.memref_slice %arg13[%dma_start3A_541, %dma_start3A_542] : memref<8x128xi32, #tpu.memory_space<vmem>> -> memref<1x128xi32, #tpu.memory_space<vmem>>
      %dma_start3A_544 = tpu.memref_squeeze %dma_start3A_543 : memref<1x128xi32, #tpu.memory_space<vmem>> -> memref<128xi32, #tpu.memory_space<vmem>>
      %dma_start3A_545 = arith.constant 0 : i32
      %dma_start3A_546 = arith.constant 0 : i32
      %dma_start3A_547 = tpu.memref_slice %arg8[%dma_start3A_545, %dma_start3A_546] : memref<10240x128xf32, #tpu.memory_space<vmem_shared>> -> memref<10240x128xf32, #tpu.memory_space<vmem_shared>>
      tpu.enqueue_indirect_dma source(%arg16 : memref<128x128xf32, #tpu.memory_space<vmem>>) target(%dma_start3A_547 : memref<10240x128xf32, #tpu.memory_space<vmem_shared>>) offsets(%dma_start3A_544 : memref<128xi32, #tpu.memory_space<vmem>>) semaphore(%arg20 : memref<!tpu.dma_semaphore, #tpu.memory_space<semaphore_mem>>) {add = true}
      %dma_start3A_548 = arith.constant 2 : i32
      %dma_start3A_549 = arith.constant 0 : i32
      %dma_start3A_550 = tpu.memref_slice %arg13[%dma_start3A_548, %dma_start3A_549] : memref<8x128xi32, #tpu.memory_space<vmem>> -> memref<1x128xi32, #tpu.memory_space<vmem>>
      %dma_start3A_551 = tpu.memref_squeeze %dma_start3A_550 : memref<1x128xi32, #tpu.memory_space<vmem>> -> memref<128xi32, #tpu.memory_space<vmem>>
      %dma_start3A_552 = arith.constant 0 : i32
      %dma_start3A_553 = tpu.memref_slice %arg9[%dma_start3A_552] : memref<10240xf32, #tpu.memory_space<vmem_shared>> -> memref<10240xf32, #tpu.memory_space<vmem_shared>>
      tpu.enqueue_indirect_dma source(%arg14 : memref<128xf32, #tpu.memory_space<vmem>>) target(%dma_start3A_553 : memref<10240xf32, #tpu.memory_space<vmem_shared>>) offsets(%dma_start3A_551 : memref<128xi32, #tpu.memory_space<vmem>>) semaphore(%arg22 : memref<!tpu.dma_semaphore, #tpu.memory_space<semaphore_mem>>) {add = true}
      %dma_wait3A_554 = arith.constant 2 : i32
      %dma_wait3A_555 = arith.constant 0 : i32
      %dma_wait3A_556 = tpu.memref_slice %arg13[%dma_wait3A_554, %dma_wait3A_555] : memref<8x128xi32, #tpu.memory_space<vmem>> -> memref<1x128xi32, #tpu.memory_space<vmem>>
      %dma_wait3A_557 = tpu.memref_squeeze %dma_wait3A_556 : memref<1x128xi32, #tpu.memory_space<vmem>> -> memref<128xi32, #tpu.memory_space<vmem>>
      %dma_wait3A_558 = arith.constant 0 : i32
      %dma_wait3A_559 = arith.constant 0 : i32
      %dma_wait3A_560 = tpu.memref_slice %arg8[%dma_wait3A_558, %dma_wait3A_559] : memref<10240x128xf32, #tpu.memory_space<vmem_shared>> -> memref<10240x128xf32, #tpu.memory_space<vmem_shared>>
      tpu.wait_indirect_dma semaphore(%arg20 : memref<!tpu.dma_semaphore, #tpu.memory_space<semaphore_mem>>) src(%arg16 : memref<128x128xf32, #tpu.memory_space<vmem>>) dst(%dma_wait3A_560 : memref<10240x128xf32, #tpu.memory_space<vmem_shared>>)
      %dma_wait3A_561 = arith.constant 2 : i32
      %dma_wait3A_562 = arith.constant 0 : i32
      %dma_wait3A_563 = tpu.memref_slice %arg13[%dma_wait3A_561, %dma_wait3A_562] : memref<8x128xi32, #tpu.memory_space<vmem>> -> memref<1x128xi32, #tpu.memory_space<vmem>>
      %dma_wait3A_564 = tpu.memref_squeeze %dma_wait3A_563 : memref<1x128xi32, #tpu.memory_space<vmem>> -> memref<128xi32, #tpu.memory_space<vmem>>
      %dma_wait3A_565 = arith.constant 0 : i32
      %dma_wait3A_566 = tpu.memref_slice %arg9[%dma_wait3A_565] : memref<10240xf32, #tpu.memory_space<vmem_shared>> -> memref<10240xf32, #tpu.memory_space<vmem_shared>>
      tpu.wait_indirect_dma semaphore(%arg22 : memref<!tpu.dma_semaphore, #tpu.memory_space<semaphore_mem>>) src(%arg14 : memref<128xf32, #tpu.memory_space<vmem>>) dst(%dma_wait3A_566 : memref<10240xf32, #tpu.memory_space<vmem_shared>>)
      %dma_start3A_567 = arith.constant 512 : i32
      %dma_start3A_568 = tpu.memref_slice %arg11[%dma_start3A_567] : memref<1024xi32, #tpu.memory_space<vmem>> -> memref<128xi32, #tpu.memory_space<vmem>>
      %dma_start3A_569 = arith.constant 0 : i32
      %dma_start3A_570 = arith.constant 0 : i32
      %dma_start3A_571 = tpu.memref_slice %arg2[%dma_start3A_569, %dma_start3A_570] : memref<40000x128xf32, #tpu.memory_space<hbm>> -> memref<40000x128xf32, #tpu.memory_space<hbm>>
      tpu.enqueue_indirect_dma source(%dma_start3A_571 : memref<40000x128xf32, #tpu.memory_space<hbm>>) target(%arg16 : memref<128x128xf32, #tpu.memory_space<vmem>>) offsets(%dma_start3A_568 : memref<128xi32, #tpu.memory_space<vmem>>) semaphore(%arg18 : memref<!tpu.dma_semaphore, #tpu.memory_space<semaphore_mem>>)
      %dma_wait3A_572 = arith.constant 384 : i32
      %dma_wait3A_573 = tpu.memref_slice %arg11[%dma_wait3A_572] : memref<1024xi32, #tpu.memory_space<vmem>> -> memref<128xi32, #tpu.memory_space<vmem>>
      %dma_wait3A_574 = arith.constant 0 : i32
      %dma_wait3A_575 = arith.constant 0 : i32
      %dma_wait3A_576 = tpu.memref_slice %arg2[%dma_wait3A_574, %dma_wait3A_575] : memref<40000x128xf32, #tpu.memory_space<hbm>> -> memref<40000x128xf32, #tpu.memory_space<hbm>>
      tpu.wait_indirect_dma semaphore(%arg19 : memref<!tpu.dma_semaphore, #tpu.memory_space<semaphore_mem>>) src(%dma_wait3A_576 : memref<40000x128xf32, #tpu.memory_space<hbm>>) dst(%arg17 : memref<128x128xf32, #tpu.memory_space<vmem>>)
      %dma_start3A_577 = arith.constant 3 : i32
      %dma_start3A_578 = arith.constant 0 : i32
      %dma_start3A_579 = tpu.memref_slice %arg13[%dma_start3A_577, %dma_start3A_578] : memref<8x128xi32, #tpu.memory_space<vmem>> -> memref<1x128xi32, #tpu.memory_space<vmem>>
      %dma_start3A_580 = tpu.memref_squeeze %dma_start3A_579 : memref<1x128xi32, #tpu.memory_space<vmem>> -> memref<128xi32, #tpu.memory_space<vmem>>
      %dma_start3A_581 = arith.constant 0 : i32
      %dma_start3A_582 = arith.constant 0 : i32
      %dma_start3A_583 = tpu.memref_slice %arg8[%dma_start3A_581, %dma_start3A_582] : memref<10240x128xf32, #tpu.memory_space<vmem_shared>> -> memref<10240x128xf32, #tpu.memory_space<vmem_shared>>
      tpu.enqueue_indirect_dma source(%arg17 : memref<128x128xf32, #tpu.memory_space<vmem>>) target(%dma_start3A_583 : memref<10240x128xf32, #tpu.memory_space<vmem_shared>>) offsets(%dma_start3A_580 : memref<128xi32, #tpu.memory_space<vmem>>) semaphore(%arg21 : memref<!tpu.dma_semaphore, #tpu.memory_space<semaphore_mem>>) {add = true}
      %dma_start3A_584 = arith.constant 3 : i32
      %dma_start3A_585 = arith.constant 0 : i32
      %dma_start3A_586 = tpu.memref_slice %arg13[%dma_start3A_584, %dma_start3A_585] : memref<8x128xi32, #tpu.memory_space<vmem>> -> memref<1x128xi32, #tpu.memory_space<vmem>>
      %dma_start3A_587 = tpu.memref_squeeze %dma_start3A_586 : memref<1x128xi32, #tpu.memory_space<vmem>> -> memref<128xi32, #tpu.memory_space<vmem>>
      %dma_start3A_588 = arith.constant 0 : i32
      %dma_start3A_589 = tpu.memref_slice %arg9[%dma_start3A_588] : memref<10240xf32, #tpu.memory_space<vmem_shared>> -> memref<10240xf32, #tpu.memory_space<vmem_shared>>
      tpu.enqueue_indirect_dma source(%arg14 : memref<128xf32, #tpu.memory_space<vmem>>) target(%dma_start3A_589 : memref<10240xf32, #tpu.memory_space<vmem_shared>>) offsets(%dma_start3A_587 : memref<128xi32, #tpu.memory_space<vmem>>) semaphore(%arg23 : memref<!tpu.dma_semaphore, #tpu.memory_space<semaphore_mem>>) {add = true}
      %dma_wait3A_590 = arith.constant 3 : i32
      %dma_wait3A_591 = arith.constant 0 : i32
      %dma_wait3A_592 = tpu.memref_slice %arg13[%dma_wait3A_590, %dma_wait3A_591] : memref<8x128xi32, #tpu.memory_space<vmem>> -> memref<1x128xi32, #tpu.memory_space<vmem>>
      %dma_wait3A_593 = tpu.memref_squeeze %dma_wait3A_592 : memref<1x128xi32, #tpu.memory_space<vmem>> -> memref<128xi32, #tpu.memory_space<vmem>>
      %dma_wait3A_594 = arith.constant 0 : i32
      %dma_wait3A_595 = arith.constant 0 : i32
      %dma_wait3A_596 = tpu.memref_slice %arg8[%dma_wait3A_594, %dma_wait3A_595] : memref<10240x128xf32, #tpu.memory_space<vmem_shared>> -> memref<10240x128xf32, #tpu.memory_space<vmem_shared>>
      tpu.wait_indirect_dma semaphore(%arg21 : memref<!tpu.dma_semaphore, #tpu.memory_space<semaphore_mem>>) src(%arg17 : memref<128x128xf32, #tpu.memory_space<vmem>>) dst(%dma_wait3A_596 : memref<10240x128xf32, #tpu.memory_space<vmem_shared>>)
      %dma_wait3A_597 = arith.constant 3 : i32
      %dma_wait3A_598 = arith.constant 0 : i32
      %dma_wait3A_599 = tpu.memref_slice %arg13[%dma_wait3A_597, %dma_wait3A_598] : memref<8x128xi32, #tpu.memory_space<vmem>> -> memref<1x128xi32, #tpu.memory_space<vmem>>
      %dma_wait3A_600 = tpu.memref_squeeze %dma_wait3A_599 : memref<1x128xi32, #tpu.memory_space<vmem>> -> memref<128xi32, #tpu.memory_space<vmem>>
      %dma_wait3A_601 = arith.constant 0 : i32
      %dma_wait3A_602 = tpu.memref_slice %arg9[%dma_wait3A_601] : memref<10240xf32, #tpu.memory_space<vmem_shared>> -> memref<10240xf32, #tpu.memory_space<vmem_shared>>
      tpu.wait_indirect_dma semaphore(%arg23 : memref<!tpu.dma_semaphore, #tpu.memory_space<semaphore_mem>>) src(%arg14 : memref<128xf32, #tpu.memory_space<vmem>>) dst(%dma_wait3A_602 : memref<10240xf32, #tpu.memory_space<vmem_shared>>)
      %dma_start3A_603 = arith.constant 640 : i32
      %dma_start3A_604 = tpu.memref_slice %arg11[%dma_start3A_603] : memref<1024xi32, #tpu.memory_space<vmem>> -> memref<128xi32, #tpu.memory_space<vmem>>
      %dma_start3A_605 = arith.constant 0 : i32
      %dma_start3A_606 = arith.constant 0 : i32
      %dma_start3A_607 = tpu.memref_slice %arg2[%dma_start3A_605, %dma_start3A_606] : memref<40000x128xf32, #tpu.memory_space<hbm>> -> memref<40000x128xf32, #tpu.memory_space<hbm>>
      tpu.enqueue_indirect_dma source(%dma_start3A_607 : memref<40000x128xf32, #tpu.memory_space<hbm>>) target(%arg17 : memref<128x128xf32, #tpu.memory_space<vmem>>) offsets(%dma_start3A_604 : memref<128xi32, #tpu.memory_space<vmem>>) semaphore(%arg19 : memref<!tpu.dma_semaphore, #tpu.memory_space<semaphore_mem>>)
      %dma_wait3A_608 = arith.constant 512 : i32
      %dma_wait3A_609 = tpu.memref_slice %arg11[%dma_wait3A_608] : memref<1024xi32, #tpu.memory_space<vmem>> -> memref<128xi32, #tpu.memory_space<vmem>>
      %dma_wait3A_610 = arith.constant 0 : i32
      %dma_wait3A_611 = arith.constant 0 : i32
      %dma_wait3A_612 = tpu.memref_slice %arg2[%dma_wait3A_610, %dma_wait3A_611] : memref<40000x128xf32, #tpu.memory_space<hbm>> -> memref<40000x128xf32, #tpu.memory_space<hbm>>
      tpu.wait_indirect_dma semaphore(%arg18 : memref<!tpu.dma_semaphore, #tpu.memory_space<semaphore_mem>>) src(%dma_wait3A_612 : memref<40000x128xf32, #tpu.memory_space<hbm>>) dst(%arg16 : memref<128x128xf32, #tpu.memory_space<vmem>>)
      %dma_start3A_613 = arith.constant 4 : i32
      %dma_start3A_614 = arith.constant 0 : i32
      %dma_start3A_615 = tpu.memref_slice %arg13[%dma_start3A_613, %dma_start3A_614] : memref<8x128xi32, #tpu.memory_space<vmem>> -> memref<1x128xi32, #tpu.memory_space<vmem>>
      %dma_start3A_616 = tpu.memref_squeeze %dma_start3A_615 : memref<1x128xi32, #tpu.memory_space<vmem>> -> memref<128xi32, #tpu.memory_space<vmem>>
      %dma_start3A_617 = arith.constant 0 : i32
      %dma_start3A_618 = arith.constant 0 : i32
      %dma_start3A_619 = tpu.memref_slice %arg8[%dma_start3A_617, %dma_start3A_618] : memref<10240x128xf32, #tpu.memory_space<vmem_shared>> -> memref<10240x128xf32, #tpu.memory_space<vmem_shared>>
      tpu.enqueue_indirect_dma source(%arg16 : memref<128x128xf32, #tpu.memory_space<vmem>>) target(%dma_start3A_619 : memref<10240x128xf32, #tpu.memory_space<vmem_shared>>) offsets(%dma_start3A_616 : memref<128xi32, #tpu.memory_space<vmem>>) semaphore(%arg20 : memref<!tpu.dma_semaphore, #tpu.memory_space<semaphore_mem>>) {add = true}
      %dma_start3A_620 = arith.constant 4 : i32
      %dma_start3A_621 = arith.constant 0 : i32
      %dma_start3A_622 = tpu.memref_slice %arg13[%dma_start3A_620, %dma_start3A_621] : memref<8x128xi32, #tpu.memory_space<vmem>> -> memref<1x128xi32, #tpu.memory_space<vmem>>
      %dma_start3A_623 = tpu.memref_squeeze %dma_start3A_622 : memref<1x128xi32, #tpu.memory_space<vmem>> -> memref<128xi32, #tpu.memory_space<vmem>>
      %dma_start3A_624 = arith.constant 0 : i32
      %dma_start3A_625 = tpu.memref_slice %arg9[%dma_start3A_624] : memref<10240xf32, #tpu.memory_space<vmem_shared>> -> memref<10240xf32, #tpu.memory_space<vmem_shared>>
      tpu.enqueue_indirect_dma source(%arg14 : memref<128xf32, #tpu.memory_space<vmem>>) target(%dma_start3A_625 : memref<10240xf32, #tpu.memory_space<vmem_shared>>) offsets(%dma_start3A_623 : memref<128xi32, #tpu.memory_space<vmem>>) semaphore(%arg22 : memref<!tpu.dma_semaphore, #tpu.memory_space<semaphore_mem>>) {add = true}
      %dma_wait3A_626 = arith.constant 4 : i32
      %dma_wait3A_627 = arith.constant 0 : i32
      %dma_wait3A_628 = tpu.memref_slice %arg13[%dma_wait3A_626, %dma_wait3A_627] : memref<8x128xi32, #tpu.memory_space<vmem>> -> memref<1x128xi32, #tpu.memory_space<vmem>>
      %dma_wait3A_629 = tpu.memref_squeeze %dma_wait3A_628 : memref<1x128xi32, #tpu.memory_space<vmem>> -> memref<128xi32, #tpu.memory_space<vmem>>
      %dma_wait3A_630 = arith.constant 0 : i32
      %dma_wait3A_631 = arith.constant 0 : i32
      %dma_wait3A_632 = tpu.memref_slice %arg8[%dma_wait3A_630, %dma_wait3A_631] : memref<10240x128xf32, #tpu.memory_space<vmem_shared>> -> memref<10240x128xf32, #tpu.memory_space<vmem_shared>>
      tpu.wait_indirect_dma semaphore(%arg20 : memref<!tpu.dma_semaphore, #tpu.memory_space<semaphore_mem>>) src(%arg16 : memref<128x128xf32, #tpu.memory_space<vmem>>) dst(%dma_wait3A_632 : memref<10240x128xf32, #tpu.memory_space<vmem_shared>>)
      %dma_wait3A_633 = arith.constant 4 : i32
      %dma_wait3A_634 = arith.constant 0 : i32
      %dma_wait3A_635 = tpu.memref_slice %arg13[%dma_wait3A_633, %dma_wait3A_634] : memref<8x128xi32, #tpu.memory_space<vmem>> -> memref<1x128xi32, #tpu.memory_space<vmem>>
      %dma_wait3A_636 = tpu.memref_squeeze %dma_wait3A_635 : memref<1x128xi32, #tpu.memory_space<vmem>> -> memref<128xi32, #tpu.memory_space<vmem>>
      %dma_wait3A_637 = arith.constant 0 : i32
      %dma_wait3A_638 = tpu.memref_slice %arg9[%dma_wait3A_637] : memref<10240xf32, #tpu.memory_space<vmem_shared>> -> memref<10240xf32, #tpu.memory_space<vmem_shared>>
      tpu.wait_indirect_dma semaphore(%arg22 : memref<!tpu.dma_semaphore, #tpu.memory_space<semaphore_mem>>) src(%arg14 : memref<128xf32, #tpu.memory_space<vmem>>) dst(%dma_wait3A_638 : memref<10240xf32, #tpu.memory_space<vmem_shared>>)
      %dma_start3A_639 = arith.constant 768 : i32
      %dma_start3A_640 = tpu.memref_slice %arg11[%dma_start3A_639] : memref<1024xi32, #tpu.memory_space<vmem>> -> memref<128xi32, #tpu.memory_space<vmem>>
      %dma_start3A_641 = arith.constant 0 : i32
      %dma_start3A_642 = arith.constant 0 : i32
      %dma_start3A_643 = tpu.memref_slice %arg2[%dma_start3A_641, %dma_start3A_642] : memref<40000x128xf32, #tpu.memory_space<hbm>> -> memref<40000x128xf32, #tpu.memory_space<hbm>>
      tpu.enqueue_indirect_dma source(%dma_start3A_643 : memref<40000x128xf32, #tpu.memory_space<hbm>>) target(%arg16 : memref<128x128xf32, #tpu.memory_space<vmem>>) offsets(%dma_start3A_640 : memref<128xi32, #tpu.memory_space<vmem>>) semaphore(%arg18 : memref<!tpu.dma_semaphore, #tpu.memory_space<semaphore_mem>>)
      %dma_wait3A_644 = arith.constant 640 : i32
      %dma_wait3A_645 = tpu.memref_slice %arg11[%dma_wait3A_644] : memref<1024xi32, #tpu.memory_space<vmem>> -> memref<128xi32, #tpu.memory_space<vmem>>
      %dma_wait3A_646 = arith.constant 0 : i32
      %dma_wait3A_647 = arith.constant 0 : i32
      %dma_wait3A_648 = tpu.memref_slice %arg2[%dma_wait3A_646, %dma_wait3A_647] : memref<40000x128xf32, #tpu.memory_space<hbm>> -> memref<40000x128xf32, #tpu.memory_space<hbm>>
      tpu.wait_indirect_dma semaphore(%arg19 : memref<!tpu.dma_semaphore, #tpu.memory_space<semaphore_mem>>) src(%dma_wait3A_648 : memref<40000x128xf32, #tpu.memory_space<hbm>>) dst(%arg17 : memref<128x128xf32, #tpu.memory_space<vmem>>)
      %dma_start3A_649 = arith.constant 5 : i32
      %dma_start3A_650 = arith.constant 0 : i32
      %dma_start3A_651 = tpu.memref_slice %arg13[%dma_start3A_649, %dma_start3A_650] : memref<8x128xi32, #tpu.memory_space<vmem>> -> memref<1x128xi32, #tpu.memory_space<vmem>>
      %dma_start3A_652 = tpu.memref_squeeze %dma_start3A_651 : memref<1x128xi32, #tpu.memory_space<vmem>> -> memref<128xi32, #tpu.memory_space<vmem>>
      %dma_start3A_653 = arith.constant 0 : i32
      %dma_start3A_654 = arith.constant 0 : i32
      %dma_start3A_655 = tpu.memref_slice %arg8[%dma_start3A_653, %dma_start3A_654] : memref<10240x128xf32, #tpu.memory_space<vmem_shared>> -> memref<10240x128xf32, #tpu.memory_space<vmem_shared>>
      tpu.enqueue_indirect_dma source(%arg17 : memref<128x128xf32, #tpu.memory_space<vmem>>) target(%dma_start3A_655 : memref<10240x128xf32, #tpu.memory_space<vmem_shared>>) offsets(%dma_start3A_652 : memref<128xi32, #tpu.memory_space<vmem>>) semaphore(%arg21 : memref<!tpu.dma_semaphore, #tpu.memory_space<semaphore_mem>>) {add = true}
      %dma_start3A_656 = arith.constant 5 : i32
      %dma_start3A_657 = arith.constant 0 : i32
      %dma_start3A_658 = tpu.memref_slice %arg13[%dma_start3A_656, %dma_start3A_657] : memref<8x128xi32, #tpu.memory_space<vmem>> -> memref<1x128xi32, #tpu.memory_space<vmem>>
      %dma_start3A_659 = tpu.memref_squeeze %dma_start3A_658 : memref<1x128xi32, #tpu.memory_space<vmem>> -> memref<128xi32, #tpu.memory_space<vmem>>
      %dma_start3A_660 = arith.constant 0 : i32
      %dma_start3A_661 = tpu.memref_slice %arg9[%dma_start3A_660] : memref<10240xf32, #tpu.memory_space<vmem_shared>> -> memref<10240xf32, #tpu.memory_space<vmem_shared>>
      tpu.enqueue_indirect_dma source(%arg14 : memref<128xf32, #tpu.memory_space<vmem>>) target(%dma_start3A_661 : memref<10240xf32, #tpu.memory_space<vmem_shared>>) offsets(%dma_start3A_659 : memref<128xi32, #tpu.memory_space<vmem>>) semaphore(%arg23 : memref<!tpu.dma_semaphore, #tpu.memory_space<semaphore_mem>>) {add = true}
      %dma_wait3A_662 = arith.constant 5 : i32
      %dma_wait3A_663 = arith.constant 0 : i32
      %dma_wait3A_664 = tpu.memref_slice %arg13[%dma_wait3A_662, %dma_wait3A_663] : memref<8x128xi32, #tpu.memory_space<vmem>> -> memref<1x128xi32, #tpu.memory_space<vmem>>
      %dma_wait3A_665 = tpu.memref_squeeze %dma_wait3A_664 : memref<1x128xi32, #tpu.memory_space<vmem>> -> memref<128xi32, #tpu.memory_space<vmem>>
      %dma_wait3A_666 = arith.constant 0 : i32
      %dma_wait3A_667 = arith.constant 0 : i32
      %dma_wait3A_668 = tpu.memref_slice %arg8[%dma_wait3A_666, %dma_wait3A_667] : memref<10240x128xf32, #tpu.memory_space<vmem_shared>> -> memref<10240x128xf32, #tpu.memory_space<vmem_shared>>
      tpu.wait_indirect_dma semaphore(%arg21 : memref<!tpu.dma_semaphore, #tpu.memory_space<semaphore_mem>>) src(%arg17 : memref<128x128xf32, #tpu.memory_space<vmem>>) dst(%dma_wait3A_668 : memref<10240x128xf32, #tpu.memory_space<vmem_shared>>)
      %dma_wait3A_669 = arith.constant 5 : i32
      %dma_wait3A_670 = arith.constant 0 : i32
      %dma_wait3A_671 = tpu.memref_slice %arg13[%dma_wait3A_669, %dma_wait3A_670] : memref<8x128xi32, #tpu.memory_space<vmem>> -> memref<1x128xi32, #tpu.memory_space<vmem>>
      %dma_wait3A_672 = tpu.memref_squeeze %dma_wait3A_671 : memref<1x128xi32, #tpu.memory_space<vmem>> -> memref<128xi32, #tpu.memory_space<vmem>>
      %dma_wait3A_673 = arith.constant 0 : i32
      %dma_wait3A_674 = tpu.memref_slice %arg9[%dma_wait3A_673] : memref<10240xf32, #tpu.memory_space<vmem_shared>> -> memref<10240xf32, #tpu.memory_space<vmem_shared>>
      tpu.wait_indirect_dma semaphore(%arg23 : memref<!tpu.dma_semaphore, #tpu.memory_space<semaphore_mem>>) src(%arg14 : memref<128xf32, #tpu.memory_space<vmem>>) dst(%dma_wait3A_674 : memref<10240xf32, #tpu.memory_space<vmem_shared>>)
      %dma_start3A_675 = arith.constant 896 : i32
      %dma_start3A_676 = tpu.memref_slice %arg11[%dma_start3A_675] : memref<1024xi32, #tpu.memory_space<vmem>> -> memref<128xi32, #tpu.memory_space<vmem>>
      %dma_start3A_677 = arith.constant 0 : i32
      %dma_start3A_678 = arith.constant 0 : i32
      %dma_start3A_679 = tpu.memref_slice %arg2[%dma_start3A_677, %dma_start3A_678] : memref<40000x128xf32, #tpu.memory_space<hbm>> -> memref<40000x128xf32, #tpu.memory_space<hbm>>
      tpu.enqueue_indirect_dma source(%dma_start3A_679 : memref<40000x128xf32, #tpu.memory_space<hbm>>) target(%arg17 : memref<128x128xf32, #tpu.memory_space<vmem>>) offsets(%dma_start3A_676 : memref<128xi32, #tpu.memory_space<vmem>>) semaphore(%arg19 : memref<!tpu.dma_semaphore, #tpu.memory_space<semaphore_mem>>)
      %dma_wait3A_680 = arith.constant 768 : i32
      %dma_wait3A_681 = tpu.memref_slice %arg11[%dma_wait3A_680] : memref<1024xi32, #tpu.memory_space<vmem>> -> memref<128xi32, #tpu.memory_space<vmem>>
      %dma_wait3A_682 = arith.constant 0 : i32
      %dma_wait3A_683 = arith.constant 0 : i32
      %dma_wait3A_684 = tpu.memref_slice %arg2[%dma_wait3A_682, %dma_wait3A_683] : memref<40000x128xf32, #tpu.memory_space<hbm>> -> memref<40000x128xf32, #tpu.memory_space<hbm>>
      tpu.wait_indirect_dma semaphore(%arg18 : memref<!tpu.dma_semaphore, #tpu.memory_space<semaphore_mem>>) src(%dma_wait3A_684 : memref<40000x128xf32, #tpu.memory_space<hbm>>) dst(%arg16 : memref<128x128xf32, #tpu.memory_space<vmem>>)
      %dma_start3A_685 = arith.constant 6 : i32
      %dma_start3A_686 = arith.constant 0 : i32
      %dma_start3A_687 = tpu.memref_slice %arg13[%dma_start3A_685, %dma_start3A_686] : memref<8x128xi32, #tpu.memory_space<vmem>> -> memref<1x128xi32, #tpu.memory_space<vmem>>
      %dma_start3A_688 = tpu.memref_squeeze %dma_start3A_687 : memref<1x128xi32, #tpu.memory_space<vmem>> -> memref<128xi32, #tpu.memory_space<vmem>>
      %dma_start3A_689 = arith.constant 0 : i32
      %dma_start3A_690 = arith.constant 0 : i32
      %dma_start3A_691 = tpu.memref_slice %arg8[%dma_start3A_689, %dma_start3A_690] : memref<10240x128xf32, #tpu.memory_space<vmem_shared>> -> memref<10240x128xf32, #tpu.memory_space<vmem_shared>>
      tpu.enqueue_indirect_dma source(%arg16 : memref<128x128xf32, #tpu.memory_space<vmem>>) target(%dma_start3A_691 : memref<10240x128xf32, #tpu.memory_space<vmem_shared>>) offsets(%dma_start3A_688 : memref<128xi32, #tpu.memory_space<vmem>>) semaphore(%arg20 : memref<!tpu.dma_semaphore, #tpu.memory_space<semaphore_mem>>) {add = true}
      %dma_start3A_692 = arith.constant 6 : i32
      %dma_start3A_693 = arith.constant 0 : i32
      %dma_start3A_694 = tpu.memref_slice %arg13[%dma_start3A_692, %dma_start3A_693] : memref<8x128xi32, #tpu.memory_space<vmem>> -> memref<1x128xi32, #tpu.memory_space<vmem>>
      %dma_start3A_695 = tpu.memref_squeeze %dma_start3A_694 : memref<1x128xi32, #tpu.memory_space<vmem>> -> memref<128xi32, #tpu.memory_space<vmem>>
      %dma_start3A_696 = arith.constant 0 : i32
      %dma_start3A_697 = tpu.memref_slice %arg9[%dma_start3A_696] : memref<10240xf32, #tpu.memory_space<vmem_shared>> -> memref<10240xf32, #tpu.memory_space<vmem_shared>>
      tpu.enqueue_indirect_dma source(%arg14 : memref<128xf32, #tpu.memory_space<vmem>>) target(%dma_start3A_697 : memref<10240xf32, #tpu.memory_space<vmem_shared>>) offsets(%dma_start3A_695 : memref<128xi32, #tpu.memory_space<vmem>>) semaphore(%arg22 : memref<!tpu.dma_semaphore, #tpu.memory_space<semaphore_mem>>) {add = true}
      %dma_wait3A_698 = arith.constant 6 : i32
      %dma_wait3A_699 = arith.constant 0 : i32
      %dma_wait3A_700 = tpu.memref_slice %arg13[%dma_wait3A_698, %dma_wait3A_699] : memref<8x128xi32, #tpu.memory_space<vmem>> -> memref<1x128xi32, #tpu.memory_space<vmem>>
      %dma_wait3A_701 = tpu.memref_squeeze %dma_wait3A_700 : memref<1x128xi32, #tpu.memory_space<vmem>> -> memref<128xi32, #tpu.memory_space<vmem>>
      %dma_wait3A_702 = arith.constant 0 : i32
      %dma_wait3A_703 = arith.constant 0 : i32
      %dma_wait3A_704 = tpu.memref_slice %arg8[%dma_wait3A_702, %dma_wait3A_703] : memref<10240x128xf32, #tpu.memory_space<vmem_shared>> -> memref<10240x128xf32, #tpu.memory_space<vmem_shared>>
      tpu.wait_indirect_dma semaphore(%arg20 : memref<!tpu.dma_semaphore, #tpu.memory_space<semaphore_mem>>) src(%arg16 : memref<128x128xf32, #tpu.memory_space<vmem>>) dst(%dma_wait3A_704 : memref<10240x128xf32, #tpu.memory_space<vmem_shared>>)
      %dma_wait3A_705 = arith.constant 6 : i32
      %dma_wait3A_706 = arith.constant 0 : i32
      %dma_wait3A_707 = tpu.memref_slice %arg13[%dma_wait3A_705, %dma_wait3A_706] : memref<8x128xi32, #tpu.memory_space<vmem>> -> memref<1x128xi32, #tpu.memory_space<vmem>>
      %dma_wait3A_708 = tpu.memref_squeeze %dma_wait3A_707 : memref<1x128xi32, #tpu.memory_space<vmem>> -> memref<128xi32, #tpu.memory_space<vmem>>
      %dma_wait3A_709 = arith.constant 0 : i32
      %dma_wait3A_710 = tpu.memref_slice %arg9[%dma_wait3A_709] : memref<10240xf32, #tpu.memory_space<vmem_shared>> -> memref<10240xf32, #tpu.memory_space<vmem_shared>>
      tpu.wait_indirect_dma semaphore(%arg22 : memref<!tpu.dma_semaphore, #tpu.memory_space<semaphore_mem>>) src(%arg14 : memref<128xf32, #tpu.memory_space<vmem>>) dst(%dma_wait3A_710 : memref<10240xf32, #tpu.memory_space<vmem_shared>>)
      %dma_start3A_711 = arith.constant 0 : i32
      %dma_start3A_712 = tpu.memref_slice %arg10[%dma_start3A_711] : memref<1024xi32, #tpu.memory_space<vmem>> -> memref<128xi32, #tpu.memory_space<vmem>>
      %dma_start3A_713 = arith.constant 0 : i32
      %dma_start3A_714 = arith.constant 0 : i32
      %dma_start3A_715 = tpu.memref_slice %arg2[%dma_start3A_713, %dma_start3A_714] : memref<40000x128xf32, #tpu.memory_space<hbm>> -> memref<40000x128xf32, #tpu.memory_space<hbm>>
      tpu.enqueue_indirect_dma source(%dma_start3A_715 : memref<40000x128xf32, #tpu.memory_space<hbm>>) target(%arg16 : memref<128x128xf32, #tpu.memory_space<vmem>>) offsets(%dma_start3A_712 : memref<128xi32, #tpu.memory_space<vmem>>) semaphore(%arg18 : memref<!tpu.dma_semaphore, #tpu.memory_space<semaphore_mem>>)
      %dma_wait3A_716 = arith.constant 896 : i32
      %dma_wait3A_717 = tpu.memref_slice %arg11[%dma_wait3A_716] : memref<1024xi32, #tpu.memory_space<vmem>> -> memref<128xi32, #tpu.memory_space<vmem>>
      %dma_wait3A_718 = arith.constant 0 : i32
      %dma_wait3A_719 = arith.constant 0 : i32
      %dma_wait3A_720 = tpu.memref_slice %arg2[%dma_wait3A_718, %dma_wait3A_719] : memref<40000x128xf32, #tpu.memory_space<hbm>> -> memref<40000x128xf32, #tpu.memory_space<hbm>>
      tpu.wait_indirect_dma semaphore(%arg19 : memref<!tpu.dma_semaphore, #tpu.memory_space<semaphore_mem>>) src(%dma_wait3A_720 : memref<40000x128xf32, #tpu.memory_space<hbm>>) dst(%arg17 : memref<128x128xf32, #tpu.memory_space<vmem>>)
      %dma_start3A_721 = arith.constant 7 : i32
      %dma_start3A_722 = arith.constant 0 : i32
      %dma_start3A_723 = tpu.memref_slice %arg13[%dma_start3A_721, %dma_start3A_722] : memref<8x128xi32, #tpu.memory_space<vmem>> -> memref<1x128xi32, #tpu.memory_space<vmem>>
      %dma_start3A_724 = tpu.memref_squeeze %dma_start3A_723 : memref<1x128xi32, #tpu.memory_space<vmem>> -> memref<128xi32, #tpu.memory_space<vmem>>
      %dma_start3A_725 = arith.constant 0 : i32
      %dma_start3A_726 = arith.constant 0 : i32
      %dma_start3A_727 = tpu.memref_slice %arg8[%dma_start3A_725, %dma_start3A_726] : memref<10240x128xf32, #tpu.memory_space<vmem_shared>> -> memref<10240x128xf32, #tpu.memory_space<vmem_shared>>
      tpu.enqueue_indirect_dma source(%arg17 : memref<128x128xf32, #tpu.memory_space<vmem>>) target(%dma_start3A_727 : memref<10240x128xf32, #tpu.memory_space<vmem_shared>>) offsets(%dma_start3A_724 : memref<128xi32, #tpu.memory_space<vmem>>) semaphore(%arg21 : memref<!tpu.dma_semaphore, #tpu.memory_space<semaphore_mem>>) {add = true}
      %dma_start3A_728 = arith.constant 7 : i32
      %dma_start3A_729 = arith.constant 0 : i32
      %dma_start3A_730 = tpu.memref_slice %arg13[%dma_start3A_728, %dma_start3A_729] : memref<8x128xi32, #tpu.memory_space<vmem>> -> memref<1x128xi32, #tpu.memory_space<vmem>>
      %dma_start3A_731 = tpu.memref_squeeze %dma_start3A_730 : memref<1x128xi32, #tpu.memory_space<vmem>> -> memref<128xi32, #tpu.memory_space<vmem>>
      %dma_start3A_732 = arith.constant 0 : i32
      %dma_start3A_733 = tpu.memref_slice %arg9[%dma_start3A_732] : memref<10240xf32, #tpu.memory_space<vmem_shared>> -> memref<10240xf32, #tpu.memory_space<vmem_shared>>
      tpu.enqueue_indirect_dma source(%arg14 : memref<128xf32, #tpu.memory_space<vmem>>) target(%dma_start3A_733 : memref<10240xf32, #tpu.memory_space<vmem_shared>>) offsets(%dma_start3A_731 : memref<128xi32, #tpu.memory_space<vmem>>) semaphore(%arg23 : memref<!tpu.dma_semaphore, #tpu.memory_space<semaphore_mem>>) {add = true}
      %dma_wait3A_734 = arith.constant 7 : i32
      %dma_wait3A_735 = arith.constant 0 : i32
      %dma_wait3A_736 = tpu.memref_slice %arg13[%dma_wait3A_734, %dma_wait3A_735] : memref<8x128xi32, #tpu.memory_space<vmem>> -> memref<1x128xi32, #tpu.memory_space<vmem>>
      %dma_wait3A_737 = tpu.memref_squeeze %dma_wait3A_736 : memref<1x128xi32, #tpu.memory_space<vmem>> -> memref<128xi32, #tpu.memory_space<vmem>>
      %dma_wait3A_738 = arith.constant 0 : i32
      %dma_wait3A_739 = arith.constant 0 : i32
      %dma_wait3A_740 = tpu.memref_slice %arg8[%dma_wait3A_738, %dma_wait3A_739] : memref<10240x128xf32, #tpu.memory_space<vmem_shared>> -> memref<10240x128xf32, #tpu.memory_space<vmem_shared>>
      tpu.wait_indirect_dma semaphore(%arg21 : memref<!tpu.dma_semaphore, #tpu.memory_space<semaphore_mem>>) src(%arg17 : memref<128x128xf32, #tpu.memory_space<vmem>>) dst(%dma_wait3A_740 : memref<10240x128xf32, #tpu.memory_space<vmem_shared>>)
      %dma_wait3A_741 = arith.constant 7 : i32
      %dma_wait3A_742 = arith.constant 0 : i32
      %dma_wait3A_743 = tpu.memref_slice %arg13[%dma_wait3A_741, %dma_wait3A_742] : memref<8x128xi32, #tpu.memory_space<vmem>> -> memref<1x128xi32, #tpu.memory_space<vmem>>
      %dma_wait3A_744 = tpu.memref_squeeze %dma_wait3A_743 : memref<1x128xi32, #tpu.memory_space<vmem>> -> memref<128xi32, #tpu.memory_space<vmem>>
      %dma_wait3A_745 = arith.constant 0 : i32
      %dma_wait3A_746 = tpu.memref_slice %arg9[%dma_wait3A_745] : memref<10240xf32, #tpu.memory_space<vmem_shared>> -> memref<10240xf32, #tpu.memory_space<vmem_shared>>
      tpu.wait_indirect_dma semaphore(%arg23 : memref<!tpu.dma_semaphore, #tpu.memory_space<semaphore_mem>>) src(%arg14 : memref<128xf32, #tpu.memory_space<vmem>>) dst(%dma_wait3A_746 : memref<10240xf32, #tpu.memory_space<vmem_shared>>)
      %dma_start3A_747 = arith.constant 128 : i32
      %dma_start3A_748 = tpu.memref_slice %arg10[%dma_start3A_747] : memref<1024xi32, #tpu.memory_space<vmem>> -> memref<128xi32, #tpu.memory_space<vmem>>
      %dma_start3A_749 = arith.constant 0 : i32
      %dma_start3A_750 = arith.constant 0 : i32
      %dma_start3A_751 = tpu.memref_slice %arg2[%dma_start3A_749, %dma_start3A_750] : memref<40000x128xf32, #tpu.memory_space<hbm>> -> memref<40000x128xf32, #tpu.memory_space<hbm>>
      tpu.enqueue_indirect_dma source(%dma_start3A_751 : memref<40000x128xf32, #tpu.memory_space<hbm>>) target(%arg17 : memref<128x128xf32, #tpu.memory_space<vmem>>) offsets(%dma_start3A_748 : memref<128xi32, #tpu.memory_space<vmem>>) semaphore(%arg19 : memref<!tpu.dma_semaphore, #tpu.memory_space<semaphore_mem>>)
    }
    %scan3A_45 = arith.constant 10 : i32
    %dma_wait3A = arith.constant 0 : i32
    %dma_wait3A_46 = tpu.memref_slice %arg10[%dma_wait3A] : memref<1024xi32, #tpu.memory_space<vmem>> -> memref<128xi32, #tpu.memory_space<vmem>>
    %dma_wait3A_47 = arith.constant 0 : i32
    %dma_wait3A_48 = arith.constant 0 : i32
    %dma_wait3A_49 = tpu.memref_slice %arg2[%dma_wait3A_47, %dma_wait3A_48] : memref<40000x128xf32, #tpu.memory_space<hbm>> -> memref<40000x128xf32, #tpu.memory_space<hbm>>
    tpu.wait_indirect_dma semaphore(%arg18 : memref<!tpu.dma_semaphore, #tpu.memory_space<semaphore_mem>>) src(%dma_wait3A_49 : memref<40000x128xf32, #tpu.memory_space<hbm>>) dst(%arg16 : memref<128x128xf32, #tpu.memory_space<vmem>>)
    %dma_wait3A_50 = arith.constant 0 : i32
    %dma_wait3A_51 = tpu.memref_slice %arg10[%dma_wait3A_50] : memref<1024xi32, #tpu.memory_space<vmem>> -> memref<128xi32, #tpu.memory_space<vmem>>
    %dma_wait3A_52 = arith.constant 0 : i32
    %dma_wait3A_53 = arith.constant 0 : i32
    %dma_wait3A_54 = tpu.memref_slice %arg2[%dma_wait3A_52, %dma_wait3A_53] : memref<40000x128xf32, #tpu.memory_space<hbm>> -> memref<40000x128xf32, #tpu.memory_space<hbm>>
    tpu.wait_indirect_dma semaphore(%arg19 : memref<!tpu.dma_semaphore, #tpu.memory_space<semaphore_mem>>) src(%dma_wait3A_54 : memref<40000x128xf32, #tpu.memory_space<hbm>>) dst(%arg17 : memref<128x128xf32, #tpu.memory_space<vmem>>)
    %barrier3A_55 = arith.constant 0 : index
    tpu.barrier barrier_id(%barrier3A_55)
    %lt3A = arith.constant 10 : i32
    %lt3A_56 = arith.cmpi slt, %arg1, %lt3A : i32
    %convert_element_type3A = arith.extui %lt3A_56 : i1 to i32
    %cond3A = arith.constant 0 : i32
    %cond3A_57 = arith.cmpi ne, %convert_element_type3A, %cond3A : i32
    scf.if %cond3A_57 {
      %mul3A_129 = arith.constant 1000 : i32
      %mul3A_130 = arith.muli %arg1, %mul3A_129 : i32
      %mul3A_131 = arith.constant 10000 : i32
      %mul3A_132 = arith.muli %add3A_10, %mul3A_131 : i32
      %mul3A_133 = arith.constant 1000 : i32
      %mul3A_134 = arith.muli %arg1, %mul3A_133 : i32
      %add3A_135 = arith.addi %mul3A_132, %mul3A_134 : i32
      "tpu.region"() ({
        %run_scoped3A = tpu.sem_alloc : memref<!tpu.dma_semaphore, #tpu.memory_space<semaphore_mem>>
        %dma_start3A_136 = arith.constant 0 : i32
        %dma_start3A_137 = tpu.memref_slice %arg6[%add3A_135, %dma_start3A_136] : memref<40000x128xf32, #tpu.memory_space<hbm>> -> memref<1000x128xf32, #tpu.memory_space<hbm>>
        %dma_start3A_138 = arith.constant 0 : i32
        %dma_start3A_139 = tpu.memref_slice %arg8[%mul3A_130, %dma_start3A_138] : memref<10240x128xf32, #tpu.memory_space<vmem_shared>> -> memref<1000x128xf32, #tpu.memory_space<vmem_shared>>
        tpu.enqueue_dma source(%dma_start3A_139 : memref<1000x128xf32, #tpu.memory_space<vmem_shared>>) target(%dma_start3A_137 : memref<1000x128xf32, #tpu.memory_space<hbm>>) target_semaphore(%run_scoped3A : memref<!tpu.dma_semaphore, #tpu.memory_space<semaphore_mem>>)
        %dma_wait3A_140 = arith.constant 0 : i32
        %dma_wait3A_141 = tpu.memref_slice %arg6[%add3A_135, %dma_wait3A_140] : memref<40000x128xf32, #tpu.memory_space<hbm>> -> memref<1000x128xf32, #tpu.memory_space<hbm>>
        %dma_wait3A_142 = arith.constant 0 : i32
        %dma_wait3A_143 = tpu.memref_slice %arg8[%mul3A_130, %dma_wait3A_142] : memref<10240x128xf32, #tpu.memory_space<vmem_shared>> -> memref<1000x128xf32, #tpu.memory_space<vmem_shared>>
        tpu.wait_dma2 semaphore(%run_scoped3A : memref<!tpu.dma_semaphore, #tpu.memory_space<semaphore_mem>>) src(%dma_wait3A_143 : memref<1000x128xf32, #tpu.memory_space<vmem_shared>>) dst(%dma_wait3A_141 : memref<1000x128xf32, #tpu.memory_space<hbm>>)
        tpu.yield
      }) : () -> ()
    } else {
    }
    %eq3A = arith.constant 0 : i32
    %eq3A_58 = arith.cmpi eq, %arg0, %eq3A : i32
    %lt3A_59 = arith.constant 15 : i32
    %lt3A_60 = arith.cmpi slt, %arg1, %lt3A_59 : i32
    %and3A = arith.andi %eq3A_58, %lt3A_60 : i1
    %convert_element_type3A_61 = arith.extui %and3A : i1 to i32
    %cond3A_62 = arith.constant 0 : i32
    %cond3A_63 = arith.cmpi ne, %convert_element_type3A_61, %cond3A_62 : i32
    scf.if %cond3A_63 {
      %mul3A_129 = arith.constant 640 : i32
      %mul3A_130 = arith.muli %arg1, %mul3A_129 : i32
      "tpu.region"() ({
        %run_scoped3A = tpu.sem_alloc : memref<!tpu.dma_semaphore, #tpu.memory_space<semaphore_mem>>
        %dma_start3A_133 = tpu.memref_slice %arg9[%mul3A_130] : memref<10240xf32, #tpu.memory_space<vmem_shared>> -> memref<640xf32, #tpu.memory_space<vmem_shared>>
        %dma_start3A_134 = tpu.memref_slice %arg9[%mul3A_130] : memref<10240xf32, #tpu.memory_space<vmem_shared>> -> memref<640xf32, #tpu.memory_space<vmem_shared>>
        tpu.enqueue_dma source(%dma_start3A_134 : memref<640xf32, #tpu.memory_space<vmem_shared>>) target(%arg15 : memref<640xf32, #tpu.memory_space<vmem>>) target_semaphore(%run_scoped3A : memref<!tpu.dma_semaphore, #tpu.memory_space<semaphore_mem>>)
        %dma_wait3A_135 = tpu.memref_slice %arg9[%mul3A_130] : memref<10240xf32, #tpu.memory_space<vmem_shared>> -> memref<640xf32, #tpu.memory_space<vmem_shared>>
        %dma_wait3A_136 = tpu.memref_slice %arg9[%mul3A_130] : memref<10240xf32, #tpu.memory_space<vmem_shared>> -> memref<640xf32, #tpu.memory_space<vmem_shared>>
        tpu.wait_dma2 semaphore(%run_scoped3A : memref<!tpu.dma_semaphore, #tpu.memory_space<semaphore_mem>>) src(%dma_wait3A_136 : memref<640xf32, #tpu.memory_space<vmem_shared>>) dst(%arg15 : memref<640xf32, #tpu.memory_space<vmem>>)
        tpu.yield
      }) : () -> ()
      %mul3A_131 = arith.constant 640 : i32
      %mul3A_132 = arith.muli %arg1, %mul3A_131 : i32
      "tpu.region"() ({
        %run_scoped3A = tpu.sem_alloc : memref<!tpu.dma_semaphore, #tpu.memory_space<semaphore_mem>>
        %dma_start3A_133 = tpu.memref_slice %arg7[%mul3A_132] : memref<10000xf32, #tpu.memory_space<hbm>> -> memref<640xf32, #tpu.memory_space<hbm>>
        %dma_start3A_134 = tpu.memref_slice %arg7[%mul3A_132] : memref<10000xf32, #tpu.memory_space<hbm>> -> memref<640xf32, #tpu.memory_space<hbm>>
        tpu.enqueue_dma source(%arg15 : memref<640xf32, #tpu.memory_space<vmem>>) target(%dma_start3A_134 : memref<640xf32, #tpu.memory_space<hbm>>) target_semaphore(%run_scoped3A : memref<!tpu.dma_semaphore, #tpu.memory_space<semaphore_mem>>)
        %dma_wait3A_135 = tpu.memref_slice %arg7[%mul3A_132] : memref<10000xf32, #tpu.memory_space<hbm>> -> memref<640xf32, #tpu.memory_space<hbm>>
        %dma_wait3A_136 = tpu.memref_slice %arg7[%mul3A_132] : memref<10000xf32, #tpu.memory_space<hbm>> -> memref<640xf32, #tpu.memory_space<hbm>>
        tpu.wait_dma2 semaphore(%run_scoped3A : memref<!tpu.dma_semaphore, #tpu.memory_space<semaphore_mem>>) src(%arg15 : memref<640xf32, #tpu.memory_space<vmem>>) dst(%dma_wait3A_136 : memref<640xf32, #tpu.memory_space<hbm>>)
        tpu.yield
      }) : () -> ()
    } else {
    }
    %eq3A_64 = arith.constant 0 : i32
    %eq3A_65 = arith.cmpi eq, %arg0, %eq3A_64 : i32
    %eq3A_66 = arith.constant 15 : i32
    %eq3A_67 = arith.cmpi eq, %arg1, %eq3A_66 : i32
    %and3A_68 = arith.andi %eq3A_65, %eq3A_67 : i1
    %convert_element_type3A_69 = arith.extui %and3A_68 : i1 to i32
    %cond3A_70 = arith.constant 0 : i32
    %cond3A_71 = arith.cmpi ne, %convert_element_type3A_69, %cond3A_70 : i32
    scf.if %cond3A_71 {
      "tpu.region"() ({
        %run_scoped3A = tpu.sem_alloc : memref<!tpu.dma_semaphore, #tpu.memory_space<semaphore_mem>>
        %dma_start3A_129 = arith.constant 0 : i32
        %dma_start3A_130 = tpu.memref_slice %arg15[%dma_start3A_129] : memref<640xf32, #tpu.memory_space<vmem>> -> memref<400xf32, #tpu.memory_space<vmem>>
        %dma_start3A_131 = arith.constant 9600 : i32
        %dma_start3A_132 = tpu.memref_slice %arg9[%dma_start3A_131] : memref<10240xf32, #tpu.memory_space<vmem_shared>> -> memref<400xf32, #tpu.memory_space<vmem_shared>>
        %dma_start3A_133 = arith.constant 0 : i32
        %dma_start3A_134 = tpu.memref_slice %arg15[%dma_start3A_133] : memref<640xf32, #tpu.memory_space<vmem>> -> memref<400xf32, #tpu.memory_space<vmem>>
        %dma_start3A_135 = arith.constant 9600 : i32
        %dma_start3A_136 = tpu.memref_slice %arg9[%dma_start3A_135] : memref<10240xf32, #tpu.memory_space<vmem_shared>> -> memref<400xf32, #tpu.memory_space<vmem_shared>>
        tpu.enqueue_dma source(%dma_start3A_136 : memref<400xf32, #tpu.memory_space<vmem_shared>>) target(%dma_start3A_134 : memref<400xf32, #tpu.memory_space<vmem>>) target_semaphore(%run_scoped3A : memref<!tpu.dma_semaphore, #tpu.memory_space<semaphore_mem>>)
        %dma_wait3A_137 = arith.constant 0 : i32
        %dma_wait3A_138 = tpu.memref_slice %arg15[%dma_wait3A_137] : memref<640xf32, #tpu.memory_space<vmem>> -> memref<400xf32, #tpu.memory_space<vmem>>
        %dma_wait3A_139 = arith.constant 9600 : i32
        %dma_wait3A_140 = tpu.memref_slice %arg9[%dma_wait3A_139] : memref<10240xf32, #tpu.memory_space<vmem_shared>> -> memref<400xf32, #tpu.memory_space<vmem_shared>>
        %dma_wait3A_141 = arith.constant 0 : i32
        %dma_wait3A_142 = tpu.memref_slice %arg15[%dma_wait3A_141] : memref<640xf32, #tpu.memory_space<vmem>> -> memref<400xf32, #tpu.memory_space<vmem>>
        %dma_wait3A_143 = arith.constant 9600 : i32
        %dma_wait3A_144 = tpu.memref_slice %arg9[%dma_wait3A_143] : memref<10240xf32, #tpu.memory_space<vmem_shared>> -> memref<400xf32, #tpu.memory_space<vmem_shared>>
        tpu.wait_dma2 semaphore(%run_scoped3A : memref<!tpu.dma_semaphore, #tpu.memory_space<semaphore_mem>>) src(%dma_wait3A_144 : memref<400xf32, #tpu.memory_space<vmem_shared>>) dst(%dma_wait3A_142 : memref<400xf32, #tpu.memory_space<vmem>>)
        tpu.yield
      }) : () -> ()
      "tpu.region"() ({
        %run_scoped3A = tpu.sem_alloc : memref<!tpu.dma_semaphore, #tpu.memory_space<semaphore_mem>>
        %dma_start3A_129 = arith.constant 0 : i32
        %dma_start3A_130 = tpu.memref_slice %arg15[%dma_start3A_129] : memref<640xf32, #tpu.memory_space<vmem>> -> memref<400xf32, #tpu.memory_space<vmem>>
        %dma_start3A_131 = arith.constant 9600 : i32
        %dma_start3A_132 = tpu.memref_slice %arg7[%dma_start3A_131] : memref<10000xf32, #tpu.memory_space<hbm>> -> memref<400xf32, #tpu.memory_space<hbm>>
        %dma_start3A_133 = arith.constant 9600 : i32
        %dma_start3A_134 = tpu.memref_slice %arg7[%dma_start3A_133] : memref<10000xf32, #tpu.memory_space<hbm>> -> memref<400xf32, #tpu.memory_space<hbm>>
        %dma_start3A_135 = arith.constant 0 : i32
        %dma_start3A_136 = tpu.memref_slice %arg15[%dma_start3A_135] : memref<640xf32, #tpu.memory_space<vmem>> -> memref<400xf32, #tpu.memory_space<vmem>>
        tpu.enqueue_dma source(%dma_start3A_136 : memref<400xf32, #tpu.memory_space<vmem>>) target(%dma_start3A_134 : memref<400xf32, #tpu.memory_space<hbm>>) target_semaphore(%run_scoped3A : memref<!tpu.dma_semaphore, #tpu.memory_space<semaphore_mem>>)
        %dma_wait3A_137 = arith.constant 0 : i32
        %dma_wait3A_138 = tpu.memref_slice %arg15[%dma_wait3A_137] : memref<640xf32, #tpu.memory_space<vmem>> -> memref<400xf32, #tpu.memory_space<vmem>>
        %dma_wait3A_139 = arith.constant 9600 : i32
        %dma_wait3A_140 = tpu.memref_slice %arg7[%dma_wait3A_139] : memref<10000xf32, #tpu.memory_space<hbm>> -> memref<400xf32, #tpu.memory_space<hbm>>
        %dma_wait3A_141 = arith.constant 9600 : i32
        %dma_wait3A_142 = tpu.memref_slice %arg7[%dma_wait3A_141] : memref<10000xf32, #tpu.memory_space<hbm>> -> memref<400xf32, #tpu.memory_space<hbm>>
        %dma_wait3A_143 = arith.constant 0 : i32
        %dma_wait3A_144 = tpu.memref_slice %arg15[%dma_wait3A_143] : memref<640xf32, #tpu.memory_space<vmem>> -> memref<400xf32, #tpu.memory_space<vmem>>
        tpu.wait_dma2 semaphore(%run_scoped3A : memref<!tpu.dma_semaphore, #tpu.memory_space<semaphore_mem>>) src(%dma_wait3A_144 : memref<400xf32, #tpu.memory_space<vmem>>) dst(%dma_wait3A_142 : memref<400xf32, #tpu.memory_space<hbm>>)
        tpu.yield
      }) : () -> ()
    } else {
    }
    %barrier3A_72 = arith.constant 0 : index
    tpu.barrier barrier_id(%barrier3A_72)
    %mul3A_73 = arith.constant 2 : i32
    %mul3A_74 = arith.muli %arg0, %mul3A_73 : i32
    %add3A_75 = arith.constant 1 : i32
    %add3A_76 = arith.addi %mul3A_74, %add3A_75 : i32
    %mul3A_77 = arith.constant 10000 : i32
    %mul3A_78 = arith.muli %add3A_76, %mul3A_77 : i32
    %mul3A_79 = arith.constant 640 : i32
    %mul3A_80 = arith.muli %arg1, %mul3A_79 : i32
    "tpu.region"() ({
      %run_scoped3A = tpu.sem_alloc : memref<!tpu.dma_semaphore, #tpu.memory_space<semaphore_mem>>
      %dma_start3A_129 = arith.constant 0 : i32
      %dma_start3A_130 = tpu.memref_slice %arg8[%mul3A_80, %dma_start3A_129] : memref<10240x128xf32, #tpu.memory_space<vmem_shared>> -> memref<640x128xf32, #tpu.memory_space<vmem_shared>>
      tpu.enqueue_dma source(%arg5 : memref<640x128xf32, #tpu.memory_space<hbm>>) target(%dma_start3A_130 : memref<640x128xf32, #tpu.memory_space<vmem_shared>>) target_semaphore(%run_scoped3A : memref<!tpu.dma_semaphore, #tpu.memory_space<semaphore_mem>>)
      %dma_wait3A_131 = arith.constant 0 : i32
      %dma_wait3A_132 = tpu.memref_slice %arg8[%mul3A_80, %dma_wait3A_131] : memref<10240x128xf32, #tpu.memory_space<vmem_shared>> -> memref<640x128xf32, #tpu.memory_space<vmem_shared>>
      tpu.wait_dma2 semaphore(%run_scoped3A : memref<!tpu.dma_semaphore, #tpu.memory_space<semaphore_mem>>) src(%arg5 : memref<640x128xf32, #tpu.memory_space<hbm>>) dst(%dma_wait3A_132 : memref<640x128xf32, #tpu.memory_space<vmem_shared>>)
      tpu.yield
    }) : () -> ()
    %mul3A_81 = arith.constant 21504 : i32
    %mul3A_82 = arith.muli %arg1, %mul3A_81 : i32
    %add3A_83 = arith.constant 0 : i32
    %add3A_84 = arith.addi %mul3A_82, %add3A_83 : i32
    "tpu.region"() ({
      %run_scoped3A = tpu.sem_alloc : memref<!tpu.dma_semaphore, #tpu.memory_space<semaphore_mem>>
      %dma_start3A_129 = tpu.memref_slice %arg3[%add3A_84] : memref<344064xi32, #tpu.memory_space<hbm>> -> memref<1024xi32, #tpu.memory_space<hbm>>
      %dma_start3A_130 = tpu.memref_slice %arg3[%add3A_84] : memref<344064xi32, #tpu.memory_space<hbm>> -> memref<1024xi32, #tpu.memory_space<hbm>>
      tpu.enqueue_dma source(%dma_start3A_130 : memref<1024xi32, #tpu.memory_space<hbm>>) target(%arg10 : memref<1024xi32, #tpu.memory_space<vmem>>) target_semaphore(%run_scoped3A : memref<!tpu.dma_semaphore, #tpu.memory_space<semaphore_mem>>)
      %dma_wait3A_131 = tpu.memref_slice %arg3[%add3A_84] : memref<344064xi32, #tpu.memory_space<hbm>> -> memref<1024xi32, #tpu.memory_space<hbm>>
      %dma_wait3A_132 = tpu.memref_slice %arg3[%add3A_84] : memref<344064xi32, #tpu.memory_space<hbm>> -> memref<1024xi32, #tpu.memory_space<hbm>>
      tpu.wait_dma2 semaphore(%run_scoped3A : memref<!tpu.dma_semaphore, #tpu.memory_space<semaphore_mem>>) src(%dma_wait3A_132 : memref<1024xi32, #tpu.memory_space<hbm>>) dst(%arg10 : memref<1024xi32, #tpu.memory_space<vmem>>)
      tpu.yield
    }) : () -> ()
    %mul3A_85 = arith.constant 21 : i32
    %mul3A_86 = arith.muli %arg1, %mul3A_85 : i32
    %mul3A_87 = arith.constant 8 : i32
    %mul3A_88 = arith.muli %mul3A_86, %mul3A_87 : i32
    %add3A_89 = arith.constant 0 : i32
    %add3A_90 = arith.addi %mul3A_88, %add3A_89 : i32
    "tpu.region"() ({
      %run_scoped3A = tpu.sem_alloc : memref<!tpu.dma_semaphore, #tpu.memory_space<semaphore_mem>>
      %dma_start3A_129 = arith.constant 0 : i32
      %dma_start3A_130 = tpu.memref_slice %arg4[%add3A_90, %dma_start3A_129] : memref<2688x128xi32, #tpu.memory_space<hbm>> -> memref<8x128xi32, #tpu.memory_space<hbm>>
      %dma_start3A_131 = arith.constant 0 : i32
      %dma_start3A_132 = tpu.memref_slice %arg4[%add3A_90, %dma_start3A_131] : memref<2688x128xi32, #tpu.memory_space<hbm>> -> memref<8x128xi32, #tpu.memory_space<hbm>>
      tpu.enqueue_dma source(%dma_start3A_132 : memref<8x128xi32, #tpu.memory_space<hbm>>) target(%arg12 : memref<8x128xi32, #tpu.memory_space<vmem>>) target_semaphore(%run_scoped3A : memref<!tpu.dma_semaphore, #tpu.memory_space<semaphore_mem>>)
      %dma_wait3A_133 = arith.constant 0 : i32
      %dma_wait3A_134 = tpu.memref_slice %arg4[%add3A_90, %dma_wait3A_133] : memref<2688x128xi32, #tpu.memory_space<hbm>> -> memref<8x128xi32, #tpu.memory_space<hbm>>
      %dma_wait3A_135 = arith.constant 0 : i32
      %dma_wait3A_136 = tpu.memref_slice %arg4[%add3A_90, %dma_wait3A_135] : memref<2688x128xi32, #tpu.memory_space<hbm>> -> memref<8x128xi32, #tpu.memory_space<hbm>>
      tpu.wait_dma2 semaphore(%run_scoped3A : memref<!tpu.dma_semaphore, #tpu.memory_space<semaphore_mem>>) src(%dma_wait3A_136 : memref<8x128xi32, #tpu.memory_space<hbm>>) dst(%arg12 : memref<8x128xi32, #tpu.memory_space<vmem>>)
      tpu.yield
    }) : () -> ()
    %scan3A_91 = arith.constant 0 : i32
    %scan3A_92 = arith.constant 64 : i32
    %scan3A_93 = arith.addi %scan3A_91, %scan3A_92 : i32
    %scan3A_94 = arith.constant 1 : i32
    scf.for %scan3A_129 = %scan3A_91 to %scan3A_93 step %scan3A_94  : i32 {
      %mul3A_130 = arith.constant 1 : i32
      %mul3A_131 = arith.muli %scan3A_129, %mul3A_130 : i32
      %add3A_132 = arith.constant 0 : i32
      %add3A_133 = arith.addi %add3A_132, %mul3A_131 : i32
      %mul3A_134 = arith.constant 16 : i32
      %mul3A_135 = arith.muli %add3A_133, %mul3A_134 : i32
      %get3A = arith.index_cast %mul3A_135 : i32 to index
      %get3A_136 = tpu.vector_load %arg10[%get3A] {strides = array<i32>} : memref<1024xi32, #tpu.memory_space<vmem>>, vector<16xi32>,
      %get3A_137 = vector.shape_cast %get3A_136 : vector<16xi32> to vector<16xi32>
      %add3A_138 = vector.broadcast %mul3A_78 : i32 to vector<16xi32>
      %add3A_139 = arith.addi %get3A_137, %add3A_138 : vector<16xi32>
      %swap3A = arith.index_cast %mul3A_135 : i32 to index
      %swap3A_140 = tpu.vector_load %arg10[%swap3A] {strides = array<i32>} : memref<1024xi32, #tpu.memory_space<vmem>>, vector<16xi32>,
      %swap3A_141 = vector.shape_cast %swap3A_140 : vector<16xi32> to vector<16xi32>
      %swap3A_142 = vector.shape_cast %add3A_139 : vector<16xi32> to vector<16xi32>
      tpu.vector_store %arg10[%swap3A], %swap3A_142 {strides = array<i32>} : memref<1024xi32, #tpu.memory_space<vmem>>, vector<16xi32>,
    }
    %scan3A_95 = arith.constant 64 : i32
    %barrier3A_96 = arith.constant 0 : index
    tpu.barrier barrier_id(%barrier3A_96)
    %dma_start3A_97 = arith.constant 0 : i32
    %dma_start3A_98 = tpu.memref_slice %arg10[%dma_start3A_97] : memref<1024xi32, #tpu.memory_space<vmem>> -> memref<128xi32, #tpu.memory_space<vmem>>
    %dma_start3A_99 = arith.constant 0 : i32
    %dma_start3A_100 = arith.constant 0 : i32
    %dma_start3A_101 = tpu.memref_slice %arg2[%dma_start3A_99, %dma_start3A_100] : memref<40000x128xf32, #tpu.memory_space<hbm>> -> memref<40000x128xf32, #tpu.memory_space<hbm>>
    tpu.enqueue_indirect_dma source(%dma_start3A_101 : memref<40000x128xf32, #tpu.memory_space<hbm>>) target(%arg16 : memref<128x128xf32, #tpu.memory_space<vmem>>) offsets(%dma_start3A_98 : memref<128xi32, #tpu.memory_space<vmem>>) semaphore(%arg18 : memref<!tpu.dma_semaphore, #tpu.memory_space<semaphore_mem>>)
    %dma_start3A_102 = arith.constant 128 : i32
    %dma_start3A_103 = tpu.memref_slice %arg10[%dma_start3A_102] : memref<1024xi32, #tpu.memory_space<vmem>> -> memref<128xi32, #tpu.memory_space<vmem>>
    %dma_start3A_104 = arith.constant 0 : i32
    %dma_start3A_105 = arith.constant 0 : i32
    %dma_start3A_106 = tpu.memref_slice %arg2[%dma_start3A_104, %dma_start3A_105] : memref<40000x128xf32, #tpu.memory_space<hbm>> -> memref<40000x128xf32, #tpu.memory_space<hbm>>
    tpu.enqueue_indirect_dma source(%dma_start3A_106 : memref<40000x128xf32, #tpu.memory_space<hbm>>) target(%arg17 : memref<128x128xf32, #tpu.memory_space<vmem>>) offsets(%dma_start3A_103 : memref<128xi32, #tpu.memory_space<vmem>>) semaphore(%arg19 : memref<!tpu.dma_semaphore, #tpu.memory_space<semaphore_mem>>)
    %scan3A_107 = arith.constant 0 : i32
    %scan3A_108 = arith.constant 10 : i32
    %scan3A_109 = arith.addi %scan3A_107, %scan3A_108 : i32
    %scan3A_110 = arith.constant 1 : i32
    scf.for %scan3A_129 = %scan3A_107 to %scan3A_109 step %scan3A_110  : i32 {
      %mul3A_130 = arith.constant 2 : i32
      %mul3A_131 = arith.muli %scan3A_129, %mul3A_130 : i32
      %add3A_132 = arith.constant 0 : i32
      %add3A_133 = arith.addi %add3A_132, %mul3A_131 : i32
      %add3A_134 = arith.constant 0 : i32
      %add3A_135 = arith.addi %add3A_133, %add3A_134 : i32
      %add3A_136 = arith.constant 1 : i32
      %add3A_137 = arith.addi %add3A_135, %add3A_136 : i32
      %mul3A_138 = arith.constant 21504 : i32
      %mul3A_139 = arith.muli %arg1, %mul3A_138 : i32
      %mul3A_140 = arith.constant 1024 : i32
      %mul3A_141 = arith.muli %add3A_137, %mul3A_140 : i32
      %add3A_142 = arith.addi %mul3A_139, %mul3A_141 : i32
      "tpu.region"() ({
        %run_scoped3A = tpu.sem_alloc : memref<!tpu.dma_semaphore, #tpu.memory_space<semaphore_mem>>
        %dma_start3A_560 = tpu.memref_slice %arg3[%add3A_142] : memref<344064xi32, #tpu.memory_space<hbm>> -> memref<1024xi32, #tpu.memory_space<hbm>>
        %dma_start3A_561 = tpu.memref_slice %arg3[%add3A_142] : memref<344064xi32, #tpu.memory_space<hbm>> -> memref<1024xi32, #tpu.memory_space<hbm>>
        tpu.enqueue_dma source(%dma_start3A_561 : memref<1024xi32, #tpu.memory_space<hbm>>) target(%arg11 : memref<1024xi32, #tpu.memory_space<vmem>>) target_semaphore(%run_scoped3A : memref<!tpu.dma_semaphore, #tpu.memory_space<semaphore_mem>>)
        %dma_wait3A_562 = tpu.memref_slice %arg3[%add3A_142] : memref<344064xi32, #tpu.memory_space<hbm>> -> memref<1024xi32, #tpu.memory_space<hbm>>
        %dma_wait3A_563 = tpu.memref_slice %arg3[%add3A_142] : memref<344064xi32, #tpu.memory_space<hbm>> -> memref<1024xi32, #tpu.memory_space<hbm>>
        tpu.wait_dma2 semaphore(%run_scoped3A : memref<!tpu.dma_semaphore, #tpu.memory_space<semaphore_mem>>) src(%dma_wait3A_563 : memref<1024xi32, #tpu.memory_space<hbm>>) dst(%arg11 : memref<1024xi32, #tpu.memory_space<vmem>>)
        tpu.yield
      }) : () -> ()
      %mul3A_143 = arith.constant 21 : i32
      %mul3A_144 = arith.muli %arg1, %mul3A_143 : i32
      %mul3A_145 = arith.constant 8 : i32
      %mul3A_146 = arith.muli %mul3A_144, %mul3A_145 : i32
      %mul3A_147 = arith.constant 8 : i32
      %mul3A_148 = arith.muli %add3A_137, %mul3A_147 : i32
      %add3A_149 = arith.addi %mul3A_146, %mul3A_148 : i32
      "tpu.region"() ({
        %run_scoped3A = tpu.sem_alloc : memref<!tpu.dma_semaphore, #tpu.memory_space<semaphore_mem>>
        %dma_start3A_560 = arith.constant 0 : i32
        %dma_start3A_561 = tpu.memref_slice %arg4[%add3A_149, %dma_start3A_560] : memref<2688x128xi32, #tpu.memory_space<hbm>> -> memref<8x128xi32, #tpu.memory_space<hbm>>
        %dma_start3A_562 = arith.constant 0 : i32
        %dma_start3A_563 = tpu.memref_slice %arg4[%add3A_149, %dma_start3A_562] : memref<2688x128xi32, #tpu.memory_space<hbm>> -> memref<8x128xi32, #tpu.memory_space<hbm>>
        tpu.enqueue_dma source(%dma_start3A_563 : memref<8x128xi32, #tpu.memory_space<hbm>>) target(%arg13 : memref<8x128xi32, #tpu.memory_space<vmem>>) target_semaphore(%run_scoped3A : memref<!tpu.dma_semaphore, #tpu.memory_space<semaphore_mem>>)
        %dma_wait3A_564 = arith.constant 0 : i32
        %dma_wait3A_565 = tpu.memref_slice %arg4[%add3A_149, %dma_wait3A_564] : memref<2688x128xi32, #tpu.memory_space<hbm>> -> memref<8x128xi32, #tpu.memory_space<hbm>>
        %dma_wait3A_566 = arith.constant 0 : i32
        %dma_wait3A_567 = tpu.memref_slice %arg4[%add3A_149, %dma_wait3A_566] : memref<2688x128xi32, #tpu.memory_space<hbm>> -> memref<8x128xi32, #tpu.memory_space<hbm>>
        tpu.wait_dma2 semaphore(%run_scoped3A : memref<!tpu.dma_semaphore, #tpu.memory_space<semaphore_mem>>) src(%dma_wait3A_567 : memref<8x128xi32, #tpu.memory_space<hbm>>) dst(%arg13 : memref<8x128xi32, #tpu.memory_space<vmem>>)
        tpu.yield
      }) : () -> ()
      %scan3A_150 = arith.constant 0 : i32
      %scan3A_151 = arith.constant 64 : i32
      %scan3A_152 = arith.addi %scan3A_150, %scan3A_151 : i32
      %scan3A_153 = arith.constant 1 : i32
      scf.for %scan3A_560 = %scan3A_150 to %scan3A_152 step %scan3A_153  : i32 {
        %mul3A_561 = arith.constant 1 : i32
        %mul3A_562 = arith.muli %scan3A_560, %mul3A_561 : i32
        %add3A_563 = arith.constant 0 : i32
        %add3A_564 = arith.addi %add3A_563, %mul3A_562 : i32
        %mul3A_565 = arith.constant 16 : i32
        %mul3A_566 = arith.muli %add3A_564, %mul3A_565 : i32
        %get3A = arith.index_cast %mul3A_566 : i32 to index
        %get3A_567 = tpu.vector_load %arg11[%get3A] {strides = array<i32>} : memref<1024xi32, #tpu.memory_space<vmem>>, vector<16xi32>,
        %get3A_568 = vector.shape_cast %get3A_567 : vector<16xi32> to vector<16xi32>
        %add3A_569 = vector.broadcast %mul3A_78 : i32 to vector<16xi32>
        %add3A_570 = arith.addi %get3A_568, %add3A_569 : vector<16xi32>
        %swap3A = arith.index_cast %mul3A_566 : i32 to index
        %swap3A_571 = tpu.vector_load %arg11[%swap3A] {strides = array<i32>} : memref<1024xi32, #tpu.memory_space<vmem>>, vector<16xi32>,
        %swap3A_572 = vector.shape_cast %swap3A_571 : vector<16xi32> to vector<16xi32>
        %swap3A_573 = vector.shape_cast %add3A_570 : vector<16xi32> to vector<16xi32>
        tpu.vector_store %arg11[%swap3A], %swap3A_573 {strides = array<i32>} : memref<1024xi32, #tpu.memory_space<vmem>>, vector<16xi32>,
      }
      %scan3A_154 = arith.constant 64 : i32
      %dma_wait3A_155 = arith.constant 0 : i32
      %dma_wait3A_156 = tpu.memref_slice %arg10[%dma_wait3A_155] : memref<1024xi32, #tpu.memory_space<vmem>> -> memref<128xi32, #tpu.memory_space<vmem>>
      %dma_wait3A_157 = arith.constant 0 : i32
      %dma_wait3A_158 = arith.constant 0 : i32
      %dma_wait3A_159 = tpu.memref_slice %arg2[%dma_wait3A_157, %dma_wait3A_158] : memref<40000x128xf32, #tpu.memory_space<hbm>> -> memref<40000x128xf32, #tpu.memory_space<hbm>>
      tpu.wait_indirect_dma semaphore(%arg18 : memref<!tpu.dma_semaphore, #tpu.memory_space<semaphore_mem>>) src(%dma_wait3A_159 : memref<40000x128xf32, #tpu.memory_space<hbm>>) dst(%arg16 : memref<128x128xf32, #tpu.memory_space<vmem>>)
      %dma_start3A_160 = arith.constant 0 : i32
      %dma_start3A_161 = arith.constant 0 : i32
      %dma_start3A_162 = tpu.memref_slice %arg12[%dma_start3A_160, %dma_start3A_161] : memref<8x128xi32, #tpu.memory_space<vmem>> -> memref<1x128xi32, #tpu.memory_space<vmem>>
      %dma_start3A_163 = tpu.memref_squeeze %dma_start3A_162 : memref<1x128xi32, #tpu.memory_space<vmem>> -> memref<128xi32, #tpu.memory_space<vmem>>
      %dma_start3A_164 = arith.constant 0 : i32
      %dma_start3A_165 = arith.constant 0 : i32
      %dma_start3A_166 = tpu.memref_slice %arg8[%dma_start3A_164, %dma_start3A_165] : memref<10240x128xf32, #tpu.memory_space<vmem_shared>> -> memref<10240x128xf32, #tpu.memory_space<vmem_shared>>
      tpu.enqueue_indirect_dma source(%arg16 : memref<128x128xf32, #tpu.memory_space<vmem>>) target(%dma_start3A_166 : memref<10240x128xf32, #tpu.memory_space<vmem_shared>>) offsets(%dma_start3A_163 : memref<128xi32, #tpu.memory_space<vmem>>) semaphore(%arg20 : memref<!tpu.dma_semaphore, #tpu.memory_space<semaphore_mem>>) {add = true}
      %dma_wait3A_167 = arith.constant 0 : i32
      %dma_wait3A_168 = arith.constant 0 : i32
      %dma_wait3A_169 = tpu.memref_slice %arg12[%dma_wait3A_167, %dma_wait3A_168] : memref<8x128xi32, #tpu.memory_space<vmem>> -> memref<1x128xi32, #tpu.memory_space<vmem>>
      %dma_wait3A_170 = tpu.memref_squeeze %dma_wait3A_169 : memref<1x128xi32, #tpu.memory_space<vmem>> -> memref<128xi32, #tpu.memory_space<vmem>>
      %dma_wait3A_171 = arith.constant 0 : i32
      %dma_wait3A_172 = arith.constant 0 : i32
      %dma_wait3A_173 = tpu.memref_slice %arg8[%dma_wait3A_171, %dma_wait3A_172] : memref<10240x128xf32, #tpu.memory_space<vmem_shared>> -> memref<10240x128xf32, #tpu.memory_space<vmem_shared>>
      tpu.wait_indirect_dma semaphore(%arg20 : memref<!tpu.dma_semaphore, #tpu.memory_space<semaphore_mem>>) src(%arg16 : memref<128x128xf32, #tpu.memory_space<vmem>>) dst(%dma_wait3A_173 : memref<10240x128xf32, #tpu.memory_space<vmem_shared>>)
      %dma_start3A_174 = arith.constant 256 : i32
      %dma_start3A_175 = tpu.memref_slice %arg10[%dma_start3A_174] : memref<1024xi32, #tpu.memory_space<vmem>> -> memref<128xi32, #tpu.memory_space<vmem>>
      %dma_start3A_176 = arith.constant 0 : i32
      %dma_start3A_177 = arith.constant 0 : i32
      %dma_start3A_178 = tpu.memref_slice %arg2[%dma_start3A_176, %dma_start3A_177] : memref<40000x128xf32, #tpu.memory_space<hbm>> -> memref<40000x128xf32, #tpu.memory_space<hbm>>
      tpu.enqueue_indirect_dma source(%dma_start3A_178 : memref<40000x128xf32, #tpu.memory_space<hbm>>) target(%arg16 : memref<128x128xf32, #tpu.memory_space<vmem>>) offsets(%dma_start3A_175 : memref<128xi32, #tpu.memory_space<vmem>>) semaphore(%arg18 : memref<!tpu.dma_semaphore, #tpu.memory_space<semaphore_mem>>)
      %dma_wait3A_179 = arith.constant 128 : i32
      %dma_wait3A_180 = tpu.memref_slice %arg10[%dma_wait3A_179] : memref<1024xi32, #tpu.memory_space<vmem>> -> memref<128xi32, #tpu.memory_space<vmem>>
      %dma_wait3A_181 = arith.constant 0 : i32
      %dma_wait3A_182 = arith.constant 0 : i32
      %dma_wait3A_183 = tpu.memref_slice %arg2[%dma_wait3A_181, %dma_wait3A_182] : memref<40000x128xf32, #tpu.memory_space<hbm>> -> memref<40000x128xf32, #tpu.memory_space<hbm>>
      tpu.wait_indirect_dma semaphore(%arg19 : memref<!tpu.dma_semaphore, #tpu.memory_space<semaphore_mem>>) src(%dma_wait3A_183 : memref<40000x128xf32, #tpu.memory_space<hbm>>) dst(%arg17 : memref<128x128xf32, #tpu.memory_space<vmem>>)
      %dma_start3A_184 = arith.constant 1 : i32
      %dma_start3A_185 = arith.constant 0 : i32
      %dma_start3A_186 = tpu.memref_slice %arg12[%dma_start3A_184, %dma_start3A_185] : memref<8x128xi32, #tpu.memory_space<vmem>> -> memref<1x128xi32, #tpu.memory_space<vmem>>
      %dma_start3A_187 = tpu.memref_squeeze %dma_start3A_186 : memref<1x128xi32, #tpu.memory_space<vmem>> -> memref<128xi32, #tpu.memory_space<vmem>>
      %dma_start3A_188 = arith.constant 0 : i32
      %dma_start3A_189 = arith.constant 0 : i32
      %dma_start3A_190 = tpu.memref_slice %arg8[%dma_start3A_188, %dma_start3A_189] : memref<10240x128xf32, #tpu.memory_space<vmem_shared>> -> memref<10240x128xf32, #tpu.memory_space<vmem_shared>>
      tpu.enqueue_indirect_dma source(%arg17 : memref<128x128xf32, #tpu.memory_space<vmem>>) target(%dma_start3A_190 : memref<10240x128xf32, #tpu.memory_space<vmem_shared>>) offsets(%dma_start3A_187 : memref<128xi32, #tpu.memory_space<vmem>>) semaphore(%arg21 : memref<!tpu.dma_semaphore, #tpu.memory_space<semaphore_mem>>) {add = true}
      %dma_wait3A_191 = arith.constant 1 : i32
      %dma_wait3A_192 = arith.constant 0 : i32
      %dma_wait3A_193 = tpu.memref_slice %arg12[%dma_wait3A_191, %dma_wait3A_192] : memref<8x128xi32, #tpu.memory_space<vmem>> -> memref<1x128xi32, #tpu.memory_space<vmem>>
      %dma_wait3A_194 = tpu.memref_squeeze %dma_wait3A_193 : memref<1x128xi32, #tpu.memory_space<vmem>> -> memref<128xi32, #tpu.memory_space<vmem>>
      %dma_wait3A_195 = arith.constant 0 : i32
      %dma_wait3A_196 = arith.constant 0 : i32
      %dma_wait3A_197 = tpu.memref_slice %arg8[%dma_wait3A_195, %dma_wait3A_196] : memref<10240x128xf32, #tpu.memory_space<vmem_shared>> -> memref<10240x128xf32, #tpu.memory_space<vmem_shared>>
      tpu.wait_indirect_dma semaphore(%arg21 : memref<!tpu.dma_semaphore, #tpu.memory_space<semaphore_mem>>) src(%arg17 : memref<128x128xf32, #tpu.memory_space<vmem>>) dst(%dma_wait3A_197 : memref<10240x128xf32, #tpu.memory_space<vmem_shared>>)
      %dma_start3A_198 = arith.constant 384 : i32
      %dma_start3A_199 = tpu.memref_slice %arg10[%dma_start3A_198] : memref<1024xi32, #tpu.memory_space<vmem>> -> memref<128xi32, #tpu.memory_space<vmem>>
      %dma_start3A_200 = arith.constant 0 : i32
      %dma_start3A_201 = arith.constant 0 : i32
      %dma_start3A_202 = tpu.memref_slice %arg2[%dma_start3A_200, %dma_start3A_201] : memref<40000x128xf32, #tpu.memory_space<hbm>> -> memref<40000x128xf32, #tpu.memory_space<hbm>>
      tpu.enqueue_indirect_dma source(%dma_start3A_202 : memref<40000x128xf32, #tpu.memory_space<hbm>>) target(%arg17 : memref<128x128xf32, #tpu.memory_space<vmem>>) offsets(%dma_start3A_199 : memref<128xi32, #tpu.memory_space<vmem>>) semaphore(%arg19 : memref<!tpu.dma_semaphore, #tpu.memory_space<semaphore_mem>>)
      %dma_wait3A_203 = arith.constant 256 : i32
      %dma_wait3A_204 = tpu.memref_slice %arg10[%dma_wait3A_203] : memref<1024xi32, #tpu.memory_space<vmem>> -> memref<128xi32, #tpu.memory_space<vmem>>
      %dma_wait3A_205 = arith.constant 0 : i32
      %dma_wait3A_206 = arith.constant 0 : i32
      %dma_wait3A_207 = tpu.memref_slice %arg2[%dma_wait3A_205, %dma_wait3A_206] : memref<40000x128xf32, #tpu.memory_space<hbm>> -> memref<40000x128xf32, #tpu.memory_space<hbm>>
      tpu.wait_indirect_dma semaphore(%arg18 : memref<!tpu.dma_semaphore, #tpu.memory_space<semaphore_mem>>) src(%dma_wait3A_207 : memref<40000x128xf32, #tpu.memory_space<hbm>>) dst(%arg16 : memref<128x128xf32, #tpu.memory_space<vmem>>)
      %dma_start3A_208 = arith.constant 2 : i32
      %dma_start3A_209 = arith.constant 0 : i32
      %dma_start3A_210 = tpu.memref_slice %arg12[%dma_start3A_208, %dma_start3A_209] : memref<8x128xi32, #tpu.memory_space<vmem>> -> memref<1x128xi32, #tpu.memory_space<vmem>>
      %dma_start3A_211 = tpu.memref_squeeze %dma_start3A_210 : memref<1x128xi32, #tpu.memory_space<vmem>> -> memref<128xi32, #tpu.memory_space<vmem>>
      %dma_start3A_212 = arith.constant 0 : i32
      %dma_start3A_213 = arith.constant 0 : i32
      %dma_start3A_214 = tpu.memref_slice %arg8[%dma_start3A_212, %dma_start3A_213] : memref<10240x128xf32, #tpu.memory_space<vmem_shared>> -> memref<10240x128xf32, #tpu.memory_space<vmem_shared>>
      tpu.enqueue_indirect_dma source(%arg16 : memref<128x128xf32, #tpu.memory_space<vmem>>) target(%dma_start3A_214 : memref<10240x128xf32, #tpu.memory_space<vmem_shared>>) offsets(%dma_start3A_211 : memref<128xi32, #tpu.memory_space<vmem>>) semaphore(%arg20 : memref<!tpu.dma_semaphore, #tpu.memory_space<semaphore_mem>>) {add = true}
      %dma_wait3A_215 = arith.constant 2 : i32
      %dma_wait3A_216 = arith.constant 0 : i32
      %dma_wait3A_217 = tpu.memref_slice %arg12[%dma_wait3A_215, %dma_wait3A_216] : memref<8x128xi32, #tpu.memory_space<vmem>> -> memref<1x128xi32, #tpu.memory_space<vmem>>
      %dma_wait3A_218 = tpu.memref_squeeze %dma_wait3A_217 : memref<1x128xi32, #tpu.memory_space<vmem>> -> memref<128xi32, #tpu.memory_space<vmem>>
      %dma_wait3A_219 = arith.constant 0 : i32
      %dma_wait3A_220 = arith.constant 0 : i32
      %dma_wait3A_221 = tpu.memref_slice %arg8[%dma_wait3A_219, %dma_wait3A_220] : memref<10240x128xf32, #tpu.memory_space<vmem_shared>> -> memref<10240x128xf32, #tpu.memory_space<vmem_shared>>
      tpu.wait_indirect_dma semaphore(%arg20 : memref<!tpu.dma_semaphore, #tpu.memory_space<semaphore_mem>>) src(%arg16 : memref<128x128xf32, #tpu.memory_space<vmem>>) dst(%dma_wait3A_221 : memref<10240x128xf32, #tpu.memory_space<vmem_shared>>)
      %dma_start3A_222 = arith.constant 512 : i32
      %dma_start3A_223 = tpu.memref_slice %arg10[%dma_start3A_222] : memref<1024xi32, #tpu.memory_space<vmem>> -> memref<128xi32, #tpu.memory_space<vmem>>
      %dma_start3A_224 = arith.constant 0 : i32
      %dma_start3A_225 = arith.constant 0 : i32
      %dma_start3A_226 = tpu.memref_slice %arg2[%dma_start3A_224, %dma_start3A_225] : memref<40000x128xf32, #tpu.memory_space<hbm>> -> memref<40000x128xf32, #tpu.memory_space<hbm>>
      tpu.enqueue_indirect_dma source(%dma_start3A_226 : memref<40000x128xf32, #tpu.memory_space<hbm>>) target(%arg16 : memref<128x128xf32, #tpu.memory_space<vmem>>) offsets(%dma_start3A_223 : memref<128xi32, #tpu.memory_space<vmem>>) semaphore(%arg18 : memref<!tpu.dma_semaphore, #tpu.memory_space<semaphore_mem>>)
      %dma_wait3A_227 = arith.constant 384 : i32
      %dma_wait3A_228 = tpu.memref_slice %arg10[%dma_wait3A_227] : memref<1024xi32, #tpu.memory_space<vmem>> -> memref<128xi32, #tpu.memory_space<vmem>>
      %dma_wait3A_229 = arith.constant 0 : i32
      %dma_wait3A_230 = arith.constant 0 : i32
      %dma_wait3A_231 = tpu.memref_slice %arg2[%dma_wait3A_229, %dma_wait3A_230] : memref<40000x128xf32, #tpu.memory_space<hbm>> -> memref<40000x128xf32, #tpu.memory_space<hbm>>
      tpu.wait_indirect_dma semaphore(%arg19 : memref<!tpu.dma_semaphore, #tpu.memory_space<semaphore_mem>>) src(%dma_wait3A_231 : memref<40000x128xf32, #tpu.memory_space<hbm>>) dst(%arg17 : memref<128x128xf32, #tpu.memory_space<vmem>>)
      %dma_start3A_232 = arith.constant 3 : i32
      %dma_start3A_233 = arith.constant 0 : i32
      %dma_start3A_234 = tpu.memref_slice %arg12[%dma_start3A_232, %dma_start3A_233] : memref<8x128xi32, #tpu.memory_space<vmem>> -> memref<1x128xi32, #tpu.memory_space<vmem>>
      %dma_start3A_235 = tpu.memref_squeeze %dma_start3A_234 : memref<1x128xi32, #tpu.memory_space<vmem>> -> memref<128xi32, #tpu.memory_space<vmem>>
      %dma_start3A_236 = arith.constant 0 : i32
      %dma_start3A_237 = arith.constant 0 : i32
      %dma_start3A_238 = tpu.memref_slice %arg8[%dma_start3A_236, %dma_start3A_237] : memref<10240x128xf32, #tpu.memory_space<vmem_shared>> -> memref<10240x128xf32, #tpu.memory_space<vmem_shared>>
      tpu.enqueue_indirect_dma source(%arg17 : memref<128x128xf32, #tpu.memory_space<vmem>>) target(%dma_start3A_238 : memref<10240x128xf32, #tpu.memory_space<vmem_shared>>) offsets(%dma_start3A_235 : memref<128xi32, #tpu.memory_space<vmem>>) semaphore(%arg21 : memref<!tpu.dma_semaphore, #tpu.memory_space<semaphore_mem>>) {add = true}
      %dma_wait3A_239 = arith.constant 3 : i32
      %dma_wait3A_240 = arith.constant 0 : i32
      %dma_wait3A_241 = tpu.memref_slice %arg12[%dma_wait3A_239, %dma_wait3A_240] : memref<8x128xi32, #tpu.memory_space<vmem>> -> memref<1x128xi32, #tpu.memory_space<vmem>>
      %dma_wait3A_242 = tpu.memref_squeeze %dma_wait3A_241 : memref<1x128xi32, #tpu.memory_space<vmem>> -> memref<128xi32, #tpu.memory_space<vmem>>
      %dma_wait3A_243 = arith.constant 0 : i32
      %dma_wait3A_244 = arith.constant 0 : i32
      %dma_wait3A_245 = tpu.memref_slice %arg8[%dma_wait3A_243, %dma_wait3A_244] : memref<10240x128xf32, #tpu.memory_space<vmem_shared>> -> memref<10240x128xf32, #tpu.memory_space<vmem_shared>>
      tpu.wait_indirect_dma semaphore(%arg21 : memref<!tpu.dma_semaphore, #tpu.memory_space<semaphore_mem>>) src(%arg17 : memref<128x128xf32, #tpu.memory_space<vmem>>) dst(%dma_wait3A_245 : memref<10240x128xf32, #tpu.memory_space<vmem_shared>>)
      %dma_start3A_246 = arith.constant 640 : i32
      %dma_start3A_247 = tpu.memref_slice %arg10[%dma_start3A_246] : memref<1024xi32, #tpu.memory_space<vmem>> -> memref<128xi32, #tpu.memory_space<vmem>>
      %dma_start3A_248 = arith.constant 0 : i32
      %dma_start3A_249 = arith.constant 0 : i32
      %dma_start3A_250 = tpu.memref_slice %arg2[%dma_start3A_248, %dma_start3A_249] : memref<40000x128xf32, #tpu.memory_space<hbm>> -> memref<40000x128xf32, #tpu.memory_space<hbm>>
      tpu.enqueue_indirect_dma source(%dma_start3A_250 : memref<40000x128xf32, #tpu.memory_space<hbm>>) target(%arg17 : memref<128x128xf32, #tpu.memory_space<vmem>>) offsets(%dma_start3A_247 : memref<128xi32, #tpu.memory_space<vmem>>) semaphore(%arg19 : memref<!tpu.dma_semaphore, #tpu.memory_space<semaphore_mem>>)
      %dma_wait3A_251 = arith.constant 512 : i32
      %dma_wait3A_252 = tpu.memref_slice %arg10[%dma_wait3A_251] : memref<1024xi32, #tpu.memory_space<vmem>> -> memref<128xi32, #tpu.memory_space<vmem>>
      %dma_wait3A_253 = arith.constant 0 : i32
      %dma_wait3A_254 = arith.constant 0 : i32
      %dma_wait3A_255 = tpu.memref_slice %arg2[%dma_wait3A_253, %dma_wait3A_254] : memref<40000x128xf32, #tpu.memory_space<hbm>> -> memref<40000x128xf32, #tpu.memory_space<hbm>>
      tpu.wait_indirect_dma semaphore(%arg18 : memref<!tpu.dma_semaphore, #tpu.memory_space<semaphore_mem>>) src(%dma_wait3A_255 : memref<40000x128xf32, #tpu.memory_space<hbm>>) dst(%arg16 : memref<128x128xf32, #tpu.memory_space<vmem>>)
      %dma_start3A_256 = arith.constant 4 : i32
      %dma_start3A_257 = arith.constant 0 : i32
      %dma_start3A_258 = tpu.memref_slice %arg12[%dma_start3A_256, %dma_start3A_257] : memref<8x128xi32, #tpu.memory_space<vmem>> -> memref<1x128xi32, #tpu.memory_space<vmem>>
      %dma_start3A_259 = tpu.memref_squeeze %dma_start3A_258 : memref<1x128xi32, #tpu.memory_space<vmem>> -> memref<128xi32, #tpu.memory_space<vmem>>
      %dma_start3A_260 = arith.constant 0 : i32
      %dma_start3A_261 = arith.constant 0 : i32
      %dma_start3A_262 = tpu.memref_slice %arg8[%dma_start3A_260, %dma_start3A_261] : memref<10240x128xf32, #tpu.memory_space<vmem_shared>> -> memref<10240x128xf32, #tpu.memory_space<vmem_shared>>
      tpu.enqueue_indirect_dma source(%arg16 : memref<128x128xf32, #tpu.memory_space<vmem>>) target(%dma_start3A_262 : memref<10240x128xf32, #tpu.memory_space<vmem_shared>>) offsets(%dma_start3A_259 : memref<128xi32, #tpu.memory_space<vmem>>) semaphore(%arg20 : memref<!tpu.dma_semaphore, #tpu.memory_space<semaphore_mem>>) {add = true}
      %dma_wait3A_263 = arith.constant 4 : i32
      %dma_wait3A_264 = arith.constant 0 : i32
      %dma_wait3A_265 = tpu.memref_slice %arg12[%dma_wait3A_263, %dma_wait3A_264] : memref<8x128xi32, #tpu.memory_space<vmem>> -> memref<1x128xi32, #tpu.memory_space<vmem>>
      %dma_wait3A_266 = tpu.memref_squeeze %dma_wait3A_265 : memref<1x128xi32, #tpu.memory_space<vmem>> -> memref<128xi32, #tpu.memory_space<vmem>>
      %dma_wait3A_267 = arith.constant 0 : i32
      %dma_wait3A_268 = arith.constant 0 : i32
      %dma_wait3A_269 = tpu.memref_slice %arg8[%dma_wait3A_267, %dma_wait3A_268] : memref<10240x128xf32, #tpu.memory_space<vmem_shared>> -> memref<10240x128xf32, #tpu.memory_space<vmem_shared>>
      tpu.wait_indirect_dma semaphore(%arg20 : memref<!tpu.dma_semaphore, #tpu.memory_space<semaphore_mem>>) src(%arg16 : memref<128x128xf32, #tpu.memory_space<vmem>>) dst(%dma_wait3A_269 : memref<10240x128xf32, #tpu.memory_space<vmem_shared>>)
      %dma_start3A_270 = arith.constant 768 : i32
      %dma_start3A_271 = tpu.memref_slice %arg10[%dma_start3A_270] : memref<1024xi32, #tpu.memory_space<vmem>> -> memref<128xi32, #tpu.memory_space<vmem>>
      %dma_start3A_272 = arith.constant 0 : i32
      %dma_start3A_273 = arith.constant 0 : i32
      %dma_start3A_274 = tpu.memref_slice %arg2[%dma_start3A_272, %dma_start3A_273] : memref<40000x128xf32, #tpu.memory_space<hbm>> -> memref<40000x128xf32, #tpu.memory_space<hbm>>
      tpu.enqueue_indirect_dma source(%dma_start3A_274 : memref<40000x128xf32, #tpu.memory_space<hbm>>) target(%arg16 : memref<128x128xf32, #tpu.memory_space<vmem>>) offsets(%dma_start3A_271 : memref<128xi32, #tpu.memory_space<vmem>>) semaphore(%arg18 : memref<!tpu.dma_semaphore, #tpu.memory_space<semaphore_mem>>)
      %dma_wait3A_275 = arith.constant 640 : i32
      %dma_wait3A_276 = tpu.memref_slice %arg10[%dma_wait3A_275] : memref<1024xi32, #tpu.memory_space<vmem>> -> memref<128xi32, #tpu.memory_space<vmem>>
      %dma_wait3A_277 = arith.constant 0 : i32
      %dma_wait3A_278 = arith.constant 0 : i32
      %dma_wait3A_279 = tpu.memref_slice %arg2[%dma_wait3A_277, %dma_wait3A_278] : memref<40000x128xf32, #tpu.memory_space<hbm>> -> memref<40000x128xf32, #tpu.memory_space<hbm>>
      tpu.wait_indirect_dma semaphore(%arg19 : memref<!tpu.dma_semaphore, #tpu.memory_space<semaphore_mem>>) src(%dma_wait3A_279 : memref<40000x128xf32, #tpu.memory_space<hbm>>) dst(%arg17 : memref<128x128xf32, #tpu.memory_space<vmem>>)
      %dma_start3A_280 = arith.constant 5 : i32
      %dma_start3A_281 = arith.constant 0 : i32
      %dma_start3A_282 = tpu.memref_slice %arg12[%dma_start3A_280, %dma_start3A_281] : memref<8x128xi32, #tpu.memory_space<vmem>> -> memref<1x128xi32, #tpu.memory_space<vmem>>
      %dma_start3A_283 = tpu.memref_squeeze %dma_start3A_282 : memref<1x128xi32, #tpu.memory_space<vmem>> -> memref<128xi32, #tpu.memory_space<vmem>>
      %dma_start3A_284 = arith.constant 0 : i32
      %dma_start3A_285 = arith.constant 0 : i32
      %dma_start3A_286 = tpu.memref_slice %arg8[%dma_start3A_284, %dma_start3A_285] : memref<10240x128xf32, #tpu.memory_space<vmem_shared>> -> memref<10240x128xf32, #tpu.memory_space<vmem_shared>>
      tpu.enqueue_indirect_dma source(%arg17 : memref<128x128xf32, #tpu.memory_space<vmem>>) target(%dma_start3A_286 : memref<10240x128xf32, #tpu.memory_space<vmem_shared>>) offsets(%dma_start3A_283 : memref<128xi32, #tpu.memory_space<vmem>>) semaphore(%arg21 : memref<!tpu.dma_semaphore, #tpu.memory_space<semaphore_mem>>) {add = true}
      %dma_wait3A_287 = arith.constant 5 : i32
      %dma_wait3A_288 = arith.constant 0 : i32
      %dma_wait3A_289 = tpu.memref_slice %arg12[%dma_wait3A_287, %dma_wait3A_288] : memref<8x128xi32, #tpu.memory_space<vmem>> -> memref<1x128xi32, #tpu.memory_space<vmem>>
      %dma_wait3A_290 = tpu.memref_squeeze %dma_wait3A_289 : memref<1x128xi32, #tpu.memory_space<vmem>> -> memref<128xi32, #tpu.memory_space<vmem>>
      %dma_wait3A_291 = arith.constant 0 : i32
      %dma_wait3A_292 = arith.constant 0 : i32
      %dma_wait3A_293 = tpu.memref_slice %arg8[%dma_wait3A_291, %dma_wait3A_292] : memref<10240x128xf32, #tpu.memory_space<vmem_shared>> -> memref<10240x128xf32, #tpu.memory_space<vmem_shared>>
      tpu.wait_indirect_dma semaphore(%arg21 : memref<!tpu.dma_semaphore, #tpu.memory_space<semaphore_mem>>) src(%arg17 : memref<128x128xf32, #tpu.memory_space<vmem>>) dst(%dma_wait3A_293 : memref<10240x128xf32, #tpu.memory_space<vmem_shared>>)
      %dma_start3A_294 = arith.constant 896 : i32
      %dma_start3A_295 = tpu.memref_slice %arg10[%dma_start3A_294] : memref<1024xi32, #tpu.memory_space<vmem>> -> memref<128xi32, #tpu.memory_space<vmem>>
      %dma_start3A_296 = arith.constant 0 : i32
      %dma_start3A_297 = arith.constant 0 : i32
      %dma_start3A_298 = tpu.memref_slice %arg2[%dma_start3A_296, %dma_start3A_297] : memref<40000x128xf32, #tpu.memory_space<hbm>> -> memref<40000x128xf32, #tpu.memory_space<hbm>>
      tpu.enqueue_indirect_dma source(%dma_start3A_298 : memref<40000x128xf32, #tpu.memory_space<hbm>>) target(%arg17 : memref<128x128xf32, #tpu.memory_space<vmem>>) offsets(%dma_start3A_295 : memref<128xi32, #tpu.memory_space<vmem>>) semaphore(%arg19 : memref<!tpu.dma_semaphore, #tpu.memory_space<semaphore_mem>>)
      %dma_wait3A_299 = arith.constant 768 : i32
      %dma_wait3A_300 = tpu.memref_slice %arg10[%dma_wait3A_299] : memref<1024xi32, #tpu.memory_space<vmem>> -> memref<128xi32, #tpu.memory_space<vmem>>
      %dma_wait3A_301 = arith.constant 0 : i32
      %dma_wait3A_302 = arith.constant 0 : i32
      %dma_wait3A_303 = tpu.memref_slice %arg2[%dma_wait3A_301, %dma_wait3A_302] : memref<40000x128xf32, #tpu.memory_space<hbm>> -> memref<40000x128xf32, #tpu.memory_space<hbm>>
      tpu.wait_indirect_dma semaphore(%arg18 : memref<!tpu.dma_semaphore, #tpu.memory_space<semaphore_mem>>) src(%dma_wait3A_303 : memref<40000x128xf32, #tpu.memory_space<hbm>>) dst(%arg16 : memref<128x128xf32, #tpu.memory_space<vmem>>)
      %dma_start3A_304 = arith.constant 6 : i32
      %dma_start3A_305 = arith.constant 0 : i32
      %dma_start3A_306 = tpu.memref_slice %arg12[%dma_start3A_304, %dma_start3A_305] : memref<8x128xi32, #tpu.memory_space<vmem>> -> memref<1x128xi32, #tpu.memory_space<vmem>>
      %dma_start3A_307 = tpu.memref_squeeze %dma_start3A_306 : memref<1x128xi32, #tpu.memory_space<vmem>> -> memref<128xi32, #tpu.memory_space<vmem>>
      %dma_start3A_308 = arith.constant 0 : i32
      %dma_start3A_309 = arith.constant 0 : i32
      %dma_start3A_310 = tpu.memref_slice %arg8[%dma_start3A_308, %dma_start3A_309] : memref<10240x128xf32, #tpu.memory_space<vmem_shared>> -> memref<10240x128xf32, #tpu.memory_space<vmem_shared>>
      tpu.enqueue_indirect_dma source(%arg16 : memref<128x128xf32, #tpu.memory_space<vmem>>) target(%dma_start3A_310 : memref<10240x128xf32, #tpu.memory_space<vmem_shared>>) offsets(%dma_start3A_307 : memref<128xi32, #tpu.memory_space<vmem>>) semaphore(%arg20 : memref<!tpu.dma_semaphore, #tpu.memory_space<semaphore_mem>>) {add = true}
      %dma_wait3A_311 = arith.constant 6 : i32
      %dma_wait3A_312 = arith.constant 0 : i32
      %dma_wait3A_313 = tpu.memref_slice %arg12[%dma_wait3A_311, %dma_wait3A_312] : memref<8x128xi32, #tpu.memory_space<vmem>> -> memref<1x128xi32, #tpu.memory_space<vmem>>
      %dma_wait3A_314 = tpu.memref_squeeze %dma_wait3A_313 : memref<1x128xi32, #tpu.memory_space<vmem>> -> memref<128xi32, #tpu.memory_space<vmem>>
      %dma_wait3A_315 = arith.constant 0 : i32
      %dma_wait3A_316 = arith.constant 0 : i32
      %dma_wait3A_317 = tpu.memref_slice %arg8[%dma_wait3A_315, %dma_wait3A_316] : memref<10240x128xf32, #tpu.memory_space<vmem_shared>> -> memref<10240x128xf32, #tpu.memory_space<vmem_shared>>
      tpu.wait_indirect_dma semaphore(%arg20 : memref<!tpu.dma_semaphore, #tpu.memory_space<semaphore_mem>>) src(%arg16 : memref<128x128xf32, #tpu.memory_space<vmem>>) dst(%dma_wait3A_317 : memref<10240x128xf32, #tpu.memory_space<vmem_shared>>)
      %dma_start3A_318 = arith.constant 0 : i32
      %dma_start3A_319 = tpu.memref_slice %arg11[%dma_start3A_318] : memref<1024xi32, #tpu.memory_space<vmem>> -> memref<128xi32, #tpu.memory_space<vmem>>
      %dma_start3A_320 = arith.constant 0 : i32
      %dma_start3A_321 = arith.constant 0 : i32
      %dma_start3A_322 = tpu.memref_slice %arg2[%dma_start3A_320, %dma_start3A_321] : memref<40000x128xf32, #tpu.memory_space<hbm>> -> memref<40000x128xf32, #tpu.memory_space<hbm>>
      tpu.enqueue_indirect_dma source(%dma_start3A_322 : memref<40000x128xf32, #tpu.memory_space<hbm>>) target(%arg16 : memref<128x128xf32, #tpu.memory_space<vmem>>) offsets(%dma_start3A_319 : memref<128xi32, #tpu.memory_space<vmem>>) semaphore(%arg18 : memref<!tpu.dma_semaphore, #tpu.memory_space<semaphore_mem>>)
      %dma_wait3A_323 = arith.constant 896 : i32
      %dma_wait3A_324 = tpu.memref_slice %arg10[%dma_wait3A_323] : memref<1024xi32, #tpu.memory_space<vmem>> -> memref<128xi32, #tpu.memory_space<vmem>>
      %dma_wait3A_325 = arith.constant 0 : i32
      %dma_wait3A_326 = arith.constant 0 : i32
      %dma_wait3A_327 = tpu.memref_slice %arg2[%dma_wait3A_325, %dma_wait3A_326] : memref<40000x128xf32, #tpu.memory_space<hbm>> -> memref<40000x128xf32, #tpu.memory_space<hbm>>
      tpu.wait_indirect_dma semaphore(%arg19 : memref<!tpu.dma_semaphore, #tpu.memory_space<semaphore_mem>>) src(%dma_wait3A_327 : memref<40000x128xf32, #tpu.memory_space<hbm>>) dst(%arg17 : memref<128x128xf32, #tpu.memory_space<vmem>>)
      %dma_start3A_328 = arith.constant 7 : i32
      %dma_start3A_329 = arith.constant 0 : i32
      %dma_start3A_330 = tpu.memref_slice %arg12[%dma_start3A_328, %dma_start3A_329] : memref<8x128xi32, #tpu.memory_space<vmem>> -> memref<1x128xi32, #tpu.memory_space<vmem>>
      %dma_start3A_331 = tpu.memref_squeeze %dma_start3A_330 : memref<1x128xi32, #tpu.memory_space<vmem>> -> memref<128xi32, #tpu.memory_space<vmem>>
      %dma_start3A_332 = arith.constant 0 : i32
      %dma_start3A_333 = arith.constant 0 : i32
      %dma_start3A_334 = tpu.memref_slice %arg8[%dma_start3A_332, %dma_start3A_333] : memref<10240x128xf32, #tpu.memory_space<vmem_shared>> -> memref<10240x128xf32, #tpu.memory_space<vmem_shared>>
      tpu.enqueue_indirect_dma source(%arg17 : memref<128x128xf32, #tpu.memory_space<vmem>>) target(%dma_start3A_334 : memref<10240x128xf32, #tpu.memory_space<vmem_shared>>) offsets(%dma_start3A_331 : memref<128xi32, #tpu.memory_space<vmem>>) semaphore(%arg21 : memref<!tpu.dma_semaphore, #tpu.memory_space<semaphore_mem>>) {add = true}
      %dma_wait3A_335 = arith.constant 7 : i32
      %dma_wait3A_336 = arith.constant 0 : i32
      %dma_wait3A_337 = tpu.memref_slice %arg12[%dma_wait3A_335, %dma_wait3A_336] : memref<8x128xi32, #tpu.memory_space<vmem>> -> memref<1x128xi32, #tpu.memory_space<vmem>>
      %dma_wait3A_338 = tpu.memref_squeeze %dma_wait3A_337 : memref<1x128xi32, #tpu.memory_space<vmem>> -> memref<128xi32, #tpu.memory_space<vmem>>
      %dma_wait3A_339 = arith.constant 0 : i32
      %dma_wait3A_340 = arith.constant 0 : i32
      %dma_wait3A_341 = tpu.memref_slice %arg8[%dma_wait3A_339, %dma_wait3A_340] : memref<10240x128xf32, #tpu.memory_space<vmem_shared>> -> memref<10240x128xf32, #tpu.memory_space<vmem_shared>>
      tpu.wait_indirect_dma semaphore(%arg21 : memref<!tpu.dma_semaphore, #tpu.memory_space<semaphore_mem>>) src(%arg17 : memref<128x128xf32, #tpu.memory_space<vmem>>) dst(%dma_wait3A_341 : memref<10240x128xf32, #tpu.memory_space<vmem_shared>>)
      %dma_start3A_342 = arith.constant 128 : i32
      %dma_start3A_343 = tpu.memref_slice %arg11[%dma_start3A_342] : memref<1024xi32, #tpu.memory_space<vmem>> -> memref<128xi32, #tpu.memory_space<vmem>>
      %dma_start3A_344 = arith.constant 0 : i32
      %dma_start3A_345 = arith.constant 0 : i32
      %dma_start3A_346 = tpu.memref_slice %arg2[%dma_start3A_344, %dma_start3A_345] : memref<40000x128xf32, #tpu.memory_space<hbm>> -> memref<40000x128xf32, #tpu.memory_space<hbm>>
      tpu.enqueue_indirect_dma source(%dma_start3A_346 : memref<40000x128xf32, #tpu.memory_space<hbm>>) target(%arg17 : memref<128x128xf32, #tpu.memory_space<vmem>>) offsets(%dma_start3A_343 : memref<128xi32, #tpu.memory_space<vmem>>) semaphore(%arg19 : memref<!tpu.dma_semaphore, #tpu.memory_space<semaphore_mem>>)
      %add3A_347 = arith.constant 1 : i32
      %add3A_348 = arith.addi %add3A_133, %add3A_347 : i32
      %add3A_349 = arith.constant 1 : i32
      %add3A_350 = arith.addi %add3A_348, %add3A_349 : i32
      %mul3A_351 = arith.constant 21504 : i32
      %mul3A_352 = arith.muli %arg1, %mul3A_351 : i32
      %mul3A_353 = arith.constant 1024 : i32
      %mul3A_354 = arith.muli %add3A_350, %mul3A_353 : i32
      %add3A_355 = arith.addi %mul3A_352, %mul3A_354 : i32
      "tpu.region"() ({
        %run_scoped3A = tpu.sem_alloc : memref<!tpu.dma_semaphore, #tpu.memory_space<semaphore_mem>>
        %dma_start3A_560 = tpu.memref_slice %arg3[%add3A_355] : memref<344064xi32, #tpu.memory_space<hbm>> -> memref<1024xi32, #tpu.memory_space<hbm>>
        %dma_start3A_561 = tpu.memref_slice %arg3[%add3A_355] : memref<344064xi32, #tpu.memory_space<hbm>> -> memref<1024xi32, #tpu.memory_space<hbm>>
        tpu.enqueue_dma source(%dma_start3A_561 : memref<1024xi32, #tpu.memory_space<hbm>>) target(%arg10 : memref<1024xi32, #tpu.memory_space<vmem>>) target_semaphore(%run_scoped3A : memref<!tpu.dma_semaphore, #tpu.memory_space<semaphore_mem>>)
        %dma_wait3A_562 = tpu.memref_slice %arg3[%add3A_355] : memref<344064xi32, #tpu.memory_space<hbm>> -> memref<1024xi32, #tpu.memory_space<hbm>>
        %dma_wait3A_563 = tpu.memref_slice %arg3[%add3A_355] : memref<344064xi32, #tpu.memory_space<hbm>> -> memref<1024xi32, #tpu.memory_space<hbm>>
        tpu.wait_dma2 semaphore(%run_scoped3A : memref<!tpu.dma_semaphore, #tpu.memory_space<semaphore_mem>>) src(%dma_wait3A_563 : memref<1024xi32, #tpu.memory_space<hbm>>) dst(%arg10 : memref<1024xi32, #tpu.memory_space<vmem>>)
        tpu.yield
      }) : () -> ()
      %mul3A_356 = arith.constant 21 : i32
      %mul3A_357 = arith.muli %arg1, %mul3A_356 : i32
      %mul3A_358 = arith.constant 8 : i32
      %mul3A_359 = arith.muli %mul3A_357, %mul3A_358 : i32
      %mul3A_360 = arith.constant 8 : i32
      %mul3A_361 = arith.muli %add3A_350, %mul3A_360 : i32
      %add3A_362 = arith.addi %mul3A_359, %mul3A_361 : i32
      "tpu.region"() ({
        %run_scoped3A = tpu.sem_alloc : memref<!tpu.dma_semaphore, #tpu.memory_space<semaphore_mem>>
        %dma_start3A_560 = arith.constant 0 : i32
        %dma_start3A_561 = tpu.memref_slice %arg4[%add3A_362, %dma_start3A_560] : memref<2688x128xi32, #tpu.memory_space<hbm>> -> memref<8x128xi32, #tpu.memory_space<hbm>>
        %dma_start3A_562 = arith.constant 0 : i32
        %dma_start3A_563 = tpu.memref_slice %arg4[%add3A_362, %dma_start3A_562] : memref<2688x128xi32, #tpu.memory_space<hbm>> -> memref<8x128xi32, #tpu.memory_space<hbm>>
        tpu.enqueue_dma source(%dma_start3A_563 : memref<8x128xi32, #tpu.memory_space<hbm>>) target(%arg12 : memref<8x128xi32, #tpu.memory_space<vmem>>) target_semaphore(%run_scoped3A : memref<!tpu.dma_semaphore, #tpu.memory_space<semaphore_mem>>)
        %dma_wait3A_564 = arith.constant 0 : i32
        %dma_wait3A_565 = tpu.memref_slice %arg4[%add3A_362, %dma_wait3A_564] : memref<2688x128xi32, #tpu.memory_space<hbm>> -> memref<8x128xi32, #tpu.memory_space<hbm>>
        %dma_wait3A_566 = arith.constant 0 : i32
        %dma_wait3A_567 = tpu.memref_slice %arg4[%add3A_362, %dma_wait3A_566] : memref<2688x128xi32, #tpu.memory_space<hbm>> -> memref<8x128xi32, #tpu.memory_space<hbm>>
        tpu.wait_dma2 semaphore(%run_scoped3A : memref<!tpu.dma_semaphore, #tpu.memory_space<semaphore_mem>>) src(%dma_wait3A_567 : memref<8x128xi32, #tpu.memory_space<hbm>>) dst(%arg12 : memref<8x128xi32, #tpu.memory_space<vmem>>)
        tpu.yield
      }) : () -> ()
      %scan3A_363 = arith.constant 0 : i32
      %scan3A_364 = arith.constant 64 : i32
      %scan3A_365 = arith.addi %scan3A_363, %scan3A_364 : i32
      %scan3A_366 = arith.constant 1 : i32
      scf.for %scan3A_560 = %scan3A_363 to %scan3A_365 step %scan3A_366  : i32 {
        %mul3A_561 = arith.constant 1 : i32
        %mul3A_562 = arith.muli %scan3A_560, %mul3A_561 : i32
        %add3A_563 = arith.constant 0 : i32
        %add3A_564 = arith.addi %add3A_563, %mul3A_562 : i32
        %mul3A_565 = arith.constant 16 : i32
        %mul3A_566 = arith.muli %add3A_564, %mul3A_565 : i32
        %get3A = arith.index_cast %mul3A_566 : i32 to index
        %get3A_567 = tpu.vector_load %arg10[%get3A] {strides = array<i32>} : memref<1024xi32, #tpu.memory_space<vmem>>, vector<16xi32>,
        %get3A_568 = vector.shape_cast %get3A_567 : vector<16xi32> to vector<16xi32>
        %add3A_569 = vector.broadcast %mul3A_78 : i32 to vector<16xi32>
        %add3A_570 = arith.addi %get3A_568, %add3A_569 : vector<16xi32>
        %swap3A = arith.index_cast %mul3A_566 : i32 to index
        %swap3A_571 = tpu.vector_load %arg10[%swap3A] {strides = array<i32>} : memref<1024xi32, #tpu.memory_space<vmem>>, vector<16xi32>,
        %swap3A_572 = vector.shape_cast %swap3A_571 : vector<16xi32> to vector<16xi32>
        %swap3A_573 = vector.shape_cast %add3A_570 : vector<16xi32> to vector<16xi32>
        tpu.vector_store %arg10[%swap3A], %swap3A_573 {strides = array<i32>} : memref<1024xi32, #tpu.memory_space<vmem>>, vector<16xi32>,
      }
      %scan3A_367 = arith.constant 64 : i32
      %dma_wait3A_368 = arith.constant 0 : i32
      %dma_wait3A_369 = tpu.memref_slice %arg11[%dma_wait3A_368] : memref<1024xi32, #tpu.memory_space<vmem>> -> memref<128xi32, #tpu.memory_space<vmem>>
      %dma_wait3A_370 = arith.constant 0 : i32
      %dma_wait3A_371 = arith.constant 0 : i32
      %dma_wait3A_372 = tpu.memref_slice %arg2[%dma_wait3A_370, %dma_wait3A_371] : memref<40000x128xf32, #tpu.memory_space<hbm>> -> memref<40000x128xf32, #tpu.memory_space<hbm>>
      tpu.wait_indirect_dma semaphore(%arg18 : memref<!tpu.dma_semaphore, #tpu.memory_space<semaphore_mem>>) src(%dma_wait3A_372 : memref<40000x128xf32, #tpu.memory_space<hbm>>) dst(%arg16 : memref<128x128xf32, #tpu.memory_space<vmem>>)
      %dma_start3A_373 = arith.constant 0 : i32
      %dma_start3A_374 = arith.constant 0 : i32
      %dma_start3A_375 = tpu.memref_slice %arg13[%dma_start3A_373, %dma_start3A_374] : memref<8x128xi32, #tpu.memory_space<vmem>> -> memref<1x128xi32, #tpu.memory_space<vmem>>
      %dma_start3A_376 = tpu.memref_squeeze %dma_start3A_375 : memref<1x128xi32, #tpu.memory_space<vmem>> -> memref<128xi32, #tpu.memory_space<vmem>>
      %dma_start3A_377 = arith.constant 0 : i32
      %dma_start3A_378 = arith.constant 0 : i32
      %dma_start3A_379 = tpu.memref_slice %arg8[%dma_start3A_377, %dma_start3A_378] : memref<10240x128xf32, #tpu.memory_space<vmem_shared>> -> memref<10240x128xf32, #tpu.memory_space<vmem_shared>>
      tpu.enqueue_indirect_dma source(%arg16 : memref<128x128xf32, #tpu.memory_space<vmem>>) target(%dma_start3A_379 : memref<10240x128xf32, #tpu.memory_space<vmem_shared>>) offsets(%dma_start3A_376 : memref<128xi32, #tpu.memory_space<vmem>>) semaphore(%arg20 : memref<!tpu.dma_semaphore, #tpu.memory_space<semaphore_mem>>) {add = true}
      %dma_wait3A_380 = arith.constant 0 : i32
      %dma_wait3A_381 = arith.constant 0 : i32
      %dma_wait3A_382 = tpu.memref_slice %arg13[%dma_wait3A_380, %dma_wait3A_381] : memref<8x128xi32, #tpu.memory_space<vmem>> -> memref<1x128xi32, #tpu.memory_space<vmem>>
      %dma_wait3A_383 = tpu.memref_squeeze %dma_wait3A_382 : memref<1x128xi32, #tpu.memory_space<vmem>> -> memref<128xi32, #tpu.memory_space<vmem>>
      %dma_wait3A_384 = arith.constant 0 : i32
      %dma_wait3A_385 = arith.constant 0 : i32
      %dma_wait3A_386 = tpu.memref_slice %arg8[%dma_wait3A_384, %dma_wait3A_385] : memref<10240x128xf32, #tpu.memory_space<vmem_shared>> -> memref<10240x128xf32, #tpu.memory_space<vmem_shared>>
      tpu.wait_indirect_dma semaphore(%arg20 : memref<!tpu.dma_semaphore, #tpu.memory_space<semaphore_mem>>) src(%arg16 : memref<128x128xf32, #tpu.memory_space<vmem>>) dst(%dma_wait3A_386 : memref<10240x128xf32, #tpu.memory_space<vmem_shared>>)
      %dma_start3A_387 = arith.constant 256 : i32
      %dma_start3A_388 = tpu.memref_slice %arg11[%dma_start3A_387] : memref<1024xi32, #tpu.memory_space<vmem>> -> memref<128xi32, #tpu.memory_space<vmem>>
      %dma_start3A_389 = arith.constant 0 : i32
      %dma_start3A_390 = arith.constant 0 : i32
      %dma_start3A_391 = tpu.memref_slice %arg2[%dma_start3A_389, %dma_start3A_390] : memref<40000x128xf32, #tpu.memory_space<hbm>> -> memref<40000x128xf32, #tpu.memory_space<hbm>>
      tpu.enqueue_indirect_dma source(%dma_start3A_391 : memref<40000x128xf32, #tpu.memory_space<hbm>>) target(%arg16 : memref<128x128xf32, #tpu.memory_space<vmem>>) offsets(%dma_start3A_388 : memref<128xi32, #tpu.memory_space<vmem>>) semaphore(%arg18 : memref<!tpu.dma_semaphore, #tpu.memory_space<semaphore_mem>>)
      %dma_wait3A_392 = arith.constant 128 : i32
      %dma_wait3A_393 = tpu.memref_slice %arg11[%dma_wait3A_392] : memref<1024xi32, #tpu.memory_space<vmem>> -> memref<128xi32, #tpu.memory_space<vmem>>
      %dma_wait3A_394 = arith.constant 0 : i32
      %dma_wait3A_395 = arith.constant 0 : i32
      %dma_wait3A_396 = tpu.memref_slice %arg2[%dma_wait3A_394, %dma_wait3A_395] : memref<40000x128xf32, #tpu.memory_space<hbm>> -> memref<40000x128xf32, #tpu.memory_space<hbm>>
      tpu.wait_indirect_dma semaphore(%arg19 : memref<!tpu.dma_semaphore, #tpu.memory_space<semaphore_mem>>) src(%dma_wait3A_396 : memref<40000x128xf32, #tpu.memory_space<hbm>>) dst(%arg17 : memref<128x128xf32, #tpu.memory_space<vmem>>)
      %dma_start3A_397 = arith.constant 1 : i32
      %dma_start3A_398 = arith.constant 0 : i32
      %dma_start3A_399 = tpu.memref_slice %arg13[%dma_start3A_397, %dma_start3A_398] : memref<8x128xi32, #tpu.memory_space<vmem>> -> memref<1x128xi32, #tpu.memory_space<vmem>>
      %dma_start3A_400 = tpu.memref_squeeze %dma_start3A_399 : memref<1x128xi32, #tpu.memory_space<vmem>> -> memref<128xi32, #tpu.memory_space<vmem>>
      %dma_start3A_401 = arith.constant 0 : i32
      %dma_start3A_402 = arith.constant 0 : i32
      %dma_start3A_403 = tpu.memref_slice %arg8[%dma_start3A_401, %dma_start3A_402] : memref<10240x128xf32, #tpu.memory_space<vmem_shared>> -> memref<10240x128xf32, #tpu.memory_space<vmem_shared>>
      tpu.enqueue_indirect_dma source(%arg17 : memref<128x128xf32, #tpu.memory_space<vmem>>) target(%dma_start3A_403 : memref<10240x128xf32, #tpu.memory_space<vmem_shared>>) offsets(%dma_start3A_400 : memref<128xi32, #tpu.memory_space<vmem>>) semaphore(%arg21 : memref<!tpu.dma_semaphore, #tpu.memory_space<semaphore_mem>>) {add = true}
      %dma_wait3A_404 = arith.constant 1 : i32
      %dma_wait3A_405 = arith.constant 0 : i32
      %dma_wait3A_406 = tpu.memref_slice %arg13[%dma_wait3A_404, %dma_wait3A_405] : memref<8x128xi32, #tpu.memory_space<vmem>> -> memref<1x128xi32, #tpu.memory_space<vmem>>
      %dma_wait3A_407 = tpu.memref_squeeze %dma_wait3A_406 : memref<1x128xi32, #tpu.memory_space<vmem>> -> memref<128xi32, #tpu.memory_space<vmem>>
      %dma_wait3A_408 = arith.constant 0 : i32
      %dma_wait3A_409 = arith.constant 0 : i32
      %dma_wait3A_410 = tpu.memref_slice %arg8[%dma_wait3A_408, %dma_wait3A_409] : memref<10240x128xf32, #tpu.memory_space<vmem_shared>> -> memref<10240x128xf32, #tpu.memory_space<vmem_shared>>
      tpu.wait_indirect_dma semaphore(%arg21 : memref<!tpu.dma_semaphore, #tpu.memory_space<semaphore_mem>>) src(%arg17 : memref<128x128xf32, #tpu.memory_space<vmem>>) dst(%dma_wait3A_410 : memref<10240x128xf32, #tpu.memory_space<vmem_shared>>)
      %dma_start3A_411 = arith.constant 384 : i32
      %dma_start3A_412 = tpu.memref_slice %arg11[%dma_start3A_411] : memref<1024xi32, #tpu.memory_space<vmem>> -> memref<128xi32, #tpu.memory_space<vmem>>
      %dma_start3A_413 = arith.constant 0 : i32
      %dma_start3A_414 = arith.constant 0 : i32
      %dma_start3A_415 = tpu.memref_slice %arg2[%dma_start3A_413, %dma_start3A_414] : memref<40000x128xf32, #tpu.memory_space<hbm>> -> memref<40000x128xf32, #tpu.memory_space<hbm>>
      tpu.enqueue_indirect_dma source(%dma_start3A_415 : memref<40000x128xf32, #tpu.memory_space<hbm>>) target(%arg17 : memref<128x128xf32, #tpu.memory_space<vmem>>) offsets(%dma_start3A_412 : memref<128xi32, #tpu.memory_space<vmem>>) semaphore(%arg19 : memref<!tpu.dma_semaphore, #tpu.memory_space<semaphore_mem>>)
      %dma_wait3A_416 = arith.constant 256 : i32
      %dma_wait3A_417 = tpu.memref_slice %arg11[%dma_wait3A_416] : memref<1024xi32, #tpu.memory_space<vmem>> -> memref<128xi32, #tpu.memory_space<vmem>>
      %dma_wait3A_418 = arith.constant 0 : i32
      %dma_wait3A_419 = arith.constant 0 : i32
      %dma_wait3A_420 = tpu.memref_slice %arg2[%dma_wait3A_418, %dma_wait3A_419] : memref<40000x128xf32, #tpu.memory_space<hbm>> -> memref<40000x128xf32, #tpu.memory_space<hbm>>
      tpu.wait_indirect_dma semaphore(%arg18 : memref<!tpu.dma_semaphore, #tpu.memory_space<semaphore_mem>>) src(%dma_wait3A_420 : memref<40000x128xf32, #tpu.memory_space<hbm>>) dst(%arg16 : memref<128x128xf32, #tpu.memory_space<vmem>>)
      %dma_start3A_421 = arith.constant 2 : i32
      %dma_start3A_422 = arith.constant 0 : i32
      %dma_start3A_423 = tpu.memref_slice %arg13[%dma_start3A_421, %dma_start3A_422] : memref<8x128xi32, #tpu.memory_space<vmem>> -> memref<1x128xi32, #tpu.memory_space<vmem>>
      %dma_start3A_424 = tpu.memref_squeeze %dma_start3A_423 : memref<1x128xi32, #tpu.memory_space<vmem>> -> memref<128xi32, #tpu.memory_space<vmem>>
      %dma_start3A_425 = arith.constant 0 : i32
      %dma_start3A_426 = arith.constant 0 : i32
      %dma_start3A_427 = tpu.memref_slice %arg8[%dma_start3A_425, %dma_start3A_426] : memref<10240x128xf32, #tpu.memory_space<vmem_shared>> -> memref<10240x128xf32, #tpu.memory_space<vmem_shared>>
      tpu.enqueue_indirect_dma source(%arg16 : memref<128x128xf32, #tpu.memory_space<vmem>>) target(%dma_start3A_427 : memref<10240x128xf32, #tpu.memory_space<vmem_shared>>) offsets(%dma_start3A_424 : memref<128xi32, #tpu.memory_space<vmem>>) semaphore(%arg20 : memref<!tpu.dma_semaphore, #tpu.memory_space<semaphore_mem>>) {add = true}
      %dma_wait3A_428 = arith.constant 2 : i32
      %dma_wait3A_429 = arith.constant 0 : i32
      %dma_wait3A_430 = tpu.memref_slice %arg13[%dma_wait3A_428, %dma_wait3A_429] : memref<8x128xi32, #tpu.memory_space<vmem>> -> memref<1x128xi32, #tpu.memory_space<vmem>>
      %dma_wait3A_431 = tpu.memref_squeeze %dma_wait3A_430 : memref<1x128xi32, #tpu.memory_space<vmem>> -> memref<128xi32, #tpu.memory_space<vmem>>
      %dma_wait3A_432 = arith.constant 0 : i32
      %dma_wait3A_433 = arith.constant 0 : i32
      %dma_wait3A_434 = tpu.memref_slice %arg8[%dma_wait3A_432, %dma_wait3A_433] : memref<10240x128xf32, #tpu.memory_space<vmem_shared>> -> memref<10240x128xf32, #tpu.memory_space<vmem_shared>>
      tpu.wait_indirect_dma semaphore(%arg20 : memref<!tpu.dma_semaphore, #tpu.memory_space<semaphore_mem>>) src(%arg16 : memref<128x128xf32, #tpu.memory_space<vmem>>) dst(%dma_wait3A_434 : memref<10240x128xf32, #tpu.memory_space<vmem_shared>>)
      %dma_start3A_435 = arith.constant 512 : i32
      %dma_start3A_436 = tpu.memref_slice %arg11[%dma_start3A_435] : memref<1024xi32, #tpu.memory_space<vmem>> -> memref<128xi32, #tpu.memory_space<vmem>>
      %dma_start3A_437 = arith.constant 0 : i32
      %dma_start3A_438 = arith.constant 0 : i32
      %dma_start3A_439 = tpu.memref_slice %arg2[%dma_start3A_437, %dma_start3A_438] : memref<40000x128xf32, #tpu.memory_space<hbm>> -> memref<40000x128xf32, #tpu.memory_space<hbm>>
      tpu.enqueue_indirect_dma source(%dma_start3A_439 : memref<40000x128xf32, #tpu.memory_space<hbm>>) target(%arg16 : memref<128x128xf32, #tpu.memory_space<vmem>>) offsets(%dma_start3A_436 : memref<128xi32, #tpu.memory_space<vmem>>) semaphore(%arg18 : memref<!tpu.dma_semaphore, #tpu.memory_space<semaphore_mem>>)
      %dma_wait3A_440 = arith.constant 384 : i32
      %dma_wait3A_441 = tpu.memref_slice %arg11[%dma_wait3A_440] : memref<1024xi32, #tpu.memory_space<vmem>> -> memref<128xi32, #tpu.memory_space<vmem>>
      %dma_wait3A_442 = arith.constant 0 : i32
      %dma_wait3A_443 = arith.constant 0 : i32
      %dma_wait3A_444 = tpu.memref_slice %arg2[%dma_wait3A_442, %dma_wait3A_443] : memref<40000x128xf32, #tpu.memory_space<hbm>> -> memref<40000x128xf32, #tpu.memory_space<hbm>>
      tpu.wait_indirect_dma semaphore(%arg19 : memref<!tpu.dma_semaphore, #tpu.memory_space<semaphore_mem>>) src(%dma_wait3A_444 : memref<40000x128xf32, #tpu.memory_space<hbm>>) dst(%arg17 : memref<128x128xf32, #tpu.memory_space<vmem>>)
      %dma_start3A_445 = arith.constant 3 : i32
      %dma_start3A_446 = arith.constant 0 : i32
      %dma_start3A_447 = tpu.memref_slice %arg13[%dma_start3A_445, %dma_start3A_446] : memref<8x128xi32, #tpu.memory_space<vmem>> -> memref<1x128xi32, #tpu.memory_space<vmem>>
      %dma_start3A_448 = tpu.memref_squeeze %dma_start3A_447 : memref<1x128xi32, #tpu.memory_space<vmem>> -> memref<128xi32, #tpu.memory_space<vmem>>
      %dma_start3A_449 = arith.constant 0 : i32
      %dma_start3A_450 = arith.constant 0 : i32
      %dma_start3A_451 = tpu.memref_slice %arg8[%dma_start3A_449, %dma_start3A_450] : memref<10240x128xf32, #tpu.memory_space<vmem_shared>> -> memref<10240x128xf32, #tpu.memory_space<vmem_shared>>
      tpu.enqueue_indirect_dma source(%arg17 : memref<128x128xf32, #tpu.memory_space<vmem>>) target(%dma_start3A_451 : memref<10240x128xf32, #tpu.memory_space<vmem_shared>>) offsets(%dma_start3A_448 : memref<128xi32, #tpu.memory_space<vmem>>) semaphore(%arg21 : memref<!tpu.dma_semaphore, #tpu.memory_space<semaphore_mem>>) {add = true}
      %dma_wait3A_452 = arith.constant 3 : i32
      %dma_wait3A_453 = arith.constant 0 : i32
      %dma_wait3A_454 = tpu.memref_slice %arg13[%dma_wait3A_452, %dma_wait3A_453] : memref<8x128xi32, #tpu.memory_space<vmem>> -> memref<1x128xi32, #tpu.memory_space<vmem>>
      %dma_wait3A_455 = tpu.memref_squeeze %dma_wait3A_454 : memref<1x128xi32, #tpu.memory_space<vmem>> -> memref<128xi32, #tpu.memory_space<vmem>>
      %dma_wait3A_456 = arith.constant 0 : i32
      %dma_wait3A_457 = arith.constant 0 : i32
      %dma_wait3A_458 = tpu.memref_slice %arg8[%dma_wait3A_456, %dma_wait3A_457] : memref<10240x128xf32, #tpu.memory_space<vmem_shared>> -> memref<10240x128xf32, #tpu.memory_space<vmem_shared>>
      tpu.wait_indirect_dma semaphore(%arg21 : memref<!tpu.dma_semaphore, #tpu.memory_space<semaphore_mem>>) src(%arg17 : memref<128x128xf32, #tpu.memory_space<vmem>>) dst(%dma_wait3A_458 : memref<10240x128xf32, #tpu.memory_space<vmem_shared>>)
      %dma_start3A_459 = arith.constant 640 : i32
      %dma_start3A_460 = tpu.memref_slice %arg11[%dma_start3A_459] : memref<1024xi32, #tpu.memory_space<vmem>> -> memref<128xi32, #tpu.memory_space<vmem>>
      %dma_start3A_461 = arith.constant 0 : i32
      %dma_start3A_462 = arith.constant 0 : i32
      %dma_start3A_463 = tpu.memref_slice %arg2[%dma_start3A_461, %dma_start3A_462] : memref<40000x128xf32, #tpu.memory_space<hbm>> -> memref<40000x128xf32, #tpu.memory_space<hbm>>
      tpu.enqueue_indirect_dma source(%dma_start3A_463 : memref<40000x128xf32, #tpu.memory_space<hbm>>) target(%arg17 : memref<128x128xf32, #tpu.memory_space<vmem>>) offsets(%dma_start3A_460 : memref<128xi32, #tpu.memory_space<vmem>>) semaphore(%arg19 : memref<!tpu.dma_semaphore, #tpu.memory_space<semaphore_mem>>)
      %dma_wait3A_464 = arith.constant 512 : i32
      %dma_wait3A_465 = tpu.memref_slice %arg11[%dma_wait3A_464] : memref<1024xi32, #tpu.memory_space<vmem>> -> memref<128xi32, #tpu.memory_space<vmem>>
      %dma_wait3A_466 = arith.constant 0 : i32
      %dma_wait3A_467 = arith.constant 0 : i32
      %dma_wait3A_468 = tpu.memref_slice %arg2[%dma_wait3A_466, %dma_wait3A_467] : memref<40000x128xf32, #tpu.memory_space<hbm>> -> memref<40000x128xf32, #tpu.memory_space<hbm>>
      tpu.wait_indirect_dma semaphore(%arg18 : memref<!tpu.dma_semaphore, #tpu.memory_space<semaphore_mem>>) src(%dma_wait3A_468 : memref<40000x128xf32, #tpu.memory_space<hbm>>) dst(%arg16 : memref<128x128xf32, #tpu.memory_space<vmem>>)
      %dma_start3A_469 = arith.constant 4 : i32
      %dma_start3A_470 = arith.constant 0 : i32
      %dma_start3A_471 = tpu.memref_slice %arg13[%dma_start3A_469, %dma_start3A_470] : memref<8x128xi32, #tpu.memory_space<vmem>> -> memref<1x128xi32, #tpu.memory_space<vmem>>
      %dma_start3A_472 = tpu.memref_squeeze %dma_start3A_471 : memref<1x128xi32, #tpu.memory_space<vmem>> -> memref<128xi32, #tpu.memory_space<vmem>>
      %dma_start3A_473 = arith.constant 0 : i32
      %dma_start3A_474 = arith.constant 0 : i32
      %dma_start3A_475 = tpu.memref_slice %arg8[%dma_start3A_473, %dma_start3A_474] : memref<10240x128xf32, #tpu.memory_space<vmem_shared>> -> memref<10240x128xf32, #tpu.memory_space<vmem_shared>>
      tpu.enqueue_indirect_dma source(%arg16 : memref<128x128xf32, #tpu.memory_space<vmem>>) target(%dma_start3A_475 : memref<10240x128xf32, #tpu.memory_space<vmem_shared>>) offsets(%dma_start3A_472 : memref<128xi32, #tpu.memory_space<vmem>>) semaphore(%arg20 : memref<!tpu.dma_semaphore, #tpu.memory_space<semaphore_mem>>) {add = true}
      %dma_wait3A_476 = arith.constant 4 : i32
      %dma_wait3A_477 = arith.constant 0 : i32
      %dma_wait3A_478 = tpu.memref_slice %arg13[%dma_wait3A_476, %dma_wait3A_477] : memref<8x128xi32, #tpu.memory_space<vmem>> -> memref<1x128xi32, #tpu.memory_space<vmem>>
      %dma_wait3A_479 = tpu.memref_squeeze %dma_wait3A_478 : memref<1x128xi32, #tpu.memory_space<vmem>> -> memref<128xi32, #tpu.memory_space<vmem>>
      %dma_wait3A_480 = arith.constant 0 : i32
      %dma_wait3A_481 = arith.constant 0 : i32
      %dma_wait3A_482 = tpu.memref_slice %arg8[%dma_wait3A_480, %dma_wait3A_481] : memref<10240x128xf32, #tpu.memory_space<vmem_shared>> -> memref<10240x128xf32, #tpu.memory_space<vmem_shared>>
      tpu.wait_indirect_dma semaphore(%arg20 : memref<!tpu.dma_semaphore, #tpu.memory_space<semaphore_mem>>) src(%arg16 : memref<128x128xf32, #tpu.memory_space<vmem>>) dst(%dma_wait3A_482 : memref<10240x128xf32, #tpu.memory_space<vmem_shared>>)
      %dma_start3A_483 = arith.constant 768 : i32
      %dma_start3A_484 = tpu.memref_slice %arg11[%dma_start3A_483] : memref<1024xi32, #tpu.memory_space<vmem>> -> memref<128xi32, #tpu.memory_space<vmem>>
      %dma_start3A_485 = arith.constant 0 : i32
      %dma_start3A_486 = arith.constant 0 : i32
      %dma_start3A_487 = tpu.memref_slice %arg2[%dma_start3A_485, %dma_start3A_486] : memref<40000x128xf32, #tpu.memory_space<hbm>> -> memref<40000x128xf32, #tpu.memory_space<hbm>>
      tpu.enqueue_indirect_dma source(%dma_start3A_487 : memref<40000x128xf32, #tpu.memory_space<hbm>>) target(%arg16 : memref<128x128xf32, #tpu.memory_space<vmem>>) offsets(%dma_start3A_484 : memref<128xi32, #tpu.memory_space<vmem>>) semaphore(%arg18 : memref<!tpu.dma_semaphore, #tpu.memory_space<semaphore_mem>>)
      %dma_wait3A_488 = arith.constant 640 : i32
      %dma_wait3A_489 = tpu.memref_slice %arg11[%dma_wait3A_488] : memref<1024xi32, #tpu.memory_space<vmem>> -> memref<128xi32, #tpu.memory_space<vmem>>
      %dma_wait3A_490 = arith.constant 0 : i32
      %dma_wait3A_491 = arith.constant 0 : i32
      %dma_wait3A_492 = tpu.memref_slice %arg2[%dma_wait3A_490, %dma_wait3A_491] : memref<40000x128xf32, #tpu.memory_space<hbm>> -> memref<40000x128xf32, #tpu.memory_space<hbm>>
      tpu.wait_indirect_dma semaphore(%arg19 : memref<!tpu.dma_semaphore, #tpu.memory_space<semaphore_mem>>) src(%dma_wait3A_492 : memref<40000x128xf32, #tpu.memory_space<hbm>>) dst(%arg17 : memref<128x128xf32, #tpu.memory_space<vmem>>)
      %dma_start3A_493 = arith.constant 5 : i32
      %dma_start3A_494 = arith.constant 0 : i32
      %dma_start3A_495 = tpu.memref_slice %arg13[%dma_start3A_493, %dma_start3A_494] : memref<8x128xi32, #tpu.memory_space<vmem>> -> memref<1x128xi32, #tpu.memory_space<vmem>>
      %dma_start3A_496 = tpu.memref_squeeze %dma_start3A_495 : memref<1x128xi32, #tpu.memory_space<vmem>> -> memref<128xi32, #tpu.memory_space<vmem>>
      %dma_start3A_497 = arith.constant 0 : i32
      %dma_start3A_498 = arith.constant 0 : i32
      %dma_start3A_499 = tpu.memref_slice %arg8[%dma_start3A_497, %dma_start3A_498] : memref<10240x128xf32, #tpu.memory_space<vmem_shared>> -> memref<10240x128xf32, #tpu.memory_space<vmem_shared>>
      tpu.enqueue_indirect_dma source(%arg17 : memref<128x128xf32, #tpu.memory_space<vmem>>) target(%dma_start3A_499 : memref<10240x128xf32, #tpu.memory_space<vmem_shared>>) offsets(%dma_start3A_496 : memref<128xi32, #tpu.memory_space<vmem>>) semaphore(%arg21 : memref<!tpu.dma_semaphore, #tpu.memory_space<semaphore_mem>>) {add = true}
      %dma_wait3A_500 = arith.constant 5 : i32
      %dma_wait3A_501 = arith.constant 0 : i32
      %dma_wait3A_502 = tpu.memref_slice %arg13[%dma_wait3A_500, %dma_wait3A_501] : memref<8x128xi32, #tpu.memory_space<vmem>> -> memref<1x128xi32, #tpu.memory_space<vmem>>
      %dma_wait3A_503 = tpu.memref_squeeze %dma_wait3A_502 : memref<1x128xi32, #tpu.memory_space<vmem>> -> memref<128xi32, #tpu.memory_space<vmem>>
      %dma_wait3A_504 = arith.constant 0 : i32
      %dma_wait3A_505 = arith.constant 0 : i32
      %dma_wait3A_506 = tpu.memref_slice %arg8[%dma_wait3A_504, %dma_wait3A_505] : memref<10240x128xf32, #tpu.memory_space<vmem_shared>> -> memref<10240x128xf32, #tpu.memory_space<vmem_shared>>
      tpu.wait_indirect_dma semaphore(%arg21 : memref<!tpu.dma_semaphore, #tpu.memory_space<semaphore_mem>>) src(%arg17 : memref<128x128xf32, #tpu.memory_space<vmem>>) dst(%dma_wait3A_506 : memref<10240x128xf32, #tpu.memory_space<vmem_shared>>)
      %dma_start3A_507 = arith.constant 896 : i32
      %dma_start3A_508 = tpu.memref_slice %arg11[%dma_start3A_507] : memref<1024xi32, #tpu.memory_space<vmem>> -> memref<128xi32, #tpu.memory_space<vmem>>
      %dma_start3A_509 = arith.constant 0 : i32
      %dma_start3A_510 = arith.constant 0 : i32
      %dma_start3A_511 = tpu.memref_slice %arg2[%dma_start3A_509, %dma_start3A_510] : memref<40000x128xf32, #tpu.memory_space<hbm>> -> memref<40000x128xf32, #tpu.memory_space<hbm>>
      tpu.enqueue_indirect_dma source(%dma_start3A_511 : memref<40000x128xf32, #tpu.memory_space<hbm>>) target(%arg17 : memref<128x128xf32, #tpu.memory_space<vmem>>) offsets(%dma_start3A_508 : memref<128xi32, #tpu.memory_space<vmem>>) semaphore(%arg19 : memref<!tpu.dma_semaphore, #tpu.memory_space<semaphore_mem>>)
      %dma_wait3A_512 = arith.constant 768 : i32
      %dma_wait3A_513 = tpu.memref_slice %arg11[%dma_wait3A_512] : memref<1024xi32, #tpu.memory_space<vmem>> -> memref<128xi32, #tpu.memory_space<vmem>>
      %dma_wait3A_514 = arith.constant 0 : i32
      %dma_wait3A_515 = arith.constant 0 : i32
      %dma_wait3A_516 = tpu.memref_slice %arg2[%dma_wait3A_514, %dma_wait3A_515] : memref<40000x128xf32, #tpu.memory_space<hbm>> -> memref<40000x128xf32, #tpu.memory_space<hbm>>
      tpu.wait_indirect_dma semaphore(%arg18 : memref<!tpu.dma_semaphore, #tpu.memory_space<semaphore_mem>>) src(%dma_wait3A_516 : memref<40000x128xf32, #tpu.memory_space<hbm>>) dst(%arg16 : memref<128x128xf32, #tpu.memory_space<vmem>>)
      %dma_start3A_517 = arith.constant 6 : i32
      %dma_start3A_518 = arith.constant 0 : i32
      %dma_start3A_519 = tpu.memref_slice %arg13[%dma_start3A_517, %dma_start3A_518] : memref<8x128xi32, #tpu.memory_space<vmem>> -> memref<1x128xi32, #tpu.memory_space<vmem>>
      %dma_start3A_520 = tpu.memref_squeeze %dma_start3A_519 : memref<1x128xi32, #tpu.memory_space<vmem>> -> memref<128xi32, #tpu.memory_space<vmem>>
      %dma_start3A_521 = arith.constant 0 : i32
      %dma_start3A_522 = arith.constant 0 : i32
      %dma_start3A_523 = tpu.memref_slice %arg8[%dma_start3A_521, %dma_start3A_522] : memref<10240x128xf32, #tpu.memory_space<vmem_shared>> -> memref<10240x128xf32, #tpu.memory_space<vmem_shared>>
      tpu.enqueue_indirect_dma source(%arg16 : memref<128x128xf32, #tpu.memory_space<vmem>>) target(%dma_start3A_523 : memref<10240x128xf32, #tpu.memory_space<vmem_shared>>) offsets(%dma_start3A_520 : memref<128xi32, #tpu.memory_space<vmem>>) semaphore(%arg20 : memref<!tpu.dma_semaphore, #tpu.memory_space<semaphore_mem>>) {add = true}
      %dma_wait3A_524 = arith.constant 6 : i32
      %dma_wait3A_525 = arith.constant 0 : i32
      %dma_wait3A_526 = tpu.memref_slice %arg13[%dma_wait3A_524, %dma_wait3A_525] : memref<8x128xi32, #tpu.memory_space<vmem>> -> memref<1x128xi32, #tpu.memory_space<vmem>>
      %dma_wait3A_527 = tpu.memref_squeeze %dma_wait3A_526 : memref<1x128xi32, #tpu.memory_space<vmem>> -> memref<128xi32, #tpu.memory_space<vmem>>
      %dma_wait3A_528 = arith.constant 0 : i32
      %dma_wait3A_529 = arith.constant 0 : i32
      %dma_wait3A_530 = tpu.memref_slice %arg8[%dma_wait3A_528, %dma_wait3A_529] : memref<10240x128xf32, #tpu.memory_space<vmem_shared>> -> memref<10240x128xf32, #tpu.memory_space<vmem_shared>>
      tpu.wait_indirect_dma semaphore(%arg20 : memref<!tpu.dma_semaphore, #tpu.memory_space<semaphore_mem>>) src(%arg16 : memref<128x128xf32, #tpu.memory_space<vmem>>) dst(%dma_wait3A_530 : memref<10240x128xf32, #tpu.memory_space<vmem_shared>>)
      %dma_start3A_531 = arith.constant 0 : i32
      %dma_start3A_532 = tpu.memref_slice %arg10[%dma_start3A_531] : memref<1024xi32, #tpu.memory_space<vmem>> -> memref<128xi32, #tpu.memory_space<vmem>>
      %dma_start3A_533 = arith.constant 0 : i32
      %dma_start3A_534 = arith.constant 0 : i32
      %dma_start3A_535 = tpu.memref_slice %arg2[%dma_start3A_533, %dma_start3A_534] : memref<40000x128xf32, #tpu.memory_space<hbm>> -> memref<40000x128xf32, #tpu.memory_space<hbm>>
      tpu.enqueue_indirect_dma source(%dma_start3A_535 : memref<40000x128xf32, #tpu.memory_space<hbm>>) target(%arg16 : memref<128x128xf32, #tpu.memory_space<vmem>>) offsets(%dma_start3A_532 : memref<128xi32, #tpu.memory_space<vmem>>) semaphore(%arg18 : memref<!tpu.dma_semaphore, #tpu.memory_space<semaphore_mem>>)
      %dma_wait3A_536 = arith.constant 896 : i32
      %dma_wait3A_537 = tpu.memref_slice %arg11[%dma_wait3A_536] : memref<1024xi32, #tpu.memory_space<vmem>> -> memref<128xi32, #tpu.memory_space<vmem>>
      %dma_wait3A_538 = arith.constant 0 : i32
      %dma_wait3A_539 = arith.constant 0 : i32
      %dma_wait3A_540 = tpu.memref_slice %arg2[%dma_wait3A_538, %dma_wait3A_539] : memref<40000x128xf32, #tpu.memory_space<hbm>> -> memref<40000x128xf32, #tpu.memory_space<hbm>>
      tpu.wait_indirect_dma semaphore(%arg19 : memref<!tpu.dma_semaphore, #tpu.memory_space<semaphore_mem>>) src(%dma_wait3A_540 : memref<40000x128xf32, #tpu.memory_space<hbm>>) dst(%arg17 : memref<128x128xf32, #tpu.memory_space<vmem>>)
      %dma_start3A_541 = arith.constant 7 : i32
      %dma_start3A_542 = arith.constant 0 : i32
      %dma_start3A_543 = tpu.memref_slice %arg13[%dma_start3A_541, %dma_start3A_542] : memref<8x128xi32, #tpu.memory_space<vmem>> -> memref<1x128xi32, #tpu.memory_space<vmem>>
      %dma_start3A_544 = tpu.memref_squeeze %dma_start3A_543 : memref<1x128xi32, #tpu.memory_space<vmem>> -> memref<128xi32, #tpu.memory_space<vmem>>
      %dma_start3A_545 = arith.constant 0 : i32
      %dma_start3A_546 = arith.constant 0 : i32
      %dma_start3A_547 = tpu.memref_slice %arg8[%dma_start3A_545, %dma_start3A_546] : memref<10240x128xf32, #tpu.memory_space<vmem_shared>> -> memref<10240x128xf32, #tpu.memory_space<vmem_shared>>
      tpu.enqueue_indirect_dma source(%arg17 : memref<128x128xf32, #tpu.memory_space<vmem>>) target(%dma_start3A_547 : memref<10240x128xf32, #tpu.memory_space<vmem_shared>>) offsets(%dma_start3A_544 : memref<128xi32, #tpu.memory_space<vmem>>) semaphore(%arg21 : memref<!tpu.dma_semaphore, #tpu.memory_space<semaphore_mem>>) {add = true}
      %dma_wait3A_548 = arith.constant 7 : i32
      %dma_wait3A_549 = arith.constant 0 : i32
      %dma_wait3A_550 = tpu.memref_slice %arg13[%dma_wait3A_548, %dma_wait3A_549] : memref<8x128xi32, #tpu.memory_space<vmem>> -> memref<1x128xi32, #tpu.memory_space<vmem>>
      %dma_wait3A_551 = tpu.memref_squeeze %dma_wait3A_550 : memref<1x128xi32, #tpu.memory_space<vmem>> -> memref<128xi32, #tpu.memory_space<vmem>>
      %dma_wait3A_552 = arith.constant 0 : i32
      %dma_wait3A_553 = arith.constant 0 : i32
      %dma_wait3A_554 = tpu.memref_slice %arg8[%dma_wait3A_552, %dma_wait3A_553] : memref<10240x128xf32, #tpu.memory_space<vmem_shared>> -> memref<10240x128xf32, #tpu.memory_space<vmem_shared>>
      tpu.wait_indirect_dma semaphore(%arg21 : memref<!tpu.dma_semaphore, #tpu.memory_space<semaphore_mem>>) src(%arg17 : memref<128x128xf32, #tpu.memory_space<vmem>>) dst(%dma_wait3A_554 : memref<10240x128xf32, #tpu.memory_space<vmem_shared>>)
      %dma_start3A_555 = arith.constant 128 : i32
      %dma_start3A_556 = tpu.memref_slice %arg10[%dma_start3A_555] : memref<1024xi32, #tpu.memory_space<vmem>> -> memref<128xi32, #tpu.memory_space<vmem>>
      %dma_start3A_557 = arith.constant 0 : i32
      %dma_start3A_558 = arith.constant 0 : i32
      %dma_start3A_559 = tpu.memref_slice %arg2[%dma_start3A_557, %dma_start3A_558] : memref<40000x128xf32, #tpu.memory_space<hbm>> -> memref<40000x128xf32, #tpu.memory_space<hbm>>
      tpu.enqueue_indirect_dma source(%dma_start3A_559 : memref<40000x128xf32, #tpu.memory_space<hbm>>) target(%arg17 : memref<128x128xf32, #tpu.memory_space<vmem>>) offsets(%dma_start3A_556 : memref<128xi32, #tpu.memory_space<vmem>>) semaphore(%arg19 : memref<!tpu.dma_semaphore, #tpu.memory_space<semaphore_mem>>)
    }
    %scan3A_111 = arith.constant 10 : i32
    %dma_wait3A_112 = arith.constant 0 : i32
    %dma_wait3A_113 = tpu.memref_slice %arg10[%dma_wait3A_112] : memref<1024xi32, #tpu.memory_space<vmem>> -> memref<128xi32, #tpu.memory_space<vmem>>
    %dma_wait3A_114 = arith.constant 0 : i32
    %dma_wait3A_115 = arith.constant 0 : i32
    %dma_wait3A_116 = tpu.memref_slice %arg2[%dma_wait3A_114, %dma_wait3A_115] : memref<40000x128xf32, #tpu.memory_space<hbm>> -> memref<40000x128xf32, #tpu.memory_space<hbm>>
    tpu.wait_indirect_dma semaphore(%arg18 : memref<!tpu.dma_semaphore, #tpu.memory_space<semaphore_mem>>) src(%dma_wait3A_116 : memref<40000x128xf32, #tpu.memory_space<hbm>>) dst(%arg16 : memref<128x128xf32, #tpu.memory_space<vmem>>)
    %dma_wait3A_117 = arith.constant 0 : i32
    %dma_wait3A_118 = tpu.memref_slice %arg10[%dma_wait3A_117] : memref<1024xi32, #tpu.memory_space<vmem>> -> memref<128xi32, #tpu.memory_space<vmem>>
    %dma_wait3A_119 = arith.constant 0 : i32
    %dma_wait3A_120 = arith.constant 0 : i32
    %dma_wait3A_121 = tpu.memref_slice %arg2[%dma_wait3A_119, %dma_wait3A_120] : memref<40000x128xf32, #tpu.memory_space<hbm>> -> memref<40000x128xf32, #tpu.memory_space<hbm>>
    tpu.wait_indirect_dma semaphore(%arg19 : memref<!tpu.dma_semaphore, #tpu.memory_space<semaphore_mem>>) src(%dma_wait3A_121 : memref<40000x128xf32, #tpu.memory_space<hbm>>) dst(%arg17 : memref<128x128xf32, #tpu.memory_space<vmem>>)
    %barrier3A_122 = arith.constant 0 : index
    tpu.barrier barrier_id(%barrier3A_122)
    %lt3A_123 = arith.constant 10 : i32
    %lt3A_124 = arith.cmpi slt, %arg1, %lt3A_123 : i32
    %convert_element_type3A_125 = arith.extui %lt3A_124 : i1 to i32
    %cond3A_126 = arith.constant 0 : i32
    %cond3A_127 = arith.cmpi ne, %convert_element_type3A_125, %cond3A_126 : i32
    scf.if %cond3A_127 {
      %mul3A_129 = arith.constant 1000 : i32
      %mul3A_130 = arith.muli %arg1, %mul3A_129 : i32
      %mul3A_131 = arith.constant 10000 : i32
      %mul3A_132 = arith.muli %add3A_76, %mul3A_131 : i32
      %mul3A_133 = arith.constant 1000 : i32
      %mul3A_134 = arith.muli %arg1, %mul3A_133 : i32
      %add3A_135 = arith.addi %mul3A_132, %mul3A_134 : i32
      "tpu.region"() ({
        %run_scoped3A = tpu.sem_alloc : memref<!tpu.dma_semaphore, #tpu.memory_space<semaphore_mem>>
        %dma_start3A_136 = arith.constant 0 : i32
        %dma_start3A_137 = tpu.memref_slice %arg6[%add3A_135, %dma_start3A_136] : memref<40000x128xf32, #tpu.memory_space<hbm>> -> memref<1000x128xf32, #tpu.memory_space<hbm>>
        %dma_start3A_138 = arith.constant 0 : i32
        %dma_start3A_139 = tpu.memref_slice %arg8[%mul3A_130, %dma_start3A_138] : memref<10240x128xf32, #tpu.memory_space<vmem_shared>> -> memref<1000x128xf32, #tpu.memory_space<vmem_shared>>
        tpu.enqueue_dma source(%dma_start3A_139 : memref<1000x128xf32, #tpu.memory_space<vmem_shared>>) target(%dma_start3A_137 : memref<1000x128xf32, #tpu.memory_space<hbm>>) target_semaphore(%run_scoped3A : memref<!tpu.dma_semaphore, #tpu.memory_space<semaphore_mem>>)
        %dma_wait3A_140 = arith.constant 0 : i32
        %dma_wait3A_141 = tpu.memref_slice %arg6[%add3A_135, %dma_wait3A_140] : memref<40000x128xf32, #tpu.memory_space<hbm>> -> memref<1000x128xf32, #tpu.memory_space<hbm>>
        %dma_wait3A_142 = arith.constant 0 : i32
        %dma_wait3A_143 = tpu.memref_slice %arg8[%mul3A_130, %dma_wait3A_142] : memref<10240x128xf32, #tpu.memory_space<vmem_shared>> -> memref<1000x128xf32, #tpu.memory_space<vmem_shared>>
        tpu.wait_dma2 semaphore(%run_scoped3A : memref<!tpu.dma_semaphore, #tpu.memory_space<semaphore_mem>>) src(%dma_wait3A_143 : memref<1000x128xf32, #tpu.memory_space<vmem_shared>>) dst(%dma_wait3A_141 : memref<1000x128xf32, #tpu.memory_space<hbm>>)
        tpu.yield
      }) : () -> ()
    } else {
    }
    %barrier3A_128 = arith.constant 0 : index
    tpu.barrier barrier_id(%barrier3A_128)
    return
  }
}

module attributes {stable_mosaic.version = 14 : i64} {
  func.func @_tc_body(%arg0: i32, %arg1: memref<2000x128xf32, #tpu.memory_space<vmem>>, %arg2: memref<2000x128xf32, #tpu.memory_space<vmem>>, %arg3: memref<2000x1xf32, #tpu.memory_space<vmem>>, %arg4: memref<128x128xf32, #tpu.memory_space<vmem>>, %arg5: memref<1x128xf32, #tpu.memory_space<vmem>>, %arg6: memref<1x128xf32, #tpu.memory_space<vmem>>, %arg7: memref<1x128xf32, #tpu.memory_space<vmem>>, %arg8: memref<2000x128xf32, #tpu.memory_space<vmem>>) attributes {dimension_semantics = [#tpu.dimension_semantics<arbitrary>], iteration_bounds = array<i64: 20>, scalar_prefetch = 0 : i64, scratch_operands = 0 : i64, tpu.core_type = #tpu.core_type<tc>, window_params = [{transform_indices = @transform_0, window_bounds = array<i64: 2000, 128>}, {transform_indices = @transform_1, window_bounds = array<i64: 2000, 128>}, {transform_indices = @transform_2, window_bounds = array<i64: 2000, 1>}, {pipeline_mode = #tpu.pipeline_mode<synchronous>, transform_indices = @transform_3, window_bounds = array<i64: 128, 128>}, {pipeline_mode = #tpu.pipeline_mode<synchronous>, transform_indices = @transform_4, window_bounds = array<i64: 1, 128>}, {pipeline_mode = #tpu.pipeline_mode<synchronous>, transform_indices = @transform_5, window_bounds = array<i64: 1, 128>}, {pipeline_mode = #tpu.pipeline_mode<synchronous>, transform_indices = @transform_6, window_bounds = array<i64: 1, 128>}, {transform_indices = @transform_7, window_bounds = array<i64: 2000, 128>}]} {
    %get3A = arith.constant 0 : index
    %get3A_0 = arith.constant 0 : index
    %get3A_1 = vector.load %arg3[%get3A, %get3A_0] : memref<2000x1xf32, #tpu.memory_space<vmem>>, vector<2000x1xf32>
    %max3A = arith.constant 1.000000e+00 : f32
    %max3A_2 = vector.broadcast %max3A : f32 to vector<2000x1xf32>
    %max3A_3 = arith.maximumf %get3A_1, %max3A_2 : vector<2000x1xf32>
    %get3A_4 = arith.constant 0 : index
    %get3A_5 = arith.constant 0 : index
    %get3A_6 = vector.load %arg2[%get3A_4, %get3A_5] : memref<2000x128xf32, #tpu.memory_space<vmem>>, vector<2000x128xf32>
    %div3A = vector.broadcast %max3A_3 : vector<2000x1xf32> to vector<2000x128xf32>
    %div3A_7 = arith.divf %get3A_6, %div3A : vector<2000x128xf32>
    %get3A_8 = arith.constant 0 : index
    %get3A_9 = arith.constant 0 : index
    %get3A_10 = vector.load %arg4[%get3A_8, %get3A_9] : memref<128x128xf32, #tpu.memory_space<vmem>>, vector<128x128xf32>
    %dot_general3A = arith.constant dense<0.000000e+00> : vector<2000x128xf32>
    %dot_general3A_11 = tpu.matmul %div3A_7, %get3A_10, %dot_general3A {dimension_numbers = #tpu.dot_dimension_numbers<[1], [1], [0], [0], [0, 0, 1, 0], [], []>, transpose_lhs_hint = false} : vector<2000x128xf32>, vector<128x128xf32>, vector<2000x128xf32> -> vector<2000x128xf32>
    %get3A_12 = arith.constant 0 : index
    %get3A_13 = arith.constant 0 : index
    %get3A_14 = vector.load %arg1[%get3A_12, %get3A_13] : memref<2000x128xf32, #tpu.memory_space<vmem>>, vector<2000x128xf32>
    %add3A = arith.addf %get3A_14, %dot_general3A_11 : vector<2000x128xf32>
    %get3A_15 = arith.constant 0 : index
    %get3A_16 = arith.constant 0 : index
    %get3A_17 = vector.load %arg5[%get3A_15, %get3A_16] : memref<1x128xf32, #tpu.memory_space<vmem>>, vector<1x128xf32>
    %add3A_18 = vector.broadcast %get3A_17 : vector<1x128xf32> to vector<2000x128xf32>
    %add3A_19 = arith.addf %add3A, %add3A_18 : vector<2000x128xf32>
    %reduce_sum3A = arith.constant dense<0.000000e+00> : vector<2000xf32>
    %reduce_sum3A_20 = vector.multi_reduction <add>, %add3A_19, %reduce_sum3A [1] : vector<2000x128xf32> to vector<2000xf32>
    %broadcast_in_dim3A = vector.shape_cast %reduce_sum3A_20 : vector<2000xf32> to vector<2000x1xf32>
    %div3A_21 = arith.constant 1.280000e+02 : f32
    %div3A_22 = vector.broadcast %div3A_21 : f32 to vector<2000x1xf32>
    %div3A_23 = arith.divf %broadcast_in_dim3A, %div3A_22 : vector<2000x1xf32>
    %sub3A = vector.broadcast %div3A_23 : vector<2000x1xf32> to vector<2000x128xf32>
    %sub3A_24 = arith.subf %add3A_19, %sub3A : vector<2000x128xf32>
    %mul3A = arith.mulf %sub3A_24, %sub3A_24 : vector<2000x128xf32>
    %reduce_sum3A_25 = arith.constant dense<0.000000e+00> : vector<2000xf32>
    %reduce_sum3A_26 = vector.multi_reduction <add>, %mul3A, %reduce_sum3A_25 [1] : vector<2000x128xf32> to vector<2000xf32>
    %broadcast_in_dim3A_27 = vector.shape_cast %reduce_sum3A_26 : vector<2000xf32> to vector<2000x1xf32>
    %div3A_28 = arith.constant 1.280000e+02 : f32
    %div3A_29 = vector.broadcast %div3A_28 : f32 to vector<2000x1xf32>
    %div3A_30 = arith.divf %broadcast_in_dim3A_27, %div3A_29 : vector<2000x1xf32>
    %add3A_31 = arith.constant 9.99999974E-6 : f32
    %add3A_32 = vector.broadcast %add3A_31 : f32 to vector<2000x1xf32>
    %add3A_33 = arith.addf %div3A_30, %add3A_32 : vector<2000x1xf32>
    %rsqrt3A = math.rsqrt %add3A_33 : vector<2000x1xf32>
    %mul3A_34 = vector.broadcast %rsqrt3A : vector<2000x1xf32> to vector<2000x128xf32>
    %mul3A_35 = arith.mulf %sub3A_24, %mul3A_34 : vector<2000x128xf32>
    %get3A_36 = arith.constant 0 : index
    %get3A_37 = arith.constant 0 : index
    %get3A_38 = vector.load %arg6[%get3A_36, %get3A_37] : memref<1x128xf32, #tpu.memory_space<vmem>>, vector<1x128xf32>
    %mul3A_39 = vector.broadcast %get3A_38 : vector<1x128xf32> to vector<2000x128xf32>
    %mul3A_40 = arith.mulf %mul3A_35, %mul3A_39 : vector<2000x128xf32>
    %get3A_41 = arith.constant 0 : index
    %get3A_42 = arith.constant 0 : index
    %get3A_43 = vector.load %arg7[%get3A_41, %get3A_42] : memref<1x128xf32, #tpu.memory_space<vmem>>, vector<1x128xf32>
    %add3A_44 = vector.broadcast %get3A_43 : vector<1x128xf32> to vector<2000x128xf32>
    %add3A_45 = arith.addf %mul3A_40, %add3A_44 : vector<2000x128xf32>
    %swap3A = arith.constant 0 : index
    %swap3A_46 = arith.constant 0 : index
    %swap3A_47 = vector.load %arg8[%swap3A, %swap3A_46] : memref<2000x128xf32, #tpu.memory_space<vmem>>, vector<2000x128xf32>
    tpu.vector_store %arg8[%swap3A, %swap3A_46], %add3A_45 {strides = array<i32>} : memref<2000x128xf32, #tpu.memory_space<vmem>>, vector<2000x128xf32>,
    return
  }
  func.func @transform_0(%arg0: i32) -> (i32, i32) {
    %c0_i32 = arith.constant 0 : i32
    %c0_i32_0 = arith.constant 0 : i32
    return %arg0, %c0_i32 : i32, i32
  }
  func.func @transform_1(%arg0: i32) -> (i32, i32) {
    %c0_i32 = arith.constant 0 : i32
    %c0_i32_0 = arith.constant 0 : i32
    return %arg0, %c0_i32 : i32, i32
  }
  func.func @transform_2(%arg0: i32) -> (i32, i32) {
    %jit3A = arith.constant 5 : i32
    %eq3A = arith.constant 0 : i32
    %eq3A_0 = arith.cmpi eq, %jit3A, %eq3A : i32
    %jit3A_1 = arith.constant 1 : i32
    %select_n3A = arith.select %eq3A_0, %jit3A_1, %jit3A : i32
    %rem3A = arith.remsi %arg0, %select_n3A : i32
    %ne3A = arith.constant 0 : i32
    %ne3A_2 = arith.cmpi ne, %rem3A, %ne3A : i32
    %lt3A = arith.constant 0 : i32
    %lt3A_3 = arith.cmpi slt, %rem3A, %lt3A : i32
    %lt3A_4 = arith.constant 0 : i32
    %lt3A_5 = arith.cmpi slt, %select_n3A, %lt3A_4 : i32
    %ne3A_6 = arith.xori %lt3A_3, %lt3A_5 : i1
    %and3A = arith.andi %ne3A_6, %ne3A_2 : i1
    %add3A = arith.addi %rem3A, %select_n3A : i32
    %select_n3A_7 = arith.select %and3A, %add3A, %rem3A : i32
    %c0_i32 = arith.constant 0 : i32
    %c0_i32_8 = arith.constant 0 : i32
    return %select_n3A_7, %c0_i32 : i32, i32
  }
  func.func @transform_3(%arg0: i32) -> (i32, i32) {
    %c0_i32 = arith.constant 0 : i32
    %c0_i32_0 = arith.constant 0 : i32
    %c0_i32_1 = arith.constant 0 : i32
    return %c0_i32, %c0_i32_0 : i32, i32
  }
  func.func @transform_4(%arg0: i32) -> (i32, i32) {
    %c0_i32 = arith.constant 0 : i32
    %c0_i32_0 = arith.constant 0 : i32
    %c0_i32_1 = arith.constant 0 : i32
    return %c0_i32, %c0_i32_0 : i32, i32
  }
  func.func @transform_5(%arg0: i32) -> (i32, i32) {
    %c0_i32 = arith.constant 0 : i32
    %c0_i32_0 = arith.constant 0 : i32
    %c0_i32_1 = arith.constant 0 : i32
    return %c0_i32, %c0_i32_0 : i32, i32
  }
  func.func @transform_6(%arg0: i32) -> (i32, i32) {
    %c0_i32 = arith.constant 0 : i32
    %c0_i32_0 = arith.constant 0 : i32
    %c0_i32_1 = arith.constant 0 : i32
    return %c0_i32, %c0_i32_0 : i32, i32
  }
  func.func @transform_7(%arg0: i32) -> (i32, i32) {
    %c0_i32 = arith.constant 0 : i32
    %c0_i32_0 = arith.constant 0 : i32
    return %arg0, %c0_i32 : i32, i32
  }
}

</mosaic_0001>

<sc_bundles>
// kernel: kernel.4.cloned.1.call-start
scs
__scs_entry_jumppad:
0x0: {  	(pc) =	sbr.rel $0x88, $3  }
0x1: {  	(tag) =	ssettag $0x0;
	lr =	simm.s32 $0x1  }
0x2: {  	[smem:$0x3F9B] =	sst lr;
	_ =	strace $0xD0000000  }
0x3: {  	_ = 	snop  }
0x4: {  	_ = 	snop  }
0x5: {  	_ = 	snop  }
0x6: {  	_ = 	snop  }
0x7: {  	_ = 	snop  }
__scs_overlays_trampoline_lowered:
0x8: {  	[smem:$0x3FAA] =	sst s0  }
0x9: {  	[smem:$0x3FAB] =	sst s1  }
0xa: {  	[smem:$0x3FAC] =	sst s2  }
0xb: {  	[smem:$0x3FAD] =	sst s3  }
0xc: {  	[smem:$0x3FAE] =	sst s4  }
0xd: {  	[smem:$0x3FAF] =	sst s5  }
0xe: {  	[smem:$0x3FB0] =	sst s6  }
0xf: {  	[smem:$0x3FB1] =	sst s7  }
0x10: {  	[smem:$0x3FB2] =	sst s8  }
0x11: {  	[smem:$0x3FB3] =	sst s9;
	s0 =	simm.s32 @!p0 $0x0  }
0x12: {  	s1 =	sld [smem:$0x3F99];
	s0 =	simm.s32 @p0 $0x1  }
0x13: {  	[smem:$0x3FB4] =	sst s0;
	s0 =	simm.s32 @!p1 $0x0  }
0x14: {  	s2 =	sld [smem:$0x3F98];
	s0 =	simm.s32 @p1 $0x1  }
0x15: {  	[smem:$0x3FB5] =	sst s0;
	s0 =	simm.s32 @!p2 $0x0  }
0x16: {  	s3 =	sld [smem:$0x3FDB];
	s0 =	simm.s32 @p2 $0x1  }
0x17: {  	s4 =	simm.s32 $0x1BF5;
	[smem:$0x3FB7] =	sst s0  }
0x18: {  	s0 =	sld [smem:$0x3F9A];
	_ =	swait.ge [sflag:s4], $0x0  }
0x19: {  	s7 =	sld [smem:$0x3F9B]  }
0x1a: {  	s8 =	sadd.s32 $0xFFFFE003, lr  }
0x1b: {  	s9 =	sadd.s32 $0xFFFFFEF7, lr;
	s5 =	simm.s32 $0xFFFFFFFF;
	p2 =	slt.u32 s8, $0xFFFFF086  }
0x1c: {  	p1 =	slt.u32 s9, $0xF7A;
	s5 =	simm.s32 @!p2 $0x0  }
0x1d: {  	s5 =	simm.s32 @p1 $0x1;
	p0 =	seq.s32 s7, s2  }
0x1e: {  	s7 =	smul.u32 @!p0 $0xF7A, s2;
	p2 =	seq.s32 @!p0 s5, $0x0  }
0x1f: {  	s9 =	smul.u32 $0xF7A, s1;
	s8 =	simm.s32 @!p0 $0x1BF5;
	p2 =	por !p2, p0  }
0x20: {  	[sflag:s8] =	ssyncset.s32 @!p0 $0xFFFFF086;
	s6 =	sadd.s32 @!p0 s3, s7;
	s7 =	simm.s32 @!p0 $0x108  }
0x21: {  	s3 =	sadd.s32 s3, s9;
	s6 =	sadd.s32 @!p0 $0x88, s6;
	s7 =	simm.s32 @p2 $0x1082  }
0x22: {  	[simem:s7], [sflag:s8] =	dma.local @!p0 [hbm:s6], $0xF7A  }
0x23: {  	s9 =	sor.u32 $0xD0000000, s2;
	s6 =	simm.s32 $0x108;
	_ =	swait.ge @!p0 [sflag:s8], $0x0  }
0x24: {  	s3 =	sadd.s32 $0x88, s3;
	s6 =	simm.s32 @!p1 $0x1082;
	[sflag:s4] =	ssyncset.s32 $0xFFFFF086  }
0x25: {  	[simem:s6], [sflag:s4] =	dma.local [hbm:s3], $0xF7A  }
0x26: {  	[smem:$0x3F9B] =	sst s1;
	(tag) =	ssettag s2;
	_ =	strace s9  }
0x27: {  	s1 =	sld [smem:$0x3FAB]  }
0x28: {  	s2 =	sld [smem:$0x3FAC]  }
0x29: {  	s4 =	sld [smem:$0x3FAE]  }
0x2a: {  	p0 =	seq.s32 s5, $0x0;
	s5 =	sld [smem:$0x3FAF]  }
0x2b: {  	s6 =	sld [smem:$0x3FB0]  }
0x2c: {  	s7 =	sld [smem:$0x3FB1]  }
0x2d: {  	s3 =	simm.s32 $0x108;
	s8 =	sld [smem:$0x3FB2]  }
0x2e: {  	s3 =	simm.s32 @!p0 $0x1082;
	s9 =	sld [smem:$0x3FB3]  }
0x2f: {  	lr =	sadd.s32 s0, s3;
	s0 =	sld [smem:$0x3FAA]  }
0x30: {  	s3 =	sld [smem:$0x3FAD]  }
0x31: {  	[smem:$0x3FB6] =	sst s10  }
0x32: {  	s10 =	sld [smem:$0x3FB4];
	_ =	sdelay $0x3  }
0x33: {  	p0 =	seq.s32 s10, $0x1;
	s10 =	sld [smem:$0x3FB6];
	_ =	sdelay $0x3  }
0x34: {  	[smem:$0x3FB6] =	sst s10  }
0x35: {  	s10 =	sld [smem:$0x3FB5];
	_ =	sdelay $0x3  }
0x36: {  	p1 =	seq.s32 s10, $0x1;
	s10 =	sld [smem:$0x3FB6];
	_ =	sdelay $0x3  }
0x37: {  	[smem:$0x3FB6] =	sst s10  }
0x38: {  	s10 =	sld [smem:$0x3FB7]  }
0x39: {  	_ = 	snop;
	(pc) =	sbr.ind lr, $3  }
0x3a: {  	_ = 	snop  }
0x3b: {  	_ = 	snop  }
0x3c: {  	p2 =	seq.s32 s10, $0x1;
	s10 =	sld [smem:$0x3FB6]  }
0x3d: {  	_ =	shalt  }
0x3e: {  	_ =	shalt  }
0x3f: {  	_ =	shalt  }
0x40: {  	_ =	shalt  }
0x41: {  	_ =	shalt  }
0x42: {  	_ =	shalt  }
0x43: {  	_ =	shalt  }
0x44: {  	_ =	shalt  }
0x45: {  	_ =	shalt  }
0x46: {  	_ =	shalt  }
0x47: {  	_ =	shalt  }
0x48: {  	_ =	shalt  }
0x49: {  	_ =	shalt  }
0x4a: {  	_ =	shalt  }
0x4b: {  	_ =	shalt  }
0x4c: {  	_ =	shalt  }
0x4d: {  	_ =	shalt  }
0x4e: {  	_ =	shalt  }
0x4f: {  	_ =	shalt  }
0x50: {  	_ =	shalt  }
0x51: {  	_ =	shalt  }
0x52: {  	_ =	shalt  }
0x53: {  	_ =	shalt  }
0x54: {  	_ =	shalt  }
0x55: {  	_ =	shalt  }
0x56: {  	_ =	shalt  }
0x57: {  	_ =	shalt  }
0x58: {  	_ =	shalt  }
0x59: {  	_ =	shalt  }
0x5a: {  	_ =	shalt  }
0x5b: {  	_ =	shalt  }
0x5c: {  	_ =	shalt  }
0x5d: {  	_ =	shalt  }
0x5e: {  	_ =	shalt  }
0x5f: {  	_ =	shalt  }
0x60: {  	_ =	shalt  }
0x61: {  	_ =	shalt  }
0x62: {  	_ =	shalt  }
0x63: {  	_ =	shalt  }
0x64: {  	_ =	shalt  }
0x65: {  	_ =	shalt  }
0x66: {  	_ =	shalt  }
0x67: {  	_ =	shalt  }
0x68: {  	_ =	shalt  }
0x69: {  	_ =	shalt  }
0x6a: {  	_ =	shalt  }
0x6b: {  	_ =	shalt  }
0x6c: {  	_ =	shalt  }
0x6d: {  	_ =	shalt  }
0x6e: {  	_ =	shalt  }
0x6f: {  	_ =	shalt  }
0x70: {  	_ =	shalt  }
0x71: {  	_ =	shalt  }
0x72: {  	_ =	shalt  }
0x73: {  	_ =	shalt  }
0x74: {  	_ =	shalt  }
0x75: {  	_ =	shalt  }
0x76: {  	_ =	shalt  }
0x77: {  	_ =	shalt  }
0x78: {  	_ =	shalt  }
0x79: {  	_ =	shalt  }
0x7a: {  	_ =	shalt  }
0x7b: {  	_ =	shalt  }
0x7c: {  	_ =	shalt  }
0x7d: {  	_ =	shalt  }
0x7e: {  	_ =	shalt  }
0x7f: {  	_ =	shalt  }
0x80: {  	_ =	shalt  }
0x81: {  	_ =	shalt  }
0x82: {  	_ =	shalt  }
0x83: {  	_ =	shalt  }
0x84: {  	_ =	shalt  }
0x85: {  	_ =	shalt  }
0x86: {  	_ =	shalt  }
0x87: {  	_ =	shalt  }
.Lfunc_end0:
.L_simem_size_0:
called_computation_lowered:
.L_overlay_start_0:
0x88: {  	s2 =	sld [smem:$0x3FD9]  }
0x89: {  	s3 =	sld [smem:$0x3FFE];
	_ =	sdelay $0x1  }
0x8a: {  	s1 =	srdreg.scid  }
0x8b: {  	s0 =	sand.u32 $0x1, s1  }
0x8c: {  	s17 =	sshll.u32 s0, $0xA;
	s2 =	sadd.s32 s3, s2  }
0x8d: {  	s2 =	sadd.s32 s2, s17  }
0x8e: {  	[smem:$0x3FC2] =	sst s2  }
0x8f: {  	_ = 	snop  }
0x90: {  	s2 =	sld [smem:$0x3FC9]  }
0x91: {  	s18 =	sld [smem:$0x3FD0];
	(tm) =	ssettm $0x1  }
0x92: {  	s4 =	sld [smem:$0x3FFB];
	_ =	sdelay $0x3  }
0x93: {  	_ =	strace s4  }
0x94: {  	s4 =	sld [smem:$0x3FFC];
	_ =	sdelay $0x3  }
0x95: {  	_ =	strace s4  }
0x96: {  	s4 =	sld [smem:$0x3FFD];
	_ =	sdelay $0x3  }
0x97: {  	_ =	strace s4  }
0x98: {  	_ =	strace $0x8FFFFFFF  }
0x99: {  	s19 =	sld [smem:$0x3FDB];
	_ =	sdelay $0x1  }
0x9a: {  	s5 =	simm.s32 $_scs_section_size  }
0x9b: {  	s6 =	simm.s32 $_size__tile_overlayer_lowered;
	s7 =	simm.s32 $_tile_overlayer_lowered  }
0x9c: {  	s22 =	simm.s32 $0x1BFF;
	s21 =	sshll.u32 s7, $0x1;
	s4 =	sadd.s32 s5, s19  }
0x9d: {  	s8 =	simm.s32 $0x0;
	s20 =	sshll.u32 s6, $0x1;
	s6 =	sadd.s32 s21, s4  }
0x9e: {  	[timem:s8], [sflag:s22] =	dma.local [hbm:s6], s20  }
0x9f: {  	_ =	swait.ge [sflag:s22], s20  }
0xa0: {  	s5 =	ssub.s32 $0x0, s20;
	[sflag:s22] =	ssyncset.done $0x0  }
0xa1: {  	[sflag:s22] =	ssyncadd.s32 s5;
	_ =	sdelay $0x1  }
0xa2: {  	s23 =	simm.s32 $0x1B8B  }
0xa3: {  	_ =	swait.ge [sflag:s23], $0x1  }
0xa4: {  	[sflag:s23] =	ssyncset.done $0x0  }
0xa5: {  	s25 =	simm.s32 $0x1B8E;
	s24 =	sld [smem:$0x3FFE];
	[sflag:s23] =	ssyncadd.s32 $0xFFFFFFFF  }
0xa6: {  	s26 =	simm.s32 $execute0_lowered;
	[smem:$0x3FD2] =	sst s25  }
0xa7: {  	s6 =	sshll.u32 s26, $0x1;
	_ =	strace $0x80000046;
	[dreg:$0x1] =	wrdreg $0xFFFFFFFF  }
0xa8: {  	s28 =	simm.s32 $_size_execute0_lowered;
	s4 =	sadd.s32 s4, s6;
	[dreg:$0x0] =	wrdreg $0x0  }
0xa9: {  	s6 =	sshll.u32 s28, $0x1;
	[dreg:$0x2] =	wrdreg s4  }
0xaa: {  	[dreg:$0x3] =	wrdreg s6  }
0xab: {  	[dreg:$0x4] =	wrdreg $0xC0  }
0xac: {  	_ =	task [dreg:s8], $0x5FFFF  }
0xad: {  	[dreg:$0x1] =	wrdreg $0xFFFFFFFF  }
0xae: {  	[dreg:$0x0] =	wrdreg $0x60  }
0xaf: {  	[dreg:$0x2] =	wrdreg s2  }
0xb0: {  	[dreg:$0x3] =	wrdreg s18  }
0xb1: {  	[dreg:$0x4] =	wrdreg s24  }
0xb2: {  	[dreg:$0x5] =	wrdreg $0x0  }
0xb3: {  	[dreg:$0x6] =	wrdreg $0x140000  }
0xb4: {  	[dreg:$0x7] =	wrdreg $0x9  }
0xb5: {  	_ =	task.clear_ibuf [dreg:s8], $0x8FFFF;
	_ =	strace $0x90000046  }
0xb6: {  	s29 =	simm.s32 $0x9;
	_ =	strace $0x80000048  }
0xb7: {  	_ =	swait.ge [sflag:s29], $0x1  }
0xb8: {  	[sflag:s29] =	ssyncadd.s32 $0xFFFFFFFF  }
0xb9: {  	_ =	strace $0x90000048  }
0xba: {  	_ =	sfence  }
0xbb: {  	s30 =	sld [smem:$0x0];
	_ =	sdelay $0x2  }
0xbc: {  	s31 =	sshll.u32 s1, $0xD;
	s1 =	sshrl.u32 s1, $0x2  }
0xbd: {  	s3 =	sand.u32 $0x4000, s31;
	s1 =	sadd.s32 s1, s30  }
0xbe: {  	s0 =	sor.u32 s3, s0;
	s1 =	sshll.u32 s1, $0x11  }
0xbf: {  	s0 =	sor.u32 s1, s0  }
0xc0: {  	s0 =	sadd.s32 $0x8F2B, s0  }
0xc1: {  	[sflag:s0] =	ssyncadd.remote.s32 $0x1  }
0xc2: {  	_ =	sfence.sel $0xFFFF  }
0xc3: {  	[dreg:$0x0] =	wrdreg $0xFFFFFFFF;
	(pc) =	sbr.abs _section_cstart, $3  }
0xc4: {  	[dreg:$0x1] =	wrdreg $0xFFFFFFFF  }
0xc5: {  	_ =	task.clear_ibuf [dreg:s8], $0x2FFFF;
	_ =	strace $0x9FFFFFFF  }
0xc6: {  	(tm) =	ssettm $0x7FFFFFFF  }
0xc7: {  	_ =	shalt  }
tec
execute0_lowered:
.L_overlay_start_1:
0x0: {  	(tag) =	ssettag $0x1  }
0x1: {  	s1 =	rddreg [dreg:$0x0]  }
0x2: {  	s2 =	rddreg [dreg:$0x1]  }
0x3: {  	s0 =	rddreg [dreg:$0x2]  }
0x4: {  	s3 =	rddreg [dreg:$0x3]  }
0x5: {  	s5 =	rddreg [dreg:$0x4]  }
0x6: {  	s4 =	simm.s32 $0x0;
	s18 =	stileid.u32;
	s25 =	srdreg.scid  }
0x7: {  	s28 =	simm.s32 $0x80;
	s29 =	simm.s32 $0x15580;
	s6 =	smul.u32 $0x280, s18  }
0x8: {  	s31 =	simm.s32 $0x19580;
	[smem:$0x7FF] =	sst s4;
	s10 =	smul.u32 $0x50000, s18  }
0x9: {  	s4 =	sand.u32 $0x1, s25;
	s7 =	sadd.s32 $0x800, s0;
	s15 =	smul.u32 $0xA80, s18  }
0xa: {  	s8 =	sadd.s32 $0xB000, s0;
	s26 =	smul.u32 $0x7D000, s18;
	s30 =	sshll.u32 s18, $0x6  }
0xb: {  	s17 =	smul.u32 $0x3E8, s18;
	p0 =	sne.s32 s18, $0xF;
	p2 =	seq.s32 s18, $0xF  }
0xc: {  	s24 =	sadd.s32 $0x2580, s5;
	_ =	strace $0x80000047;
	[dreg:$0x6] =	wrdreg s8  }
0xd: {  	s11 =	smul.u32 $0x4E20, s4;
	s8 =	sadd.s32 $0xDE00, s0;
	s13 =	ssub.s32 $0x2, s4  }
0xe: {  	s19 =	sor.u32 $0x1C07, s30;
	p1 =	seq.s32 s4, $0x0;
	[dreg:$0xe] =	wrdreg s24  }
0xf: {  	s24 =	simm.s32 $0x1;
	s9 =	sshrl.u32 s6, $0x3;
	s14 =	sshrl.u32 s13, $0x1  }
0x10: {  	s10 =	sshrl.u32 s10, $0x2;
	s6 =	sadd.s32 s6, s5;
	s15 =	sadd.s32 s7, s15  }
0x11: {  	p0 =	por !p1, !p0;
	p1 =	por !p1, !p2;
	[dreg:$0x8] =	wrdreg s19  }
0x12: {  	s12 =	sadd.s32 s9, s0;
	s9 =	smul.u32 $0x5400, s18;
	[dreg:$0x9] =	wrdreg s6  }
0x13: {  	s13 =	ssub.s32 s13, s14;
	s10 =	sadd.s32 s10, s3;
	[dreg:$0xb] =	wrdreg s15  }
0x14: {  	s20 =	sadd.s32 s17, s11;
	s15 =	smul.u32 $0x15, s18;
	s22 =	sadd.s32 $0x2710, s11  }
0x15: {  	p0 =	por !p0, !p0;
	p2 =	por !p1, !p1;
	s0 =	sadd.s32 $0xDCB0, s0  }
0x16: {  	p1 =	sgt.u32 s18, $0x9;
	s18 =	simm.s32 $0x2;
	v0 =	vmov s11;
	s11 =	simm.s32 $0x14F80  }
0x17: {  	[dreg:$0x7] =	wrdreg s10;
	s21 =	sshll.u32 s20, $0x4;
	s23 =	sadd.s32 s17, s22  }
0x18: {  	[dreg:$0xf] =	wrdreg s0;
	s25 =	sadd.s32 $0xD800, s12;
	s30 =	smax.u32 s13, $0x1  }
0x19: {  	p2 =	por !p2, p0;
	s10 =	simm.s32 $0x3;
	s20 =	simm.s32 $0x4  }
0x1a: {  	v1 =	vmov s22;
	s0 =	simm.s32 $0x0;
	s13 =	simm.s32 $0x14F00;
	s22 =	simm.s32 $0x15000  }
0x1b: {  	s16 =	sshrl.u32 s9, $0x3;
	s4 =	sshll.u32 s23, $0x4;
	[dreg:$0x10] =	wrdreg s25  }
0x1c: {  	[dreg:$0x12] =	wrdreg s30;
	s23 =	simm.s32 $0x7;
	s25 =	simm.s32 $0x15200  }
0x1d: {  	s14 =	sadd.s32 s2, s16;
	s16 =	sshrl.u32 s26, $0x2;
	s26 =	sadd.s32 s8, s4  }
0x1e: {  	s4 =	simm.s32 $0x14E80;
	[dreg:$0xa] =	wrdreg s14;
	s6 =	sadd.s32 s16, s3  }
0x1f: {  	[dreg:$0x11] =	wrdreg s26;
	s26 =	simm.s32 $0x14A80;
	s16 =	simm.s32 $0x5  }
0x20: {  	[dreg:$0xc] =	wrdreg s6;
	s6 =	sadd.s32 s8, s21;
	s21 =	simm.s32 $0x6  }
0x21: {  	v2 =	vimm.f32 $1.000000000e+00;
	v3 =	vimm.f32 $0.0e+00;
	s8 =	simm.s32 $0x15080;
	[dreg:$0xd] =	wrdreg s6;
	s6 =	simm.s32 $0x15280  }
.LBB2_1:
0x22: {  	[tilespmem:$0x15280] =	vst v2  }
0x23: {  	[tilespmem:$0x15290] =	vst v2  }
0x24: {  	[tilespmem:$0x152A0] =	vst v2  }
0x25: {  	[tilespmem:$0x152B0] =	vst v2  }
0x26: {  	[tilespmem:$0x152C0] =	vst v2  }
0x27: {  	[tilespmem:$0x152D0] =	vst v2  }
0x28: {  	[tilespmem:$0x152E0] =	vst v2  }
0x29: {  	[tilespmem:$0x152F0] =	vst v2  }
0x2a: {  	[tilespmem:$0x15300] =	vst v3  }
0x2b: {  	[tilespmem:$0x15310] =	vst v3  }
0x2c: {  	[tilespmem:$0x15320] =	vst v3  }
0x2d: {  	[tilespmem:$0x15330] =	vst v3  }
0x2e: {  	[tilespmem:$0x15340] =	vst v3  }
0x2f: {  	[tilespmem:$0x15350] =	vst v3  }
0x30: {  	[tilespmem:$0x15360] =	vst v3  }
0x31: {  	[tilespmem:$0x15370] =	vst v3  }
0x32: {  	[tilespmem:$0x15380] =	vst v3  }
0x33: {  	[tilespmem:$0x15390] =	vst v3  }
0x34: {  	[tilespmem:$0x153A0] =	vst v3  }
0x35: {  	[tilespmem:$0x153B0] =	vst v3  }
0x36: {  	[tilespmem:$0x153C0] =	vst v3  }
0x37: {  	[tilespmem:$0x153D0] =	vst v3  }
0x38: {  	[tilespmem:$0x153E0] =	vst v3  }
0x39: {  	[tilespmem:$0x153F0] =	vst v3  }
0x3a: {  	[tilespmem:$0x15400] =	vst v3  }
0x3b: {  	[tilespmem:$0x15410] =	vst v3  }
0x3c: {  	[tilespmem:$0x15420] =	vst v3  }
0x3d: {  	[tilespmem:$0x15430] =	vst v3  }
0x3e: {  	[tilespmem:$0x15440] =	vst v3  }
0x3f: {  	[tilespmem:$0x15450] =	vst v3  }
0x40: {  	[tilespmem:$0x15460] =	vst v3  }
0x41: {  	[tilespmem:$0x15470] =	vst v3  }
0x42: {  	[tilespmem:$0x15480] =	vst v3  }
0x43: {  	[tilespmem:$0x15490] =	vst v3  }
0x44: {  	[tilespmem:$0x154A0] =	vst v3  }
0x45: {  	[tilespmem:$0x154B0] =	vst v3  }
0x46: {  	[tilespmem:$0x154C0] =	vst v3  }
0x47: {  	[tilespmem:$0x154D0] =	vst v3  }
0x48: {  	[tilespmem:$0x154E0] =	vst v3  }
0x49: {  	[tilespmem:$0x154F0] =	vst v3  }
0x4a: {  	[tilespmem:$0x15500] =	vst v3  }
0x4b: {  	[tilespmem:$0x15510] =	vst v3  }
0x4c: {  	[tilespmem:$0x15520] =	vst v3  }
0x4d: {  	[tilespmem:$0x15530] =	vst v3  }
0x4e: {  	[dreg:$0x13] =	wrdreg s0;
	[tilespmem:$0x15540] =	vst v3  }
0x4f: {  	[tilespmem:$0x15550] =	vst v3;
	s12 =	rddreg [dreg:$0x7]  }
0x50: {  	[tilespmem:$0x15560] =	vst v3;
	s30 =	rddreg [dreg:$0x6];
	s17 =	sshrl.u32 s12, $0x3  }
0x51: {  	[tilespmem:$0x15570] =	vst v3;
	[dreg:$0x14] =	wrdreg s17  }
0x52: {  	[spmem:s17], [sflag:s19] =	dma.local [hbm:s30], $0x2800  }
0x53: {  	_ =	swait.ge [sflag:s23], $0x2800  }
0x54: {  	[sflag:s23] =	ssyncset.done $0x0  }
0x55: {  	s14 =	simm.s32 $0x15300;
	s0 =	rddreg [dreg:$0x9];
	[sflag:s23] =	ssyncadd.s32 $0xFFFFD800  }
0x56: {  	[spmem:s0] =	stream.linear.scatter [tilespmem:s14], [sflag:$0x7], $0x280, $0x38;
	[tilespmem:$0x1D580] =	vst v63  }
0x57: {  	_ =	swait.ge [sflag:s23], $0x280  }
0x58: {  	s2 =	simm.s32 $0x0;
	[sflag:s23] =	ssyncset.done $0x0  }
0x59: {  	s19 =	simm.s32 $0x14280;
	s17 =	rddreg [dreg:$0xa];
	[sflag:s23] =	ssyncadd.s32 $0xFFFFFD80  }
0x5a: {  	[tilespmem:s19], [sflag:$0x7] =	stream.linear.gather [hbm4b:s17+s2], $0x400, $0x38;
	[tilespmem:$0x1D580] =	vst v63  }
0x5b: {  	_ =	swait.ge [sflag:s23], $0x400  }
0x5c: {  	[sflag:s23] =	ssyncset.done $0x0  }
0x5d: {  	s30 =	rddreg [dreg:$0xb];
	[sflag:s23] =	ssyncadd.s32 $0xFFFFFC00  }
0x5e: {  	[tilespmem:s26], [sflag:$0x7] =	stream.linear.gather [hbm4b:s30+s2], $0x400, $0x38;
	[tilespmem:$0x1D580] =	vst v63  }
0x5f: {  	_ =	swait.ge [sflag:s23], $0x400  }
0x60: {  	[sflag:s23] =	ssyncset.done $0x0  }
0x61: {  	s12 =	simm.s32 $0x0;
	s14 =	simm.s32 $0x40;
	[sflag:s23] =	ssyncadd.s32 $0xFFFFFC00  }
.LBB2_2:
0x62: {  	p3 =	sne.s32 s14, $0xFC0;
	v4 =	vld [tilespmem:s12+$0x14280];
	_ =	sdelay $0x1  }
.Ltmp0:
0x63: {  	(pc) =	sbr.rel @p3 .LBB2_2-.Ltmp0, $3  }
0x64: {  	_ =	sdelay $0x1  }
0x65: {  	v4 =	vadd.s32 v0, v4  }
0x66: {  	[tilespmem:s12+$0x14280] =	vst v4;
	s12 =	sshra.s32 s14, $0x2;
	s14 =	sadd.s32 $0x40, s14  }
0x67: {  	v4 =	vld [tilespmem:s12+$0x14280];
	_ =	sdelay $0x4  }
0x68: {  	v4 =	vadd.s32 v0, v4  }
0x69: {  	[tilespmem:s12+$0x14280] =	vst v4  }
0x6a: {  	s0 =	simm.s32 $0x14280;
	[bflag:$0x0] =	sbarrier.arrive $0xFFFF  }
0x6b: {  	[tilespmem:s29], [sflag:$0x1] =	stream.indirect.gather [hbm4b:s1+s28], $0x80, s0, s28, $0xb8;
	[tilespmem:$0x1D580] =	vst v63  }
0x6c: {  	s30 =	simm.s32 $0x14300;
	s14 =	simm.s32 $0x0;
	s17 =	simm.s32 $0x0  }
0x6d: {  	[tilespmem:s31], [sflag:$0x2] =	stream.indirect.gather [hbm4b:s1+s28], $0x80, s30, s28, $0xb8;
	[tilespmem:$0x1D580] =	vst v63  }
.LBB2_4:
0x6e: {  	s12 =	sshllo.u32 s17, $0x1  }
0x6f: {  	s19 =	sshll.u32 s12, $0xA  }
0x70: {  	s19 =	sadd.s32 s9, s19  }
0x71: {  	s2 =	rddreg [dreg:$0x1];
	s19 =	sshrl.u32 s19, $0x3  }
0x72: {  	s0 =	simm.s32 $0x14680;
	s19 =	sadd.s32 s2, s19  }
0x73: {  	[tilespmem:s0], [sflag:$0x7] =	stream.linear.gather [hbm4b:s19+s14], $0x400, $0x38;
	[tilespmem:$0x1D580] =	vst v63  }
0x74: {  	s12 =	sadd.s32 s15, s12;
	_ =	swait.ge [sflag:s23], $0x400  }
0x75: {  	s12 =	sshll.u32 s12, $0x7;
	[sflag:s23] =	ssyncset.done $0x0  }
0x76: {  	s12 =	sadd.s32 s7, s12;
	[sflag:s23] =	ssyncadd.s32 $0xFFFFFC00  }
0x77: {  	[tilespmem:s4], [sflag:$0x7] =	stream.linear.gather [hbm4b:s12+s14], $0x400, $0x38;
	[tilespmem:$0x1D580] =	vst v63  }
0x78: {  	_ =	swait.ge [sflag:s23], $0x400  }
0x79: {  	s30 =	simm.s32 $0x0;
	[sflag:s23] =	ssyncset.done $0x0  }
0x7a: {  	s19 =	simm.s32 $0x40;
	s12 =	sshll.u32 s17, $0x1;
	[sflag:s23] =	ssyncadd.s32 $0xFFFFFC00  }
.LBB2_5:
0x7b: {  	p3 =	sne.s32 s19, $0xFC0;
	v4 =	vld [tilespmem:s30+$0x14680];
	_ =	sdelay $0x1  }
.Ltmp1:
0x7c: {  	(pc) =	sbr.rel @p3 .LBB2_5-.Ltmp1, $3  }
0x7d: {  	_ =	sdelay $0x1  }
0x7e: {  	v4 =	vadd.s32 v0, v4  }
0x7f: {  	[tilespmem:s30+$0x14680] =	vst v4;
	s30 =	sshra.s32 s19, $0x2;
	s19 =	sadd.s32 $0x40, s19  }
0x80: {  	v4 =	vld [tilespmem:s30+$0x14680];
	_ =	sdelay $0x4  }
0x81: {  	v4 =	vadd.s32 v0, v4  }
0x82: {  	[tilespmem:s30+$0x14680] =	vst v4  }
0x83: {  	_ =	swait.ge [sflag:s24], $0x4000  }
0x84: {  	[sflag:s24] =	ssyncset.done $0x0  }
0x85: {  	[sflag:s24] =	ssyncadd.s32 $0xFFFFC000  }
0x86: {  	[spmem:s3] =	stream.indirect.scatter.add.f32 [tilespmem:s29], [sflag:$0x3], $0x80, s26, s28, $0xb8;
	[tilespmem:$0x1D580] =	vst v63  }
0x87: {  	_ = 	snop  }
0x88: {  	[spmem:s5] =	stream.indirect.scatter.add.f32 [tilespmem:s6], [sflag:$0x5], $0x1, s26, s28, $0xb8;
	[tilespmem:$0x1D580] =	vst v63  }
0x89: {  	_ =	swait.ge [sflag:s10], $0x4000  }
0x8a: {  	[sflag:s10] =	ssyncset.done $0x0  }
0x8b: {  	[sflag:s10] =	ssyncadd.s32 $0xFFFFC000  }
0x8c: {  	_ =	swait.ge [sflag:s16], $0x80  }
0x8d: {  	[sflag:s16] =	ssyncset.done $0x0  }
0x8e: {  	s19 =	simm.s32 $0x14380;
	[sflag:s16] =	ssyncadd.s32 $0xFFFFFF80  }
0x8f: {  	[tilespmem:s29], [sflag:$0x1] =	stream.indirect.gather [hbm4b:s1+s28], $0x80, s19, s28, $0xb8;
	[tilespmem:$0x1D580] =	vst v63  }
0x90: {  	_ =	swait.ge [sflag:s18], $0x4000  }
0x91: {  	[sflag:s18] =	ssyncset.done $0x0  }
0x92: {  	s30 =	simm.s32 $0x14B00;
	[sflag:s18] =	ssyncadd.s32 $0xFFFFC000  }
0x93: {  	[spmem:s3] =	stream.indirect.scatter.add.f32 [tilespmem:s31], [sflag:$0x4], $0x80, s30, s28, $0xb8;
	[tilespmem:$0x1D580] =	vst v63  }
0x94: {  	_ = 	snop  }
0x95: {  	[spmem:s5] =	stream.indirect.scatter.add.f32 [tilespmem:s6], [sflag:$0x6], $0x1, s30, s28, $0xb8;
	[tilespmem:$0x1D580] =	vst v63  }
0x96: {  	_ =	swait.ge [sflag:s20], $0x4000  }
0x97: {  	[sflag:s20] =	ssyncset.done $0x0  }
0x98: {  	[sflag:s20] =	ssyncadd.s32 $0xFFFFC000  }
0x99: {  	_ =	swait.ge [sflag:s21], $0x80  }
0x9a: {  	[sflag:s21] =	ssyncset.done $0x0  }
0x9b: {  	s0 =	simm.s32 $0x14400;
	[sflag:s21] =	ssyncadd.s32 $0xFFFFFF80  }
0x9c: {  	[tilespmem:s31], [sflag:$0x2] =	stream.indirect.gather [hbm4b:s1+s28], $0x80, s0, s28, $0xb8;
	[tilespmem:$0x1D580] =	vst v63  }
0x9d: {  	_ =	swait.ge [sflag:s24], $0x4000  }
0x9e: {  	[sflag:s24] =	ssyncset.done $0x0  }
0x9f: {  	s2 =	simm.s32 $0x14B80;
	[sflag:s24] =	ssyncadd.s32 $0xFFFFC000  }
0xa0: {  	[spmem:s3] =	stream.indirect.scatter.add.f32 [tilespmem:s29], [sflag:$0x3], $0x80, s2, s28, $0xb8;
	[tilespmem:$0x1D580] =	vst v63  }
0xa1: {  	_ = 	snop  }
0xa2: {  	[spmem:s5] =	stream.indirect.scatter.add.f32 [tilespmem:s6], [sflag:$0x5], $0x1, s2, s28, $0xb8;
	[tilespmem:$0x1D580] =	vst v63  }
0xa3: {  	_ =	swait.ge [sflag:s10], $0x4000  }
0xa4: {  	[sflag:s10] =	ssyncset.done $0x0  }
0xa5: {  	[sflag:s10] =	ssyncadd.s32 $0xFFFFC000  }
0xa6: {  	_ =	swait.ge [sflag:s16], $0x80  }
0xa7: {  	[sflag:s16] =	ssyncset.done $0x0  }
0xa8: {  	s30 =	simm.s32 $0x14480;
	[sflag:s16] =	ssyncadd.s32 $0xFFFFFF80  }
0xa9: {  	[tilespmem:s29], [sflag:$0x1] =	stream.indirect.gather [hbm4b:s1+s28], $0x80, s30, s28, $0xb8;
	[tilespmem:$0x1D580] =	vst v63  }
0xaa: {  	_ =	swait.ge [sflag:s18], $0x4000  }
0xab: {  	[sflag:s18] =	ssyncset.done $0x0  }
0xac: {  	s0 =	simm.s32 $0x14C00;
	[sflag:s18] =	ssyncadd.s32 $0xFFFFC000  }
0xad: {  	[spmem:s3] =	stream.indirect.scatter.add.f32 [tilespmem:s31], [sflag:$0x4], $0x80, s0, s28, $0xb8;
	[tilespmem:$0x1D580] =	vst v63  }
0xae: {  	_ = 	snop  }
0xaf: {  	[spmem:s5] =	stream.indirect.scatter.add.f32 [tilespmem:s6], [sflag:$0x6], $0x1, s0, s28, $0xb8;
	[tilespmem:$0x1D580] =	vst v63  }
0xb0: {  	_ =	swait.ge [sflag:s20], $0x4000  }
0xb1: {  	[sflag:s20] =	ssyncset.done $0x0  }
0xb2: {  	[sflag:s20] =	ssyncadd.s32 $0xFFFFC000  }
0xb3: {  	_ =	swait.ge [sflag:s21], $0x80  }
0xb4: {  	[sflag:s21] =	ssyncset.done $0x0  }
0xb5: {  	s2 =	simm.s32 $0x14500;
	[sflag:s21] =	ssyncadd.s32 $0xFFFFFF80  }
0xb6: {  	[tilespmem:s31], [sflag:$0x2] =	stream.indirect.gather [hbm4b:s1+s28], $0x80, s2, s28, $0xb8;
	[tilespmem:$0x1D580] =	vst v63  }
0xb7: {  	_ =	swait.ge [sflag:s24], $0x4000  }
0xb8: {  	[sflag:s24] =	ssyncset.done $0x0  }
0xb9: {  	s30 =	simm.s32 $0x14C80;
	[sflag:s24] =	ssyncadd.s32 $0xFFFFC000  }
0xba: {  	[spmem:s3] =	stream.indirect.scatter.add.f32 [tilespmem:s29], [sflag:$0x3], $0x80, s30, s28, $0xb8;
	[tilespmem:$0x1D580] =	vst v63  }
0xbb: {  	_ = 	snop  }
0xbc: {  	[spmem:s5] =	stream.indirect.scatter.add.f32 [tilespmem:s6], [sflag:$0x5], $0x1, s30, s28, $0xb8;
	[tilespmem:$0x1D580] =	vst v63  }
0xbd: {  	_ =	swait.ge [sflag:s10], $0x4000  }
0xbe: {  	[sflag:s10] =	ssyncset.done $0x0  }
0xbf: {  	[sflag:s10] =	ssyncadd.s32 $0xFFFFC000  }
0xc0: {  	_ =	swait.ge [sflag:s16], $0x80  }
0xc1: {  	[sflag:s16] =	ssyncset.done $0x0  }
0xc2: {  	s0 =	simm.s32 $0x14580;
	[sflag:s16] =	ssyncadd.s32 $0xFFFFFF80  }
0xc3: {  	[tilespmem:s29], [sflag:$0x1] =	stream.indirect.gather [hbm4b:s1+s28], $0x80, s0, s28, $0xb8;
	[tilespmem:$0x1D580] =	vst v63  }
0xc4: {  	_ =	swait.ge [sflag:s18], $0x4000  }
0xc5: {  	[sflag:s18] =	ssyncset.done $0x0  }
0xc6: {  	s2 =	simm.s32 $0x14D00;
	[sflag:s18] =	ssyncadd.s32 $0xFFFFC000  }
0xc7: {  	[spmem:s3] =	stream.indirect.scatter.add.f32 [tilespmem:s31], [sflag:$0x4], $0x80, s2, s28, $0xb8;
	[tilespmem:$0x1D580] =	vst v63  }
0xc8: {  	_ = 	snop  }
0xc9: {  	[spmem:s5] =	stream.indirect.scatter.add.f32 [tilespmem:s6], [sflag:$0x6], $0x1, s2, s28, $0xb8;
	[tilespmem:$0x1D580] =	vst v63  }
0xca: {  	_ =	swait.ge [sflag:s20], $0x4000  }
0xcb: {  	[sflag:s20] =	ssyncset.done $0x0  }
0xcc: {  	[sflag:s20] =	ssyncadd.s32 $0xFFFFC000  }
0xcd: {  	_ =	swait.ge [sflag:s21], $0x80  }
0xce: {  	[sflag:s21] =	ssyncset.done $0x0  }
0xcf: {  	s30 =	simm.s32 $0x14600;
	[sflag:s21] =	ssyncadd.s32 $0xFFFFFF80  }
0xd0: {  	[tilespmem:s31], [sflag:$0x2] =	stream.indirect.gather [hbm4b:s1+s28], $0x80, s30, s28, $0xb8;
	[tilespmem:$0x1D580] =	vst v63  }
0xd1: {  	_ =	swait.ge [sflag:s24], $0x4000  }
0xd2: {  	[sflag:s24] =	ssyncset.done $0x0  }
0xd3: {  	s0 =	simm.s32 $0x14D80;
	[sflag:s24] =	ssyncadd.s32 $0xFFFFC000  }
0xd4: {  	[spmem:s3] =	stream.indirect.scatter.add.f32 [tilespmem:s29], [sflag:$0x3], $0x80, s0, s28, $0xb8;
	[tilespmem:$0x1D580] =	vst v63  }
0xd5: {  	_ = 	snop  }
0xd6: {  	[spmem:s5] =	stream.indirect.scatter.add.f32 [tilespmem:s6], [sflag:$0x5], $0x1, s0, s28, $0xb8;
	[tilespmem:$0x1D580] =	vst v63  }
0xd7: {  	_ =	swait.ge [sflag:s10], $0x4000  }
0xd8: {  	[sflag:s10] =	ssyncset.done $0x0  }
0xd9: {  	[sflag:s10] =	ssyncadd.s32 $0xFFFFC000  }
0xda: {  	_ =	swait.ge [sflag:s16], $0x80  }
0xdb: {  	[sflag:s16] =	ssyncset.done $0x0  }
0xdc: {  	s0 =	simm.s32 $0x14680;
	[sflag:s16] =	ssyncadd.s32 $0xFFFFFF80  }
0xdd: {  	[tilespmem:s29], [sflag:$0x1] =	stream.indirect.gather [hbm4b:s1+s28], $0x80, s0, s28, $0xb8;
	[tilespmem:$0x1D580] =	vst v63  }
0xde: {  	_ =	swait.ge [sflag:s18], $0x4000  }
0xdf: {  	[sflag:s18] =	ssyncset.done $0x0  }
0xe0: {  	s2 =	simm.s32 $0x14E00;
	[sflag:s18] =	ssyncadd.s32 $0xFFFFC000  }
0xe1: {  	[spmem:s3] =	stream.indirect.scatter.add.f32 [tilespmem:s31], [sflag:$0x4], $0x80, s2, s28, $0xb8;
	[tilespmem:$0x1D580] =	vst v63  }
0xe2: {  	_ = 	snop  }
0xe3: {  	[spmem:s5] =	stream.indirect.scatter.add.f32 [tilespmem:s6], [sflag:$0x6], $0x1, s2, s28, $0xb8;
	[tilespmem:$0x1D580] =	vst v63  }
0xe4: {  	_ =	swait.ge [sflag:s20], $0x4000  }
0xe5: {  	[sflag:s20] =	ssyncset.done $0x0  }
0xe6: {  	[sflag:s20] =	ssyncadd.s32 $0xFFFFC000  }
0xe7: {  	s12 =	sadd.s32 $0x2, s12;
	_ =	swait.ge [sflag:s21], $0x80  }
0xe8: {  	s0 =	sshll.u32 s12, $0xA;
	[sflag:s21] =	ssyncset.done $0x0  }
0xe9: {  	s30 =	simm.s32 $0x14700;
	s19 =	sadd.s32 s9, s0;
	[sflag:s21] =	ssyncadd.s32 $0xFFFFFF80  }
0xea: {  	[tilespmem:s31], [sflag:$0x2] =	stream.indirect.gather [hbm4b:s1+s28], $0x80, s30, s28, $0xb8;
	[tilespmem:$0x1D580] =	vst v63  }
0xeb: {  	s19 =	sshrl.u32 s19, $0x3;
	s2 =	rddreg [dreg:$0x1]  }
0xec: {  	s30 =	simm.s32 $0x0;
	s19 =	sadd.s32 s2, s19;
	s2 =	simm.s32 $0x14280  }
0xed: {  	[tilespmem:s2], [sflag:$0x7] =	stream.linear.gather [hbm4b:s19+s30], $0x400, $0x38;
	[tilespmem:$0x1D580] =	vst v63  }
0xee: {  	s12 =	sadd.s32 s15, s12;
	_ =	swait.ge [sflag:s23], $0x400  }
0xef: {  	s12 =	sshll.u32 s12, $0x7;
	[sflag:s23] =	ssyncset.done $0x0  }
0xf0: {  	s12 =	sadd.s32 s7, s12;
	[sflag:s23] =	ssyncadd.s32 $0xFFFFFC00  }
0xf1: {  	[tilespmem:s26], [sflag:$0x7] =	stream.linear.gather [hbm4b:s12+s30], $0x400, $0x38;
	[tilespmem:$0x1D580] =	vst v63  }
0xf2: {  	_ =	swait.ge [sflag:s23], $0x400  }
0xf3: {  	[sflag:s23] =	ssyncset.done $0x0  }
0xf4: {  	s19 =	simm.s32 $0x40;
	s12 =	simm.s32 $0x0;
	[sflag:s23] =	ssyncadd.s32 $0xFFFFFC00  }
.LBB2_7:
0xf5: {  	p3 =	sne.s32 s19, $0xFC0;
	v4 =	vld [tilespmem:s12+$0x14280];
	_ =	sdelay $0x1  }
.Ltmp2:
0xf6: {  	(pc) =	sbr.rel @p3 .LBB2_7-.Ltmp2, $3  }
0xf7: {  	_ =	sdelay $0x1  }
0xf8: {  	v4 =	vadd.s32 v0, v4  }
0xf9: {  	[tilespmem:s12+$0x14280] =	vst v4;
	s12 =	sshra.s32 s19, $0x2;
	s19 =	sadd.s32 $0x40, s19  }
0xfa: {  	v4 =	vld [tilespmem:s12+$0x14280];
	_ =	sdelay $0x4  }
0xfb: {  	v4 =	vadd.s32 v0, v4  }
0xfc: {  	[tilespmem:s12+$0x14280] =	vst v4  }
0xfd: {  	_ =	swait.ge [sflag:s24], $0x4000  }
0xfe: {  	[sflag:s24] =	ssyncset.done $0x0  }
0xff: {  	[sflag:s24] =	ssyncadd.s32 $0xFFFFC000  }
0x100: {  	[spmem:s3] =	stream.indirect.scatter.add.f32 [tilespmem:s29], [sflag:$0x3], $0x80, s4, s28, $0xb8;
	[tilespmem:$0x1D580] =	vst v63  }
0x101: {  	_ = 	snop  }
0x102: {  	[spmem:s5] =	stream.indirect.scatter.add.f32 [tilespmem:s6], [sflag:$0x5], $0x1, s4, s28, $0xb8;
	[tilespmem:$0x1D580] =	vst v63  }
0x103: {  	_ =	swait.ge [sflag:s10], $0x4000  }
0x104: {  	[sflag:s10] =	ssyncset.done $0x0  }
0x105: {  	[sflag:s10] =	ssyncadd.s32 $0xFFFFC000  }
0x106: {  	_ =	swait.ge [sflag:s16], $0x80  }
0x107: {  	[sflag:s16] =	ssyncset.done $0x0  }
0x108: {  	s19 =	simm.s32 $0x14780;
	[sflag:s16] =	ssyncadd.s32 $0xFFFFFF80  }
0x109: {  	[tilespmem:s29], [sflag:$0x1] =	stream.indirect.gather [hbm4b:s1+s28], $0x80, s19, s28, $0xb8;
	[tilespmem:$0x1D580] =	vst v63  }
0x10a: {  	_ =	swait.ge [sflag:s18], $0x4000  }
0x10b: {  	[sflag:s18] =	ssyncset.done $0x0  }
0x10c: {  	s30 =	simm.s32 $0x14F00;
	[sflag:s18] =	ssyncadd.s32 $0xFFFFC000  }
0x10d: {  	[spmem:s3] =	stream.indirect.scatter.add.f32 [tilespmem:s31], [sflag:$0x4], $0x80, s30, s28, $0xb8;
	[tilespmem:$0x1D580] =	vst v63  }
0x10e: {  	_ = 	snop  }
0x10f: {  	[spmem:s5] =	stream.indirect.scatter.add.f32 [tilespmem:s6], [sflag:$0x6], $0x1, s30, s28, $0xb8;
	[tilespmem:$0x1D580] =	vst v63  }
0x110: {  	_ =	swait.ge [sflag:s20], $0x4000  }
0x111: {  	[sflag:s20] =	ssyncset.done $0x0  }
0x112: {  	[sflag:s20] =	ssyncadd.s32 $0xFFFFC000  }
0x113: {  	_ =	swait.ge [sflag:s21], $0x80  }
0x114: {  	[sflag:s21] =	ssyncset.done $0x0  }
0x115: {  	s0 =	simm.s32 $0x14800;
	[sflag:s21] =	ssyncadd.s32 $0xFFFFFF80  }
0x116: {  	[tilespmem:s31], [sflag:$0x2] =	stream.indirect.gather [hbm4b:s1+s28], $0x80, s0, s28, $0xb8;
	[tilespmem:$0x1D580] =	vst v63  }
0x117: {  	_ =	swait.ge [sflag:s24], $0x4000  }
0x118: {  	[sflag:s24] =	ssyncset.done $0x0  }
0x119: {  	s2 =	simm.s32 $0x14F80;
	[sflag:s24] =	ssyncadd.s32 $0xFFFFC000  }
0x11a: {  	[spmem:s3] =	stream.indirect.scatter.add.f32 [tilespmem:s29], [sflag:$0x3], $0x80, s2, s28, $0xb8;
	[tilespmem:$0x1D580] =	vst v63  }
0x11b: {  	_ = 	snop  }
0x11c: {  	[spmem:s5] =	stream.indirect.scatter.add.f32 [tilespmem:s6], [sflag:$0x5], $0x1, s2, s28, $0xb8;
	[tilespmem:$0x1D580] =	vst v63  }
0x11d: {  	_ =	swait.ge [sflag:s10], $0x4000  }
0x11e: {  	[sflag:s10] =	ssyncset.done $0x0  }
0x11f: {  	[sflag:s10] =	ssyncadd.s32 $0xFFFFC000  }
0x120: {  	_ =	swait.ge [sflag:s16], $0x80  }
0x121: {  	[sflag:s16] =	ssyncset.done $0x0  }
0x122: {  	s19 =	simm.s32 $0x14880;
	[sflag:s16] =	ssyncadd.s32 $0xFFFFFF80  }
0x123: {  	[tilespmem:s29], [sflag:$0x1] =	stream.indirect.gather [hbm4b:s1+s28], $0x80, s19, s28, $0xb8;
	[tilespmem:$0x1D580] =	vst v63  }
0x124: {  	_ =	swait.ge [sflag:s18], $0x4000  }
0x125: {  	[sflag:s18] =	ssyncset.done $0x0  }
0x126: {  	s30 =	simm.s32 $0x15000;
	[sflag:s18] =	ssyncadd.s32 $0xFFFFC000  }
0x127: {  	[spmem:s3] =	stream.indirect.scatter.add.f32 [tilespmem:s31], [sflag:$0x4], $0x80, s30, s28, $0xb8;
	[tilespmem:$0x1D580] =	vst v63  }
0x128: {  	_ = 	snop  }
0x129: {  	[spmem:s5] =	stream.indirect.scatter.add.f32 [tilespmem:s6], [sflag:$0x6], $0x1, s30, s28, $0xb8;
	[tilespmem:$0x1D580] =	vst v63  }
0x12a: {  	_ =	swait.ge [sflag:s20], $0x4000  }
0x12b: {  	[sflag:s20] =	ssyncset.done $0x0  }
0x12c: {  	[sflag:s20] =	ssyncadd.s32 $0xFFFFC000  }
0x12d: {  	_ =	swait.ge [sflag:s21], $0x80  }
0x12e: {  	[sflag:s21] =	ssyncset.done $0x0  }
0x12f: {  	s0 =	simm.s32 $0x14900;
	[sflag:s21] =	ssyncadd.s32 $0xFFFFFF80  }
0x130: {  	[tilespmem:s31], [sflag:$0x2] =	stream.indirect.gather [hbm4b:s1+s28], $0x80, s0, s28, $0xb8;
	[tilespmem:$0x1D580] =	vst v63  }
0x131: {  	_ =	swait.ge [sflag:s24], $0x4000  }
0x132: {  	[sflag:s24] =	ssyncset.done $0x0  }
0x133: {  	s2 =	simm.s32 $0x15080;
	[sflag:s24] =	ssyncadd.s32 $0xFFFFC000  }
0x134: {  	[spmem:s3] =	stream.indirect.scatter.add.f32 [tilespmem:s29], [sflag:$0x3], $0x80, s2, s28, $0xb8;
	[tilespmem:$0x1D580] =	vst v63  }
0x135: {  	_ = 	snop  }
0x136: {  	[spmem:s5] =	stream.indirect.scatter.add.f32 [tilespmem:s6], [sflag:$0x5], $0x1, s2, s28, $0xb8;
	[tilespmem:$0x1D580] =	vst v63  }
0x137: {  	_ =	swait.ge [sflag:s10], $0x4000  }
0x138: {  	[sflag:s10] =	ssyncset.done $0x0  }
0x139: {  	[sflag:s10] =	ssyncadd.s32 $0xFFFFC000  }
0x13a: {  	_ =	swait.ge [sflag:s16], $0x80  }
0x13b: {  	[sflag:s16] =	ssyncset.done $0x0  }
0x13c: {  	s19 =	simm.s32 $0x14980;
	[sflag:s16] =	ssyncadd.s32 $0xFFFFFF80  }
0x13d: {  	[tilespmem:s29], [sflag:$0x1] =	stream.indirect.gather [hbm4b:s1+s28], $0x80, s19, s28, $0xb8;
	[tilespmem:$0x1D580] =	vst v63  }
0x13e: {  	_ =	swait.ge [sflag:s18], $0x4000  }
0x13f: {  	[sflag:s18] =	ssyncset.done $0x0  }
0x140: {  	s30 =	simm.s32 $0x15100;
	[sflag:s18] =	ssyncadd.s32 $0xFFFFC000  }
0x141: {  	[spmem:s3] =	stream.indirect.scatter.add.f32 [tilespmem:s31], [sflag:$0x4], $0x80, s30, s28, $0xb8;
	[tilespmem:$0x1D580] =	vst v63  }
0x142: {  	_ = 	snop  }
0x143: {  	[spmem:s5] =	stream.indirect.scatter.add.f32 [tilespmem:s6], [sflag:$0x6], $0x1, s30, s28, $0xb8;
	[tilespmem:$0x1D580] =	vst v63  }
0x144: {  	_ =	swait.ge [sflag:s20], $0x4000  }
0x145: {  	[sflag:s20] =	ssyncset.done $0x0  }
0x146: {  	[sflag:s20] =	ssyncadd.s32 $0xFFFFC000  }
0x147: {  	_ =	swait.ge [sflag:s21], $0x80  }
0x148: {  	[sflag:s21] =	ssyncset.done $0x0  }
0x149: {  	s0 =	simm.s32 $0x14A00;
	[sflag:s21] =	ssyncadd.s32 $0xFFFFFF80  }
0x14a: {  	[tilespmem:s31], [sflag:$0x2] =	stream.indirect.gather [hbm4b:s1+s28], $0x80, s0, s28, $0xb8;
	[tilespmem:$0x1D580] =	vst v63  }
0x14b: {  	_ =	swait.ge [sflag:s24], $0x4000  }
0x14c: {  	[sflag:s24] =	ssyncset.done $0x0  }
0x14d: {  	s19 =	simm.s32 $0x15180;
	[sflag:s24] =	ssyncadd.s32 $0xFFFFC000  }
0x14e: {  	[spmem:s3] =	stream.indirect.scatter.add.f32 [tilespmem:s29], [sflag:$0x3], $0x80, s19, s28, $0xb8;
	[tilespmem:$0x1D580] =	vst v63  }
0x14f: {  	_ = 	snop  }
0x150: {  	[spmem:s5] =	stream.indirect.scatter.add.f32 [tilespmem:s6], [sflag:$0x5], $0x1, s19, s28, $0xb8;
	[tilespmem:$0x1D580] =	vst v63  }
0x151: {  	_ =	swait.ge [sflag:s10], $0x4000  }
0x152: {  	[sflag:s10] =	ssyncset.done $0x0  }
0x153: {  	[sflag:s10] =	ssyncadd.s32 $0xFFFFC000  }
0x154: {  	_ =	swait.ge [sflag:s16], $0x80  }
0x155: {  	[sflag:s16] =	ssyncset.done $0x0  }
0x156: {  	s30 =	simm.s32 $0x14280;
	[sflag:s16] =	ssyncadd.s32 $0xFFFFFF80  }
0x157: {  	[tilespmem:s29], [sflag:$0x1] =	stream.indirect.gather [hbm4b:s1+s28], $0x80, s30, s28, $0xb8;
	[tilespmem:$0x1D580] =	vst v63  }
0x158: {  	_ =	swait.ge [sflag:s18], $0x4000  }
0x159: {  	[sflag:s18] =	ssyncset.done $0x0  }
0x15a: {  	s19 =	simm.s32 $0x15200;
	[sflag:s18] =	ssyncadd.s32 $0xFFFFC000  }
0x15b: {  	[spmem:s3] =	stream.indirect.scatter.add.f32 [tilespmem:s31], [sflag:$0x4], $0x80, s19, s28, $0xb8;
	[tilespmem:$0x1D580] =	vst v63  }
0x15c: {  	_ = 	snop  }
0x15d: {  	[spmem:s5] =	stream.indirect.scatter.add.f32 [tilespmem:s6], [sflag:$0x6], $0x1, s19, s28, $0xb8;
	[tilespmem:$0x1D580] =	vst v63  }
0x15e: {  	s17 =	sadd.s32 $0x1, s17;
	_ =	swait.ge [sflag:s20], $0x4000  }
0x15f: {  	p3 =	sne.s32 s17, $0xA;
	[sflag:s20] =	ssyncset.done $0x0  }
.Ltmp3:
0x160: {  	[sflag:s20] =	ssyncadd.s32 $0xFFFFC000;
	(pc) =	sbr.rel @p3 .LBB2_4-.Ltmp3, $4  }
0x161: {  	_ =	swait.ge [sflag:s21], $0x80  }
0x162: {  	s2 =	simm.s32 $0x15100;
	[sflag:s21] =	ssyncset.done $0x0  }
0x163: {  	s0 =	simm.s32 $0x15180;
	s30 =	simm.s32 $0x14300;
	[sflag:s21] =	ssyncadd.s32 $0xFFFFFF80  }
0x164: {  	[tilespmem:s31], [sflag:$0x2] =	stream.indirect.gather [hbm4b:s1+s28], $0x80, s30, s28, $0xb8;
	[tilespmem:$0x1D580] =	vst v63  }
0x165: {  	_ =	swait.ge [sflag:s24], $0x4000  }
0x166: {  	[sflag:s24] =	ssyncset.done $0x0  }
0x167: {  	[sflag:s24] =	ssyncadd.s32 $0xFFFFC000  }
0x168: {  	_ =	swait.ge [sflag:s18], $0x4000  }
0x169: {  	[sflag:s18] =	ssyncset.done $0x0  }
0x16a: {  	[sflag:s18] =	ssyncadd.s32 $0xFFFFC000  }
0x16b: {  	[bflag:$0x0] =	sbarrier.arrive $0xFFFF  }
0x16c: {  	s12 =	rddreg [dreg:$0xc]  }
0x16d: {  	s19 =	rddreg [dreg:$0x8]  }
0x16e: {  	s4 =	sshrl.u32 @!p1 s12, $0x3;
	s12 =	rddreg [dreg:$0xd]  }
0x16f: {  	[dreg:$0x15] =	wrdreg s4  }
0x170: {  	[hbm:s12], [sflag:s19] =	dma.local @!p1 [spmem:s4], $0x3E80  }
0x171: {  	s12 =	simm.s32 @!p1 $0x7  }
0x172: {  	_ =	swait.ge @!p1 [sflag:s12], $0x3E80  }
0x173: {  	[sflag:s12] =	ssyncset.done @!p1 $0x0  }
0x174: {  	s14 =	rddreg [dreg:$0xe];
	[sflag:s12] =	ssyncadd.s32 @!p1 $0xFFFFC180;
	s12 =	simm.s32 @!p2 $0x15300  }
0x175: {  	[tilespmem:s12], [sflag:$0x7] =	stream.linear.gather @!p2 [spmem:s14], $0x190, $0x38;
	[tilespmem:$0x1D580] =	vst v63  }
0x176: {  	s14 =	simm.s32 @!p2 $0x7  }
0x177: {  	_ =	swait.ge @!p2 [sflag:s14], $0x190  }
0x178: {  	[sflag:s14] =	ssyncset.done @!p2 $0x0  }
0x179: {  	s17 =	simm.s32 @!p2 $0x0;
	s30 =	rddreg [dreg:$0xf];
	[sflag:s14] =	ssyncadd.s32 @!p2 $0xFFFFFE70  }
0x17a: {  	[hbm4b:s30+s17] =	stream.linear.scatter @!p2 [tilespmem:s12], [sflag:$0x7], $0x190, $0x38;
	[tilespmem:$0x1D580] =	vst v63  }
0x17b: {  	_ =	swait.ge @!p2 [sflag:s14], $0x190  }
0x17c: {  	[sflag:s14] =	ssyncset.done @!p2 $0x0  }
0x17d: {  	s12 =	simm.s32 @p0 $0x15300;
	[sflag:s14] =	ssyncadd.s32 @!p2 $0xFFFFFE70;
	s14 =	rddreg [dreg:$0x9]  }
0x17e: {  	[tilespmem:s12], [sflag:$0x7] =	stream.linear.gather @p0 [spmem:s14], $0x280, $0x38;
	[tilespmem:$0x1D580] =	vst v63  }
0x17f: {  	s14 =	simm.s32 @p0 $0x7  }
0x180: {  	_ =	swait.ge @p0 [sflag:s14], $0x280  }
0x181: {  	[sflag:s14] =	ssyncset.done @p0 $0x0  }
0x182: {  	s17 =	simm.s32 @p0 $0x0;
	s30 =	rddreg [dreg:$0x10];
	[sflag:s14] =	ssyncadd.s32 @p0 $0xFFFFFD80  }
0x183: {  	[hbm4b:s30+s17] =	stream.linear.scatter @p0 [tilespmem:s12], [sflag:$0x7], $0x280, $0x38;
	[tilespmem:$0x1D580] =	vst v63  }
0x184: {  	_ =	swait.ge @p0 [sflag:s14], $0x280  }
0x185: {  	[sflag:s14] =	ssyncset.done @p0 $0x0  }
0x186: {  	[sflag:s14] =	ssyncadd.s32 @p0 $0xFFFFFD80  }
0x187: {  	[bflag:$0x0] =	sbarrier.arrive $0xFFFF  }
0x188: {  	s4 =	rddreg [dreg:$0x6]  }
0x189: {  	s14 =	rddreg [dreg:$0x14]  }
0x18a: {  	[spmem:s14], [sflag:s19] =	dma.local [hbm:s4], $0x2800  }
0x18b: {  	_ =	swait.ge [sflag:s23], $0x2800  }
0x18c: {  	s12 =	simm.s32 $0x0;
	[sflag:s23] =	ssyncset.done $0x0  }
0x18d: {  	s19 =	simm.s32 $0x14280;
	s17 =	rddreg [dreg:$0xa];
	[sflag:s23] =	ssyncadd.s32 $0xFFFFD800  }
0x18e: {  	[tilespmem:s19], [sflag:$0x7] =	stream.linear.gather [hbm4b:s17+s12], $0x400, $0x38;
	[tilespmem:$0x1D580] =	vst v63  }
0x18f: {  	_ =	swait.ge [sflag:s23], $0x400  }
0x190: {  	[sflag:s23] =	ssyncset.done $0x0  }
0x191: {  	s30 =	rddreg [dreg:$0xb];
	[sflag:s23] =	ssyncadd.s32 $0xFFFFFC00  }
0x192: {  	[tilespmem:s26], [sflag:$0x7] =	stream.linear.gather [hbm4b:s30+s12], $0x400, $0x38;
	[tilespmem:$0x1D580] =	vst v63  }
0x193: {  	_ =	swait.ge [sflag:s23], $0x400  }
0x194: {  	[sflag:s23] =	ssyncset.done $0x0  }
0x195: {  	s14 =	simm.s32 $0x40;
	s12 =	simm.s32 $0x0;
	[sflag:s23] =	ssyncadd.s32 $0xFFFFFC00  }
.LBB2_10:
0x196: {  	p3 =	sne.s32 s14, $0xFC0;
	v4 =	vld [tilespmem:s12+$0x14280];
	_ =	sdelay $0x1  }
.Ltmp4:
0x197: {  	(pc) =	sbr.rel @p3 .LBB2_10-.Ltmp4, $3  }
0x198: {  	_ =	sdelay $0x1  }
0x199: {  	v4 =	vadd.s32 v1, v4  }
0x19a: {  	[tilespmem:s12+$0x14280] =	vst v4;
	s12 =	sshra.s32 s14, $0x2;
	s14 =	sadd.s32 $0x40, s14  }
0x19b: {  	v4 =	vld [tilespmem:s12+$0x14280];
	_ =	sdelay $0x4  }
0x19c: {  	v4 =	vadd.s32 v1, v4  }
0x19d: {  	[tilespmem:s12+$0x14280] =	vst v4  }
0x19e: {  	s26 =	simm.s32 $0x14280;
	s30 =	simm.s32 $0x14300;
	[bflag:$0x0] =	sbarrier.arrive $0xFFFF  }
0x19f: {  	[tilespmem:s29], [sflag:$0x1] =	stream.indirect.gather [hbm4b:s1+s28], $0x80, s26, s28, $0xb8;
	[tilespmem:$0x1D580] =	vst v63  }
0x1a0: {  	s14 =	simm.s32 $0x0;
	s17 =	simm.s32 $0x0;
	s26 =	simm.s32 $0x14E80  }
0x1a1: {  	[tilespmem:s31], [sflag:$0x2] =	stream.indirect.gather [hbm4b:s1+s28], $0x80, s30, s28, $0xb8;
	[tilespmem:$0x1D580] =	vst v63  }
.LBB2_12:
0x1a2: {  	s12 =	sshllo.u32 s17, $0x1  }
0x1a3: {  	s19 =	sshll.u32 s12, $0xA  }
0x1a4: {  	s19 =	sadd.s32 s9, s19  }
0x1a5: {  	s30 =	rddreg [dreg:$0x1];
	s19 =	sshrl.u32 s19, $0x3  }
0x1a6: {  	s19 =	sadd.s32 s30, s19;
	s30 =	simm.s32 $0x14680  }
0x1a7: {  	[tilespmem:s30], [sflag:$0x7] =	stream.linear.gather [hbm4b:s19+s14], $0x400, $0x38;
	[tilespmem:$0x1D580] =	vst v63  }
0x1a8: {  	s12 =	sadd.s32 s15, s12;
	_ =	swait.ge [sflag:s23], $0x400  }
0x1a9: {  	s12 =	sshll.u32 s12, $0x7;
	[sflag:s23] =	ssyncset.done $0x0  }
0x1aa: {  	s12 =	sadd.s32 s7, s12;
	[sflag:s23] =	ssyncadd.s32 $0xFFFFFC00  }
0x1ab: {  	[tilespmem:s26], [sflag:$0x7] =	stream.linear.gather [hbm4b:s12+s14], $0x400, $0x38;
	[tilespmem:$0x1D580] =	vst v63  }
0x1ac: {  	_ =	swait.ge [sflag:s23], $0x400  }
0x1ad: {  	s30 =	simm.s32 $0x0;
	[sflag:s23] =	ssyncset.done $0x0  }
0x1ae: {  	s19 =	simm.s32 $0x40;
	s12 =	sshll.u32 s17, $0x1;
	[sflag:s23] =	ssyncadd.s32 $0xFFFFFC00  }
.LBB2_13:
0x1af: {  	p3 =	sne.s32 s19, $0xFC0;
	v4 =	vld [tilespmem:s30+$0x14680];
	_ =	sdelay $0x1  }
.Ltmp5:
0x1b0: {  	(pc) =	sbr.rel @p3 .LBB2_13-.Ltmp5, $3  }
0x1b1: {  	_ =	sdelay $0x1  }
0x1b2: {  	v4 =	vadd.s32 v1, v4  }
0x1b3: {  	[tilespmem:s30+$0x14680] =	vst v4;
	s30 =	sshra.s32 s19, $0x2;
	s19 =	sadd.s32 $0x40, s19  }
0x1b4: {  	v4 =	vld [tilespmem:s30+$0x14680];
	_ =	sdelay $0x4  }
0x1b5: {  	v4 =	vadd.s32 v1, v4  }
0x1b6: {  	[tilespmem:s30+$0x14680] =	vst v4  }
0x1b7: {  	_ =	swait.ge [sflag:s24], $0x4000  }
0x1b8: {  	[sflag:s24] =	ssyncset.done $0x0  }
0x1b9: {  	s26 =	simm.s32 $0x14A80;
	[sflag:s24] =	ssyncadd.s32 $0xFFFFC000  }
0x1ba: {  	[spmem:s3] =	stream.indirect.scatter.add.f32 [tilespmem:s29], [sflag:$0x3], $0x80, s26, s28, $0xb8;
	[tilespmem:$0x1D580] =	vst v63  }
0x1bb: {  	_ =	swait.ge [sflag:s10], $0x4000  }
0x1bc: {  	[sflag:s10] =	ssyncset.done $0x0  }
0x1bd: {  	s19 =	simm.s32 $0x14380;
	[sflag:s10] =	ssyncadd.s32 $0xFFFFC000  }
0x1be: {  	[tilespmem:s29], [sflag:$0x1] =	stream.indirect.gather [hbm4b:s1+s28], $0x80, s19, s28, $0xb8;
	[tilespmem:$0x1D580] =	vst v63  }
0x1bf: {  	_ =	swait.ge [sflag:s18], $0x4000  }
0x1c0: {  	[sflag:s18] =	ssyncset.done $0x0  }
0x1c1: {  	s30 =	simm.s32 $0x14B00;
	[sflag:s18] =	ssyncadd.s32 $0xFFFFC000  }
0x1c2: {  	[spmem:s3] =	stream.indirect.scatter.add.f32 [tilespmem:s31], [sflag:$0x4], $0x80, s30, s28, $0xb8;
	[tilespmem:$0x1D580] =	vst v63  }
0x1c3: {  	_ =	swait.ge [sflag:s20], $0x4000  }
0x1c4: {  	[sflag:s20] =	ssyncset.done $0x0  }
0x1c5: {  	s4 =	simm.s32 $0x14400;
	[sflag:s20] =	ssyncadd.s32 $0xFFFFC000  }
0x1c6: {  	[tilespmem:s31], [sflag:$0x2] =	stream.indirect.gather [hbm4b:s1+s28], $0x80, s4, s28, $0xb8;
	[tilespmem:$0x1D580] =	vst v63  }
0x1c7: {  	_ =	swait.ge [sflag:s24], $0x4000  }
0x1c8: {  	[sflag:s24] =	ssyncset.done $0x0  }
0x1c9: {  	s30 =	simm.s32 $0x14B80;
	[sflag:s24] =	ssyncadd.s32 $0xFFFFC000  }
0x1ca: {  	[spmem:s3] =	stream.indirect.scatter.add.f32 [tilespmem:s29], [sflag:$0x3], $0x80, s30, s28, $0xb8;
	[tilespmem:$0x1D580] =	vst v63  }
0x1cb: {  	_ =	swait.ge [sflag:s10], $0x4000  }
0x1cc: {  	[sflag:s10] =	ssyncset.done $0x0  }
0x1cd: {  	s4 =	simm.s32 $0x14480;
	[sflag:s10] =	ssyncadd.s32 $0xFFFFC000  }
0x1ce: {  	[tilespmem:s29], [sflag:$0x1] =	stream.indirect.gather [hbm4b:s1+s28], $0x80, s4, s28, $0xb8;
	[tilespmem:$0x1D580] =	vst v63  }
0x1cf: {  	_ =	swait.ge [sflag:s18], $0x4000  }
0x1d0: {  	[sflag:s18] =	ssyncset.done $0x0  }
0x1d1: {  	s30 =	simm.s32 $0x14C00;
	[sflag:s18] =	ssyncadd.s32 $0xFFFFC000  }
0x1d2: {  	[spmem:s3] =	stream.indirect.scatter.add.f32 [tilespmem:s31], [sflag:$0x4], $0x80, s30, s28, $0xb8;
	[tilespmem:$0x1D580] =	vst v63  }
0x1d3: {  	_ =	swait.ge [sflag:s20], $0x4000  }
0x1d4: {  	[sflag:s20] =	ssyncset.done $0x0  }
0x1d5: {  	s4 =	simm.s32 $0x14500;
	[sflag:s20] =	ssyncadd.s32 $0xFFFFC000  }
0x1d6: {  	[tilespmem:s31], [sflag:$0x2] =	stream.indirect.gather [hbm4b:s1+s28], $0x80, s4, s28, $0xb8;
	[tilespmem:$0x1D580] =	vst v63  }
0x1d7: {  	_ =	swait.ge [sflag:s24], $0x4000  }
0x1d8: {  	[sflag:s24] =	ssyncset.done $0x0  }
0x1d9: {  	s30 =	simm.s32 $0x14C80;
	[sflag:s24] =	ssyncadd.s32 $0xFFFFC000  }
0x1da: {  	[spmem:s3] =	stream.indirect.scatter.add.f32 [tilespmem:s29], [sflag:$0x3], $0x80, s30, s28, $0xb8;
	[tilespmem:$0x1D580] =	vst v63  }
0x1db: {  	_ =	swait.ge [sflag:s10], $0x4000  }
0x1dc: {  	[sflag:s10] =	ssyncset.done $0x0  }
0x1dd: {  	s4 =	simm.s32 $0x14580;
	[sflag:s10] =	ssyncadd.s32 $0xFFFFC000  }
0x1de: {  	[tilespmem:s29], [sflag:$0x1] =	stream.indirect.gather [hbm4b:s1+s28], $0x80, s4, s28, $0xb8;
	[tilespmem:$0x1D580] =	vst v63  }
0x1df: {  	_ =	swait.ge [sflag:s18], $0x4000  }
0x1e0: {  	[sflag:s18] =	ssyncset.done $0x0  }
0x1e1: {  	s30 =	simm.s32 $0x14D00;
	[sflag:s18] =	ssyncadd.s32 $0xFFFFC000  }
0x1e2: {  	[spmem:s3] =	stream.indirect.scatter.add.f32 [tilespmem:s31], [sflag:$0x4], $0x80, s30, s28, $0xb8;
	[tilespmem:$0x1D580] =	vst v63  }
0x1e3: {  	_ =	swait.ge [sflag:s20], $0x4000  }
0x1e4: {  	[sflag:s20] =	ssyncset.done $0x0  }
0x1e5: {  	s4 =	simm.s32 $0x14600;
	[sflag:s20] =	ssyncadd.s32 $0xFFFFC000  }
0x1e6: {  	[tilespmem:s31], [sflag:$0x2] =	stream.indirect.gather [hbm4b:s1+s28], $0x80, s4, s28, $0xb8;
	[tilespmem:$0x1D580] =	vst v63  }
0x1e7: {  	_ =	swait.ge [sflag:s24], $0x4000  }
0x1e8: {  	[sflag:s24] =	ssyncset.done $0x0  }
0x1e9: {  	s30 =	simm.s32 $0x14D80;
	[sflag:s24] =	ssyncadd.s32 $0xFFFFC000  }
0x1ea: {  	[spmem:s3] =	stream.indirect.scatter.add.f32 [tilespmem:s29], [sflag:$0x3], $0x80, s30, s28, $0xb8;
	[tilespmem:$0x1D580] =	vst v63  }
0x1eb: {  	_ =	swait.ge [sflag:s10], $0x4000  }
0x1ec: {  	[sflag:s10] =	ssyncset.done $0x0  }
0x1ed: {  	s4 =	simm.s32 $0x14680;
	[sflag:s10] =	ssyncadd.s32 $0xFFFFC000  }
0x1ee: {  	[tilespmem:s29], [sflag:$0x1] =	stream.indirect.gather [hbm4b:s1+s28], $0x80, s4, s28, $0xb8;
	[tilespmem:$0x1D580] =	vst v63  }
0x1ef: {  	_ =	swait.ge [sflag:s18], $0x4000  }
0x1f0: {  	[sflag:s18] =	ssyncset.done $0x0  }
0x1f1: {  	s30 =	simm.s32 $0x14E00;
	[sflag:s18] =	ssyncadd.s32 $0xFFFFC000  }
0x1f2: {  	[spmem:s3] =	stream.indirect.scatter.add.f32 [tilespmem:s31], [sflag:$0x4], $0x80, s30, s28, $0xb8;
	[tilespmem:$0x1D580] =	vst v63  }
0x1f3: {  	s12 =	sadd.s32 $0x2, s12;
	_ =	swait.ge [sflag:s20], $0x4000  }
0x1f4: {  	s30 =	sshll.u32 s12, $0xA;
	[sflag:s20] =	ssyncset.done $0x0  }
0x1f5: {  	s4 =	simm.s32 $0x14700;
	s19 =	sadd.s32 s9, s30;
	[sflag:s20] =	ssyncadd.s32 $0xFFFFC000  }
0x1f6: {  	[tilespmem:s31], [sflag:$0x2] =	stream.indirect.gather [hbm4b:s1+s28], $0x80, s4, s28, $0xb8;
	[tilespmem:$0x1D580] =	vst v63  }
0x1f7: {  	s19 =	sshrl.u32 s19, $0x3;
	s4 =	rddreg [dreg:$0x1]  }
0x1f8: {  	s30 =	simm.s32 $0x0;
	s19 =	sadd.s32 s4, s19;
	s4 =	simm.s32 $0x14280  }
0x1f9: {  	[tilespmem:s4], [sflag:$0x7] =	stream.linear.gather [hbm4b:s19+s30], $0x400, $0x38;
	[tilespmem:$0x1D580] =	vst v63  }
0x1fa: {  	s12 =	sadd.s32 s15, s12;
	_ =	swait.ge [sflag:s23], $0x400  }
0x1fb: {  	s12 =	sshll.u32 s12, $0x7;
	[sflag:s23] =	ssyncset.done $0x0  }
0x1fc: {  	s12 =	sadd.s32 s7, s12;
	[sflag:s23] =	ssyncadd.s32 $0xFFFFFC00  }
0x1fd: {  	[tilespmem:s26], [sflag:$0x7] =	stream.linear.gather [hbm4b:s12+s30], $0x400, $0x38;
	[tilespmem:$0x1D580] =	vst v63  }
0x1fe: {  	_ =	swait.ge [sflag:s23], $0x400  }
0x1ff: {  	[sflag:s23] =	ssyncset.done $0x0  }
0x200: {  	s19 =	simm.s32 $0x40;
	s12 =	simm.s32 $0x0;
	[sflag:s23] =	ssyncadd.s32 $0xFFFFFC00  }
.LBB2_15:
0x201: {  	p3 =	sne.s32 s19, $0xFC0;
	v4 =	vld [tilespmem:s12+$0x14280];
	_ =	sdelay $0x1  }
.Ltmp6:
0x202: {  	(pc) =	sbr.rel @p3 .LBB2_15-.Ltmp6, $3  }
0x203: {  	_ =	sdelay $0x1  }
0x204: {  	v4 =	vadd.s32 v1, v4  }
0x205: {  	[tilespmem:s12+$0x14280] =	vst v4;
	s12 =	sshra.s32 s19, $0x2;
	s19 =	sadd.s32 $0x40, s19  }
0x206: {  	v4 =	vld [tilespmem:s12+$0x14280];
	_ =	sdelay $0x4  }
0x207: {  	v4 =	vadd.s32 v1, v4  }
0x208: {  	[tilespmem:s12+$0x14280] =	vst v4  }
0x209: {  	_ =	swait.ge [sflag:s24], $0x4000  }
0x20a: {  	[sflag:s24] =	ssyncset.done $0x0  }
0x20b: {  	s26 =	simm.s32 $0x14E80;
	[sflag:s24] =	ssyncadd.s32 $0xFFFFC000  }
0x20c: {  	[spmem:s3] =	stream.indirect.scatter.add.f32 [tilespmem:s29], [sflag:$0x3], $0x80, s26, s28, $0xb8;
	[tilespmem:$0x1D580] =	vst v63  }
0x20d: {  	_ =	swait.ge [sflag:s10], $0x4000  }
0x20e: {  	[sflag:s10] =	ssyncset.done $0x0  }
0x20f: {  	s30 =	simm.s32 $0x14780;
	[sflag:s10] =	ssyncadd.s32 $0xFFFFC000  }
0x210: {  	[tilespmem:s29], [sflag:$0x1] =	stream.indirect.gather [hbm4b:s1+s28], $0x80, s30, s28, $0xb8;
	[tilespmem:$0x1D580] =	vst v63  }
0x211: {  	_ =	swait.ge [sflag:s18], $0x4000  }
0x212: {  	[sflag:s18] =	ssyncset.done $0x0  }
0x213: {  	[sflag:s18] =	ssyncadd.s32 $0xFFFFC000  }
0x214: {  	[spmem:s3] =	stream.indirect.scatter.add.f32 [tilespmem:s31], [sflag:$0x4], $0x80, s13, s28, $0xb8;
	[tilespmem:$0x1D580] =	vst v63  }
0x215: {  	_ =	swait.ge [sflag:s20], $0x4000  }
0x216: {  	[sflag:s20] =	ssyncset.done $0x0  }
0x217: {  	s4 =	simm.s32 $0x14800;
	[sflag:s20] =	ssyncadd.s32 $0xFFFFC000  }
0x218: {  	[tilespmem:s31], [sflag:$0x2] =	stream.indirect.gather [hbm4b:s1+s28], $0x80, s4, s28, $0xb8;
	[tilespmem:$0x1D580] =	vst v63  }
0x219: {  	_ =	swait.ge [sflag:s24], $0x4000  }
0x21a: {  	[sflag:s24] =	ssyncset.done $0x0  }
0x21b: {  	[sflag:s24] =	ssyncadd.s32 $0xFFFFC000  }
0x21c: {  	[spmem:s3] =	stream.indirect.scatter.add.f32 [tilespmem:s29], [sflag:$0x3], $0x80, s11, s28, $0xb8;
	[tilespmem:$0x1D580] =	vst v63  }
0x21d: {  	_ =	swait.ge [sflag:s10], $0x4000  }
0x21e: {  	[sflag:s10] =	ssyncset.done $0x0  }
0x21f: {  	s19 =	simm.s32 $0x14880;
	[sflag:s10] =	ssyncadd.s32 $0xFFFFC000  }
0x220: {  	[tilespmem:s29], [sflag:$0x1] =	stream.indirect.gather [hbm4b:s1+s28], $0x80, s19, s28, $0xb8;
	[tilespmem:$0x1D580] =	vst v63  }
0x221: {  	_ =	swait.ge [sflag:s18], $0x4000  }
0x222: {  	[sflag:s18] =	ssyncset.done $0x0  }
0x223: {  	[sflag:s18] =	ssyncadd.s32 $0xFFFFC000  }
0x224: {  	[spmem:s3] =	stream.indirect.scatter.add.f32 [tilespmem:s31], [sflag:$0x4], $0x80, s22, s28, $0xb8;
	[tilespmem:$0x1D580] =	vst v63  }
0x225: {  	_ =	swait.ge [sflag:s20], $0x4000  }
0x226: {  	[sflag:s20] =	ssyncset.done $0x0  }
0x227: {  	s30 =	simm.s32 $0x14900;
	[sflag:s20] =	ssyncadd.s32 $0xFFFFC000  }
0x228: {  	[tilespmem:s31], [sflag:$0x2] =	stream.indirect.gather [hbm4b:s1+s28], $0x80, s30, s28, $0xb8;
	[tilespmem:$0x1D580] =	vst v63  }
0x229: {  	_ =	swait.ge [sflag:s24], $0x4000  }
0x22a: {  	[sflag:s24] =	ssyncset.done $0x0  }
0x22b: {  	[sflag:s24] =	ssyncadd.s32 $0xFFFFC000  }
0x22c: {  	[spmem:s3] =	stream.indirect.scatter.add.f32 [tilespmem:s29], [sflag:$0x3], $0x80, s8, s28, $0xb8;
	[tilespmem:$0x1D580] =	vst v63  }
0x22d: {  	_ =	swait.ge [sflag:s10], $0x4000  }
0x22e: {  	[sflag:s10] =	ssyncset.done $0x0  }
0x22f: {  	s4 =	simm.s32 $0x14980;
	[sflag:s10] =	ssyncadd.s32 $0xFFFFC000  }
0x230: {  	[tilespmem:s29], [sflag:$0x1] =	stream.indirect.gather [hbm4b:s1+s28], $0x80, s4, s28, $0xb8;
	[tilespmem:$0x1D580] =	vst v63  }
0x231: {  	_ =	swait.ge [sflag:s18], $0x4000  }
0x232: {  	[sflag:s18] =	ssyncset.done $0x0  }
0x233: {  	[sflag:s18] =	ssyncadd.s32 $0xFFFFC000  }
0x234: {  	[spmem:s3] =	stream.indirect.scatter.add.f32 [tilespmem:s31], [sflag:$0x4], $0x80, s2, s28, $0xb8;
	[tilespmem:$0x1D580] =	vst v63  }
0x235: {  	_ =	swait.ge [sflag:s20], $0x4000  }
0x236: {  	[sflag:s20] =	ssyncset.done $0x0  }
0x237: {  	s19 =	simm.s32 $0x14A00;
	[sflag:s20] =	ssyncadd.s32 $0xFFFFC000  }
0x238: {  	[tilespmem:s31], [sflag:$0x2] =	stream.indirect.gather [hbm4b:s1+s28], $0x80, s19, s28, $0xb8;
	[tilespmem:$0x1D580] =	vst v63  }
0x239: {  	_ =	swait.ge [sflag:s24], $0x4000  }
0x23a: {  	[sflag:s24] =	ssyncset.done $0x0  }
0x23b: {  	[sflag:s24] =	ssyncadd.s32 $0xFFFFC000  }
0x23c: {  	[spmem:s3] =	stream.indirect.scatter.add.f32 [tilespmem:s29], [sflag:$0x3], $0x80, s0, s28, $0xb8;
	[tilespmem:$0x1D580] =	vst v63  }
0x23d: {  	_ =	swait.ge [sflag:s10], $0x4000  }
0x23e: {  	[sflag:s10] =	ssyncset.done $0x0  }
0x23f: {  	s4 =	simm.s32 $0x14280;
	[sflag:s10] =	ssyncadd.s32 $0xFFFFC000  }
0x240: {  	[tilespmem:s29], [sflag:$0x1] =	stream.indirect.gather [hbm4b:s1+s28], $0x80, s4, s28, $0xb8;
	[tilespmem:$0x1D580] =	vst v63  }
0x241: {  	_ =	swait.ge [sflag:s18], $0x4000  }
0x242: {  	s17 =	sadd.s32 $0x1, s17;
	[sflag:s18] =	ssyncset.done $0x0  }
0x243: {  	p3 =	sne.s32 s17, $0xA;
	[sflag:s18] =	ssyncadd.s32 $0xFFFFC000  }
0x244: {  	[spmem:s3] =	stream.indirect.scatter.add.f32 [tilespmem:s31], [sflag:$0x4], $0x80, s25, s28, $0xb8;
	[tilespmem:$0x1D580] =	vst v63  }
.Ltmp7:
0x245: {  	_ = 	snop;
	(pc) =	sbr.rel @p3 .LBB2_12-.Ltmp7, $4  }
0x246: {  	_ =	swait.ge [sflag:s20], $0x4000  }
0x247: {  	[sflag:s20] =	ssyncset.done $0x0  }
0x248: {  	s30 =	simm.s32 $0x14300;
	[sflag:s20] =	ssyncadd.s32 $0xFFFFC000  }
0x249: {  	[tilespmem:s31], [sflag:$0x2] =	stream.indirect.gather [hbm4b:s1+s28], $0x80, s30, s28, $0xb8;
	[tilespmem:$0x1D580] =	vst v63  }
0x24a: {  	_ =	swait.ge [sflag:s24], $0x4000  }
0x24b: {  	[sflag:s24] =	ssyncset.done $0x0  }
0x24c: {  	[sflag:s24] =	ssyncadd.s32 $0xFFFFC000  }
0x24d: {  	_ =	swait.ge [sflag:s18], $0x4000  }
0x24e: {  	[sflag:s18] =	ssyncset.done $0x0  }
0x24f: {  	[sflag:s18] =	ssyncadd.s32 $0xFFFFC000  }
0x250: {  	[bflag:$0x0] =	sbarrier.arrive $0xFFFF  }
0x251: {  	s19 =	rddreg [dreg:$0x8]  }
0x252: {  	s12 =	rddreg [dreg:$0x11]  }
0x253: {  	s0 =	rddreg [dreg:$0x15]  }
0x254: {  	[hbm:s12], [sflag:s19] =	dma.local @!p1 [spmem:s0], $0x3E80  }
0x255: {  	s12 =	simm.s32 @!p1 $0x7  }
0x256: {  	_ =	swait.ge @!p1 [sflag:s12], $0x3E80  }
0x257: {  	s26 =	rddreg [dreg:$0x13]  }
0x258: {  	s30 =	rddreg [dreg:$0x12];
	s0 =	sadd.s32 $0x1, s26  }
0x259: {  	p3 =	sne.s32 s0, s30  }
.Ltmp8:
0x25a: {  	_ = 	snop;
	(pc) =	sbr.rel @p3 .LBB2_1-.Ltmp8, $4  }
0x25b: {  	[sflag:s12] =	ssyncset.done @!p1 $0x0  }
0x25c: {  	[sflag:s12] =	ssyncadd.s32 @!p1 $0xFFFFC180  }
0x25d: {  	[bflag:$0x0] =	sbarrier.arrive $0xFFFF  }
0x25e: {  	s4 =	simm.s32 $0x14E80;
	s26 =	simm.s32 $0x14A80  }
0x25f: {  	_ =	sfence.sel $0x180000  }
0x260: {  	[bflag:$0x0] =	sbarrier.arrive $0xFFFF  }
0x261: {  	_ =	strace $0x90000047  }
0x262: {  	s0 =	stileid.u32;
	[bflag:$0x2] =	sbarrier.arrive $0xFFFF  }
0x263: {  	p0 =	sne.s32 s0, $0x0;
	s0 =	rddreg [dreg:$0x5]  }
0x264: {  	s0 =	sadd.s32 @!p0 $0x100000, s0  }
0x265: {  	[sflag:s0] =	ssyncadd.tile.s32 @!p0 $0x1;
	_ =	shalt  }
.Lfunc_end2:
_tile_overlayer_lowered:
.L_overlay_start_2:
0x266: {  	(tag) =	ssettag $0x2  }
0x267: {  	s0 =	rddreg [dreg:$0x0];
	s2 =	stileid.u32  }
0x268: {  	s1 =	rddreg [dreg:$0x1];
	p0 =	sne.s32 s2, $0x0  }
0x269: {  	s3 =	rddreg [dreg:$0x2];
	[bflag:$0x3] =	sbarrier.arrive $0xFFFF;
	s2 =	simm.s32 @!p0 $0x1C07  }
0x26a: {  	[timem:s3], [sflag:s2] =	dma.local @!p0 [hbm:s0], s1  }
0x26b: {  	s0 =	simm.s32 @!p0 $0x7  }
0x26c: {  	_ =	swait.ge @!p0 [sflag:s0], s1  }
0x26d: {  	s1 =	ssub.s32 @!p0 $0x0, s1;
	[sflag:s0] =	ssyncset.done @!p0 $0x0  }
0x26e: {  	[sflag:s0] =	ssyncadd.s32 @!p0 s1  }
0x26f: {  	[bflag:$0x3] =	sbarrier.arrive $0xFFFF  }
0x270: {  	_ =	shalt  }

</sc_bundles>
